<compile_context>
chip_gen: v7x
topology: tpu7x:2x2x1
jax: 0.10.2.dev20260603
libtpu: 0.0.44.dev20260713+nightly
codegen_flags: <defaults>
</compile_context>

<pallas_src>
import functools

import jax
import jax.numpy as jnp
from jax import lax
from jax.experimental import pallas as pl
from jax.experimental.pallas import tpu as pltpu
from jax.experimental.pallas import tpu_sc as plsc

_i32 = jnp.int32
_f32 = jnp.float32

H = 128
N_GRAPHS = 64
NC, NS, LANES = 2, 16, 16
NW = NC * NS
CH = 64
CE = 128
BN = 512


def _emb_gather(x_pad, emb):
    n_pad = x_pad.shape[0]
    rows_w = n_pad // NW
    nch = rows_w // CH
    mesh = plsc.VectorSubcoreMesh(core_axis_name="c", subcore_axis_name="s")

    @functools.partial(
        pl.kernel,
        out_type=jax.ShapeDtypeStruct((n_pad, H), _f32),
        mesh=mesh,
        compiler_params=pltpu.CompilerParams(needs_layout_passes=False),
        scratch_types=[
            pltpu.VMEM((CH,), _i32),
            pltpu.VMEM((CH, H), _f32),
            pltpu.SemaphoreType.DMA,
        ],
    )
    def k(x_hbm, emb_hbm, out_hbm, idx_v, rows_v, sem):
        wid = lax.axis_index("s") * NC + lax.axis_index("c")
        base = wid * rows_w
        for j in range(nch):
            pltpu.sync_copy(x_hbm.at[pl.ds(base + j * CH, CH)], idx_v)
            pltpu.async_copy(emb_hbm.at[idx_v], rows_v, sem).wait()
            pltpu.sync_copy(rows_v, out_hbm.at[pl.ds(base + j * CH, CH)])

    return k(x_pad, emb)


def _tc_attn(h, W, a_src, a_dst):
    n_pad = h.shape[0]

    def body(h_ref, w_ref, s_ref, d_ref, ht_ref, as_ref, ad_ref):
        ht = jnp.dot(h_ref[...], w_ref[...], preferred_element_type=_f32)
        ht_ref[...] = ht
        as_ref[...] = jnp.dot(ht, s_ref[...], preferred_element_type=_f32)
        ad_ref[...] = jnp.dot(ht, d_ref[...], preferred_element_type=_f32)

    return pl.pallas_call(
        body,
        grid=(n_pad // BN,),
        in_specs=[
            pl.BlockSpec((BN, H), lambda i: (i, 0)),
            pl.BlockSpec((H, H), lambda i: (0, 0)),
            pl.BlockSpec((H, 1), lambda i: (0, 0)),
            pl.BlockSpec((H, 1), lambda i: (0, 0)),
        ],
        out_specs=[
            pl.BlockSpec((BN, H), lambda i: (i, 0)),
            pl.BlockSpec((BN, 1), lambda i: (i, 0)),
            pl.BlockSpec((BN, 1), lambda i: (i, 0)),
        ],
        out_shape=[
            jax.ShapeDtypeStruct((n_pad, H), _f32),
            jax.ShapeDtypeStruct((n_pad, 1), _f32),
            jax.ShapeDtypeStruct((n_pad, 1), _f32),
        ],
    )(h, W, a_src.reshape(H, 1), a_dst.reshape(H, 1))


def _sc_edge(ht, a_s, a_d, src3, dst3):
    n_pad = ht.shape[0]
    nche = src3.shape[1]
    rows_t = n_pad // NS
    mesh = plsc.VectorSubcoreMesh(core_axis_name="c", subcore_axis_name="s")

    @functools.partial(
        pl.kernel,
        out_type=[
            jax.ShapeDtypeStruct((NC, n_pad, H), _f32),
            jax.ShapeDtypeStruct((NC, n_pad), _f32),
        ],
        mesh=mesh,
        compiler_params=pltpu.CompilerParams(needs_layout_passes=False),
        scratch_types=[
            pltpu.VMEM((n_pad,), _f32),
            pltpu.VMEM((n_pad,), _f32),
            pltpu.VMEM((1, CE), _i32),
            pltpu.VMEM((1, CE), _i32),
            pltpu.VMEM((CE, H), _f32),
            pltpu.VMEM((CE,), _f32),
            pltpu.VMEM_SHARED((n_pad, H), _f32),
            pltpu.VMEM_SHARED((n_pad,), _f32),
            pltpu.SemaphoreType.DMA,
        ],
    )
    def k(ht_hbm, as_hbm, ad_hbm, src_hbm, dst_hbm, u_hbm, den_hbm,
          a_s_v, a_d_v, src_v, dst_v, rows_v, w_v, u_sh, den_sh, sem):
        cid = lax.axis_index("c")
        sid = lax.axis_index("s")
        wid = sid * NC + cid
        zero16 = jnp.zeros((LANES,), _f32)

        def zrow(i, _):
            for c in range(H // LANES):
                rows_v[i, pl.ds(c * LANES, LANES)] = zero16
            return 0
        lax.fori_loop(0, CE, zrow, 0)
        for c in range(CE // LANES):
            w_v[pl.ds(c * LANES, LANES)] = zero16
        for q in range(rows_t // CE):
            pltpu.sync_copy(rows_v, u_sh.at[pl.ds(sid * rows_t + q * CE, CE)])
            pltpu.sync_copy(w_v, den_sh.at[pl.ds(sid * rows_t + q * CE, CE)])

        pltpu.sync_copy(as_hbm, a_s_v)
        pltpu.sync_copy(ad_hbm, a_d_v)
        plsc.subcore_barrier()

        def step(g, _):
            pltpu.sync_copy(src_hbm.at[wid, g], src_v.at[0])
            pltpu.sync_copy(dst_hbm.at[wid, g], dst_v.at[0])
            gat = pltpu.async_copy(ht_hbm.at[src_v.at[0]], rows_v, sem)
            for j in range(CE // LANES):
                s_idx = src_v[0, pl.ds(j * LANES, LANES)]
                d_idx = dst_v[0, pl.ds(j * LANES, LANES)]
                e = plsc.load_gather(a_s_v, [s_idx]) + plsc.load_gather(a_d_v, [d_idx])
                w_v[pl.ds(j * LANES, LANES)] = jnp.exp(jnp.maximum(e, 0.2 * e))
            gat.wait()

            def scale(i, _):
                for t in range(2):
                    kk = 2 * i + t
                    k16 = jnp.full((LANES,), kk, _i32)
                    wk = plsc.load_gather(w_v, [k16])
                    for c in range(H // LANES):
                        rows_v[kk, pl.ds(c * LANES, LANES)] = (
                            rows_v[kk, pl.ds(c * LANES, LANES)] * wk)
                return 0
            lax.fori_loop(0, CE // 2, scale, 0)

            pltpu.sync_copy(rows_v, u_sh.at[dst_v.at[0]], add=True)
            pltpu.sync_copy(w_v, den_sh.at[dst_v.at[0]], add=True)
            return 0
        lax.fori_loop(0, nche, step, 0)

        plsc.subcore_barrier()
        pltpu.sync_copy(u_sh.at[pl.ds(sid * rows_t, rows_t)],
                        u_hbm.at[cid, pl.ds(sid * rows_t, rows_t)])
        pltpu.sync_copy(den_sh.at[pl.ds(sid * rows_t, rows_t)],
                        den_hbm.at[cid, pl.ds(sid * rows_t, rows_t)])

    return k(ht, a_s, a_d, src3, dst3)


def _tc_post(u2, den2, gb, lw, lb):
    n_pad = u2.shape[1]

    def body(u_ref, den_ref, gb_ref, lw_ref, lb_ref, o_ref):
        u = u_ref[0] + u_ref[1]
        den = den_ref[0] + den_ref[1]
        agg = u / jnp.maximum(den, 1e-16) + gb_ref[...]
        hh = jnp.maximum(agg, 0.0)
        o_ref[...] = jnp.dot(hh, lw_ref[...], preferred_element_type=_f32) + lb_ref[...]

    return pl.pallas_call(
        body,
        grid=(n_pad // BN,),
        in_specs=[
            pl.BlockSpec((NC, BN, H), lambda i: (0, i, 0)),
            pl.BlockSpec((NC, BN, 1), lambda i: (0, i, 0)),
            pl.BlockSpec((1, H), lambda i: (0, 0)),
            pl.BlockSpec((H, H), lambda i: (0, 0)),
            pl.BlockSpec((1, H), lambda i: (0, 0)),
        ],
        out_specs=pl.BlockSpec((BN, H), lambda i: (i, 0)),
        out_shape=jax.ShapeDtypeStruct((n_pad, H), _f32),
    )(u2, den2.reshape(NC, n_pad, 1), gb.reshape(1, H), lw, lb.reshape(1, H))


def _tc_pool(h, batch2):
    n_pad = h.shape[0]

    def body(h_ref, b_ref, s_ref, c_ref):
        i = pl.program_id(0)
        onehot = (b_ref[...] == lax.broadcasted_iota(_i32, (BN, N_GRAPHS), 1)
                  ).astype(_f32)
        ps = lax.dot_general(onehot, h_ref[...], (((0,), (0,)), ((), ())),
                             preferred_element_type=_f32)
        pc = jnp.sum(onehot, axis=0).reshape(N_GRAPHS, 1)

        @pl.when(i == 0)
        def _():
            s_ref[...] = jnp.zeros(s_ref.shape, _f32)
            c_ref[...] = jnp.zeros(c_ref.shape, _f32)

        s_ref[...] += ps
        c_ref[...] += pc

    return pl.pallas_call(
        body,
        grid=(n_pad // BN,),
        in_specs=[
            pl.BlockSpec((BN, H), lambda i: (i, 0)),
            pl.BlockSpec((BN, 1), lambda i: (i, 0)),
        ],
        out_specs=[
            pl.BlockSpec((N_GRAPHS, H), lambda i: (0, 0)),
            pl.BlockSpec((N_GRAPHS, 1), lambda i: (0, 0)),
        ],
        out_shape=[
            jax.ShapeDtypeStruct((N_GRAPHS, H), _f32),
            jax.ShapeDtypeStruct((N_GRAPHS, 1), _f32),
        ],
    )(h, batch2)


def _tc_out(sums, counts, out_W, out_b):
    V = out_W.shape[1]
    BV = 640

    def body(s_ref, c_ref, w_ref, b_ref, o_ref):
        pooled = s_ref[...] / jnp.maximum(c_ref[...], 1.0)
        o_ref[...] = jnp.dot(pooled, w_ref[...], preferred_element_type=_f32) + b_ref[...]

    return pl.pallas_call(
        body,
        grid=(V // BV,),
        in_specs=[
            pl.BlockSpec((N_GRAPHS, H), lambda i: (0, 0)),
            pl.BlockSpec((N_GRAPHS, 1), lambda i: (0, 0)),
            pl.BlockSpec((H, BV), lambda i: (0, i)),
            pl.BlockSpec((1, BV), lambda i: (0, i)),
        ],
        out_specs=pl.BlockSpec((N_GRAPHS, BV), lambda i: (0, i)),
        out_shape=jax.ShapeDtypeStruct((N_GRAPHS, V), _f32),
    )(sums, counts, out_W, out_b.reshape(1, V))


def kernel(x, edge_index, batch, emb, gat_W, gat_a_src, gat_a_dst, gat_b,
           lin_W, lin_b, out_W, out_b):
    N = x.shape[0]
    E = edge_index.shape[1]
    layers = gat_W.shape[0]

    n_pad = -(-N // 2048) * 2048
    e_pad = -(-E // (NW * CE)) * (NW * CE)

    x_pad = jnp.concatenate([x.astype(_i32), jnp.zeros((n_pad - N,), _i32)])
    src = edge_index[0].astype(_i32)
    dst = edge_index[1].astype(_i32)
    pad_e = jnp.full((e_pad - E,), n_pad - 1, _i32)
    src3 = jnp.concatenate([src, pad_e]).reshape(NW, -1, CE)
    dst3 = jnp.concatenate([dst, pad_e]).reshape(NW, -1, CE)
    batch2 = jnp.concatenate(
        [batch.astype(_i32), jnp.full((n_pad - N,), N_GRAPHS, _i32)]
    ).reshape(n_pad, 1)

    h = _emb_gather(x_pad, emb)
    for l in range(layers):
        ht, a_s, a_d = _tc_attn(h, gat_W[l], gat_a_src[l], gat_a_dst[l])
        u2, den2 = _sc_edge(ht, a_s.reshape(-1), a_d.reshape(-1), src3, dst3)
        h = _tc_post(u2, den2, gat_b[l], lin_W[l], lin_b[l])
    sums, counts = _tc_pool(h, batch2)
    return _tc_out(sums, counts, out_W, out_b)

# --- scband reference (transcript-rebuilt; emitter-appended) ---
"""Pipeline reference for scband-grapher-88725434401297 (READ-ONLY COPY).

The authoritative reference and input builder live on the scoring server;
editing this copy changes nothing except your own understanding.
"""

import jax, jax.numpy as jnp
import numpy as np

N_NODES = 10000
N_EDGES = 320000
VOCAB = 32000
HIDDEN = 128
LAYERS = 2
N_GRAPHS = 64


def setup_inputs(seed: int = 0) -> dict:
    key = jax.random.key(seed)
    ks = jax.random.split(key, 12)
    x = jax.random.randint(ks[0], (N_NODES,), 0, VOCAB, dtype=jnp.int64) if jax.config.jax_enable_x64 else jax.random.randint(ks[0], (N_NODES,), 0, VOCAB)
    edge_index = jax.random.randint(ks[1], (2, N_EDGES), 0, N_NODES)
    batch = jnp.sort(jax.random.randint(ks[2], (N_NODES,), 0, N_GRAPHS))
    scale = 1.0 / np.sqrt(HIDDEN)
    emb = jax.random.normal(ks[3], (VOCAB, HIDDEN), dtype=jnp.float32) * 0.02
    gat_W = jax.random.normal(ks[4], (LAYERS, HIDDEN, HIDDEN), dtype=jnp.float32) * scale
    gat_a_src = jax.random.normal(ks[5], (LAYERS, HIDDEN), dtype=jnp.float32) * 0.1
    gat_a_dst = jax.random.normal(ks[6], (LAYERS, HIDDEN), dtype=jnp.float32) * 0.1
    gat_b = jnp.zeros((LAYERS, HIDDEN), dtype=jnp.float32)
    lin_W = jax.random.normal(ks[7], (LAYERS, HIDDEN, HIDDEN), dtype=jnp.float32) * scale
    lin_b = jnp.zeros((LAYERS, HIDDEN), dtype=jnp.float32)
    out_W = jax.random.normal(ks[8], (HIDDEN, VOCAB), dtype=jnp.float32) * scale
    out_b = jnp.zeros((VOCAB,), dtype=jnp.float32)
    return {
        "x": x, "edge_index": edge_index, "batch": batch,
        "emb": emb, "gat_W": gat_W, "gat_a_src": gat_a_src, "gat_a_dst": gat_a_dst,
        "gat_b": gat_b, "lin_W": lin_W, "lin_b": lin_b, "out_W": out_W, "out_b": out_b,
    }


def reference(x, edge_index, batch, emb, gat_W, gat_a_src, gat_a_dst, gat_b, lin_W, lin_b, out_W, out_b):
    # Grapher.forward: embedding lookup -> [GATConv -> relu -> Linear] x layers -> global_mean_pool -> out Linear
    N = x.shape[0]
    src = edge_index[0]
    dst = edge_index[1]
    h = jnp.take(emb, x, axis=0)  # nn.Embedding
    for l in range(LAYERS):
        # GATConv (heads=1): linear transform, additive attention, softmax over incoming edges per dst
        ht = h @ gat_W[l]
        a_s = jnp.sum(ht * gat_a_src[l], axis=-1)  # [N]
        a_d = jnp.sum(ht * gat_a_dst[l], axis=-1)  # [N]
        e = jax.nn.leaky_relu(a_s[src] + a_d[dst], negative_slope=0.2)  # [E]
        seg_max = jnp.full((N,), -1e30, dtype=e.dtype).at[dst].max(e)
        alpha = jnp.exp(e - seg_max[dst])
        denom = jax.ops.segment_sum(alpha, dst, num_segments=N)
        alpha = alpha / jnp.maximum(denom[dst], 1e-16)
        agg = jax.ops.segment_sum(alpha[:, None] * ht[src], dst, num_segments=N) + gat_b[l]
        h = jax.nn.relu(agg)
        h = h @ lin_W[l] + lin_b[l]
    # global_mean_pool over batch segment ids
    sums = jax.ops.segment_sum(h, batch, num_segments=N_GRAPHS)
    counts = jax.ops.segment_sum(jnp.ones((N,), dtype=h.dtype), batch, num_segments=N_GRAPHS)
    pooled = sums / jnp.maximum(counts, 1.0)[:, None]
    return pooled @ out_W + out_b  # [N_GRAPHS, VOCAB]

if __name__ == "__main__":
    import jax
    _d = setup_inputs()
    print(jax.jit(kernel)(*tuple(_d.values())))

</pallas_src>

<mosaic_0001>
#map = affine_map<(d0, d1) -> (0, 0)>
#map1 = affine_map<(d0, d1) -> (0)>
#map2 = affine_map<(d0, d1) -> (0, 0, 0)>
module attributes {stable_mosaic.version = 14 : i64} {
  func.func @k(%arg0: i32, %arg1: i32, %arg2: memref<10240x128xf32, #tpu.memory_space<hbm>>, %arg3: memref<10240xf32, #tpu.memory_space<hbm>>, %arg4: memref<10240xf32, #tpu.memory_space<hbm>>, %arg5: memref<32x79x128xi32, #tpu.memory_space<hbm>>, %arg6: memref<32x79x128xi32, #tpu.memory_space<hbm>>, %arg7: memref<2x10240x128xf32, #tpu.memory_space<hbm>>, %arg8: memref<2x10240xf32, #tpu.memory_space<hbm>>, %arg9: memref<10240xf32, #tpu.memory_space<vmem>>, %arg10: memref<10240xf32, #tpu.memory_space<vmem>>, %arg11: memref<1x128xi32, #tpu.memory_space<vmem>>, %arg12: memref<1x128xi32, #tpu.memory_space<vmem>>, %arg13: memref<128x128xf32, #tpu.memory_space<vmem>>, %arg14: memref<128xf32, #tpu.memory_space<vmem>>, %arg15: memref<10240x128xf32, #tpu.memory_space<vmem_shared>>, %arg16: memref<10240xf32, #tpu.memory_space<vmem_shared>>, %arg17: memref<!tpu.dma_semaphore, #tpu.memory_space<semaphore_mem>>) attributes {dimension_semantics = [#tpu.dimension_semantics<core_parallel>, #tpu.dimension_semantics<subcore_parallel>], iteration_bounds = array<i64: 2, 16>, scalar_prefetch = 0 : i64, scratch_operands = 9 : i64, tpu.core_type = #tpu.core_type<sc_vector_subcore>, window_params = [{transform_indices = #map}, {transform_indices = #map1}, {transform_indices = #map1}, {transform_indices = #map2}, {transform_indices = #map2}, {transform_indices = #map2}, {transform_indices = #map}]} {
    %mul3A = arith.constant 2 : i32
    %mul3A_0 = arith.muli %arg1, %mul3A : i32
    %add3A = arith.addi %mul3A_0, %arg0 : i32
    %broadcast_in_dim3A = arith.constant 0.000000e+00 : f32
    %broadcast_in_dim3A_1 = vector.broadcast %broadcast_in_dim3A : f32 to vector<16xf32>
    %scan3A = arith.constant 0 : i32
    %scan3A_2 = arith.constant 0 : i32
    %scan3A_3 = arith.constant 128 : i32
    %scan3A_4 = arith.addi %scan3A_2, %scan3A_3 : i32
    %scan3A_5 = arith.constant 1 : i32
    %scan3A_6 = scf.for %scan3A_79 = %scan3A_2 to %scan3A_4 step %scan3A_5 iter_args(%scan3A_80 = %scan3A) -> (i32)  : i32 {
      %swap3A_81 = arith.index_cast %scan3A_79 : i32 to index
      %swap3A_82 = arith.constant 0 : index
      %swap3A_83 = tpu.vector_load %arg13[%swap3A_81, %swap3A_82] {strides = array<i32>} : memref<128x128xf32, #tpu.memory_space<vmem>>, vector<16xf32>,
      tpu.vector_store %arg13[%swap3A_81, %swap3A_82], %broadcast_in_dim3A_1 {strides = array<i32>} : memref<128x128xf32, #tpu.memory_space<vmem>>, vector<16xf32>,
      %swap3A_84 = arith.index_cast %scan3A_79 : i32 to index
      %swap3A_85 = arith.constant 16 : index
      %swap3A_86 = tpu.vector_load %arg13[%swap3A_84, %swap3A_85] {strides = array<i32>} : memref<128x128xf32, #tpu.memory_space<vmem>>, vector<16xf32>,
      tpu.vector_store %arg13[%swap3A_84, %swap3A_85], %broadcast_in_dim3A_1 {strides = array<i32>} : memref<128x128xf32, #tpu.memory_space<vmem>>, vector<16xf32>,
      %swap3A_87 = arith.index_cast %scan3A_79 : i32 to index
      %swap3A_88 = arith.constant 32 : index
      %swap3A_89 = tpu.vector_load %arg13[%swap3A_87, %swap3A_88] {strides = array<i32>} : memref<128x128xf32, #tpu.memory_space<vmem>>, vector<16xf32>,
      tpu.vector_store %arg13[%swap3A_87, %swap3A_88], %broadcast_in_dim3A_1 {strides = array<i32>} : memref<128x128xf32, #tpu.memory_space<vmem>>, vector<16xf32>,
      %swap3A_90 = arith.index_cast %scan3A_79 : i32 to index
      %swap3A_91 = arith.constant 48 : index
      %swap3A_92 = tpu.vector_load %arg13[%swap3A_90, %swap3A_91] {strides = array<i32>} : memref<128x128xf32, #tpu.memory_space<vmem>>, vector<16xf32>,
      tpu.vector_store %arg13[%swap3A_90, %swap3A_91], %broadcast_in_dim3A_1 {strides = array<i32>} : memref<128x128xf32, #tpu.memory_space<vmem>>, vector<16xf32>,
      %swap3A_93 = arith.index_cast %scan3A_79 : i32 to index
      %swap3A_94 = arith.constant 64 : index
      %swap3A_95 = tpu.vector_load %arg13[%swap3A_93, %swap3A_94] {strides = array<i32>} : memref<128x128xf32, #tpu.memory_space<vmem>>, vector<16xf32>,
      tpu.vector_store %arg13[%swap3A_93, %swap3A_94], %broadcast_in_dim3A_1 {strides = array<i32>} : memref<128x128xf32, #tpu.memory_space<vmem>>, vector<16xf32>,
      %swap3A_96 = arith.index_cast %scan3A_79 : i32 to index
      %swap3A_97 = arith.constant 80 : index
      %swap3A_98 = tpu.vector_load %arg13[%swap3A_96, %swap3A_97] {strides = array<i32>} : memref<128x128xf32, #tpu.memory_space<vmem>>, vector<16xf32>,
      tpu.vector_store %arg13[%swap3A_96, %swap3A_97], %broadcast_in_dim3A_1 {strides = array<i32>} : memref<128x128xf32, #tpu.memory_space<vmem>>, vector<16xf32>,
      %swap3A_99 = arith.index_cast %scan3A_79 : i32 to index
      %swap3A_100 = arith.constant 96 : index
      %swap3A_101 = tpu.vector_load %arg13[%swap3A_99, %swap3A_100] {strides = array<i32>} : memref<128x128xf32, #tpu.memory_space<vmem>>, vector<16xf32>,
      tpu.vector_store %arg13[%swap3A_99, %swap3A_100], %broadcast_in_dim3A_1 {strides = array<i32>} : memref<128x128xf32, #tpu.memory_space<vmem>>, vector<16xf32>,
      %swap3A_102 = arith.index_cast %scan3A_79 : i32 to index
      %swap3A_103 = arith.constant 112 : index
      %swap3A_104 = tpu.vector_load %arg13[%swap3A_102, %swap3A_103] {strides = array<i32>} : memref<128x128xf32, #tpu.memory_space<vmem>>, vector<16xf32>,
      tpu.vector_store %arg13[%swap3A_102, %swap3A_103], %broadcast_in_dim3A_1 {strides = array<i32>} : memref<128x128xf32, #tpu.memory_space<vmem>>, vector<16xf32>,
      %scan3A_105 = arith.constant 0 : i32
      scf.yield %scan3A_105 : i32
    }
    %scan3A_7 = arith.constant 128 : i32
    %swap3A = arith.constant 0 : index
    %swap3A_8 = tpu.vector_load %arg14[%swap3A] {strides = array<i32>} : memref<128xf32, #tpu.memory_space<vmem>>, vector<16xf32>,
    tpu.vector_store %arg14[%swap3A], %broadcast_in_dim3A_1 {strides = array<i32>} : memref<128xf32, #tpu.memory_space<vmem>>, vector<16xf32>,
    %swap3A_9 = arith.constant 16 : index
    %swap3A_10 = tpu.vector_load %arg14[%swap3A_9] {strides = array<i32>} : memref<128xf32, #tpu.memory_space<vmem>>, vector<16xf32>,
    tpu.vector_store %arg14[%swap3A_9], %broadcast_in_dim3A_1 {strides = array<i32>} : memref<128xf32, #tpu.memory_space<vmem>>, vector<16xf32>,
    %swap3A_11 = arith.constant 32 : index
    %swap3A_12 = tpu.vector_load %arg14[%swap3A_11] {strides = array<i32>} : memref<128xf32, #tpu.memory_space<vmem>>, vector<16xf32>,
    tpu.vector_store %arg14[%swap3A_11], %broadcast_in_dim3A_1 {strides = array<i32>} : memref<128xf32, #tpu.memory_space<vmem>>, vector<16xf32>,
    %swap3A_13 = arith.constant 48 : index
    %swap3A_14 = tpu.vector_load %arg14[%swap3A_13] {strides = array<i32>} : memref<128xf32, #tpu.memory_space<vmem>>, vector<16xf32>,
    tpu.vector_store %arg14[%swap3A_13], %broadcast_in_dim3A_1 {strides = array<i32>} : memref<128xf32, #tpu.memory_space<vmem>>, vector<16xf32>,
    %swap3A_15 = arith.constant 64 : index
    %swap3A_16 = tpu.vector_load %arg14[%swap3A_15] {strides = array<i32>} : memref<128xf32, #tpu.memory_space<vmem>>, vector<16xf32>,
    tpu.vector_store %arg14[%swap3A_15], %broadcast_in_dim3A_1 {strides = array<i32>} : memref<128xf32, #tpu.memory_space<vmem>>, vector<16xf32>,
    %swap3A_17 = arith.constant 80 : index
    %swap3A_18 = tpu.vector_load %arg14[%swap3A_17] {strides = array<i32>} : memref<128xf32, #tpu.memory_space<vmem>>, vector<16xf32>,
    tpu.vector_store %arg14[%swap3A_17], %broadcast_in_dim3A_1 {strides = array<i32>} : memref<128xf32, #tpu.memory_space<vmem>>, vector<16xf32>,
    %swap3A_19 = arith.constant 96 : index
    %swap3A_20 = tpu.vector_load %arg14[%swap3A_19] {strides = array<i32>} : memref<128xf32, #tpu.memory_space<vmem>>, vector<16xf32>,
    tpu.vector_store %arg14[%swap3A_19], %broadcast_in_dim3A_1 {strides = array<i32>} : memref<128xf32, #tpu.memory_space<vmem>>, vector<16xf32>,
    %swap3A_21 = arith.constant 112 : index
    %swap3A_22 = tpu.vector_load %arg14[%swap3A_21] {strides = array<i32>} : memref<128xf32, #tpu.memory_space<vmem>>, vector<16xf32>,
    tpu.vector_store %arg14[%swap3A_21], %broadcast_in_dim3A_1 {strides = array<i32>} : memref<128xf32, #tpu.memory_space<vmem>>, vector<16xf32>,
    %mul3A_23 = arith.constant 640 : i32
    %mul3A_24 = arith.muli %arg1, %mul3A_23 : i32
    %add3A_25 = arith.constant 0 : i32
    %add3A_26 = arith.addi %mul3A_24, %add3A_25 : i32
    "tpu.region"() ({
      %run_scoped3A = tpu.sem_alloc : memref<!tpu.dma_semaphore, #tpu.memory_space<semaphore_mem>>
      %dma_start3A = arith.constant 0 : i32
      %dma_start3A_79 = tpu.memref_slice %arg15[%add3A_26, %dma_start3A] : memref<10240x128xf32, #tpu.memory_space<vmem_shared>> -> memref<128x128xf32, #tpu.memory_space<vmem_shared>>
      %dma_start3A_80 = arith.constant 0 : i32
      %dma_start3A_81 = tpu.memref_slice %arg15[%add3A_26, %dma_start3A_80] : memref<10240x128xf32, #tpu.memory_space<vmem_shared>> -> memref<128x128xf32, #tpu.memory_space<vmem_shared>>
      tpu.enqueue_dma source(%arg13 : memref<128x128xf32, #tpu.memory_space<vmem>>) target(%dma_start3A_81 : memref<128x128xf32, #tpu.memory_space<vmem_shared>>) target_semaphore(%run_scoped3A : memref<!tpu.dma_semaphore, #tpu.memory_space<semaphore_mem>>)
      %dma_wait3A = arith.constant 0 : i32
      %dma_wait3A_82 = tpu.memref_slice %arg15[%add3A_26, %dma_wait3A] : memref<10240x128xf32, #tpu.memory_space<vmem_shared>> -> memref<128x128xf32, #tpu.memory_space<vmem_shared>>
      %dma_wait3A_83 = arith.constant 0 : i32
      %dma_wait3A_84 = tpu.memref_slice %arg15[%add3A_26, %dma_wait3A_83] : memref<10240x128xf32, #tpu.memory_space<vmem_shared>> -> memref<128x128xf32, #tpu.memory_space<vmem_shared>>
      tpu.wait_dma2 semaphore(%run_scoped3A : memref<!tpu.dma_semaphore, #tpu.memory_space<semaphore_mem>>) src(%arg13 : memref<128x128xf32, #tpu.memory_space<vmem>>) dst(%dma_wait3A_84 : memref<128x128xf32, #tpu.memory_space<vmem_shared>>)
      tpu.yield
    }) : () -> ()
    %mul3A_27 = arith.constant 640 : i32
    %mul3A_28 = arith.muli %arg1, %mul3A_27 : i32
    %add3A_29 = arith.constant 0 : i32
    %add3A_30 = arith.addi %mul3A_28, %add3A_29 : i32
    "tpu.region"() ({
      %run_scoped3A = tpu.sem_alloc : memref<!tpu.dma_semaphore, #tpu.memory_space<semaphore_mem>>
      %dma_start3A = tpu.memref_slice %arg16[%add3A_30] : memref<10240xf32, #tpu.memory_space<vmem_shared>> -> memref<128xf32, #tpu.memory_space<vmem_shared>>
      %dma_start3A_79 = tpu.memref_slice %arg16[%add3A_30] : memref<10240xf32, #tpu.memory_space<vmem_shared>> -> memref<128xf32, #tpu.memory_space<vmem_shared>>
      tpu.enqueue_dma source(%arg14 : memref<128xf32, #tpu.memory_space<vmem>>) target(%dma_start3A_79 : memref<128xf32, #tpu.memory_space<vmem_shared>>) target_semaphore(%run_scoped3A : memref<!tpu.dma_semaphore, #tpu.memory_space<semaphore_mem>>)
      %dma_wait3A = tpu.memref_slice %arg16[%add3A_30] : memref<10240xf32, #tpu.memory_space<vmem_shared>> -> memref<128xf32, #tpu.memory_space<vmem_shared>>
      %dma_wait3A_80 = tpu.memref_slice %arg16[%add3A_30] : memref<10240xf32, #tpu.memory_space<vmem_shared>> -> memref<128xf32, #tpu.memory_space<vmem_shared>>
      tpu.wait_dma2 semaphore(%run_scoped3A : memref<!tpu.dma_semaphore, #tpu.memory_space<semaphore_mem>>) src(%arg14 : memref<128xf32, #tpu.memory_space<vmem>>) dst(%dma_wait3A_80 : memref<128xf32, #tpu.memory_space<vmem_shared>>)
      tpu.yield
    }) : () -> ()
    %mul3A_31 = arith.constant 640 : i32
    %mul3A_32 = arith.muli %arg1, %mul3A_31 : i32
    %add3A_33 = arith.constant 128 : i32
    %add3A_34 = arith.addi %mul3A_32, %add3A_33 : i32
    "tpu.region"() ({
      %run_scoped3A = tpu.sem_alloc : memref<!tpu.dma_semaphore, #tpu.memory_space<semaphore_mem>>
      %dma_start3A = arith.constant 0 : i32
      %dma_start3A_79 = tpu.memref_slice %arg15[%add3A_34, %dma_start3A] : memref<10240x128xf32, #tpu.memory_space<vmem_shared>> -> memref<128x128xf32, #tpu.memory_space<vmem_shared>>
      %dma_start3A_80 = arith.constant 0 : i32
      %dma_start3A_81 = tpu.memref_slice %arg15[%add3A_34, %dma_start3A_80] : memref<10240x128xf32, #tpu.memory_space<vmem_shared>> -> memref<128x128xf32, #tpu.memory_space<vmem_shared>>
      tpu.enqueue_dma source(%arg13 : memref<128x128xf32, #tpu.memory_space<vmem>>) target(%dma_start3A_81 : memref<128x128xf32, #tpu.memory_space<vmem_shared>>) target_semaphore(%run_scoped3A : memref<!tpu.dma_semaphore, #tpu.memory_space<semaphore_mem>>)
      %dma_wait3A = arith.constant 0 : i32
      %dma_wait3A_82 = tpu.memref_slice %arg15[%add3A_34, %dma_wait3A] : memref<10240x128xf32, #tpu.memory_space<vmem_shared>> -> memref<128x128xf32, #tpu.memory_space<vmem_shared>>
      %dma_wait3A_83 = arith.constant 0 : i32
      %dma_wait3A_84 = tpu.memref_slice %arg15[%add3A_34, %dma_wait3A_83] : memref<10240x128xf32, #tpu.memory_space<vmem_shared>> -> memref<128x128xf32, #tpu.memory_space<vmem_shared>>
      tpu.wait_dma2 semaphore(%run_scoped3A : memref<!tpu.dma_semaphore, #tpu.memory_space<semaphore_mem>>) src(%arg13 : memref<128x128xf32, #tpu.memory_space<vmem>>) dst(%dma_wait3A_84 : memref<128x128xf32, #tpu.memory_space<vmem_shared>>)
      tpu.yield
    }) : () -> ()
    %mul3A_35 = arith.constant 640 : i32
    %mul3A_36 = arith.muli %arg1, %mul3A_35 : i32
    %add3A_37 = arith.constant 128 : i32
    %add3A_38 = arith.addi %mul3A_36, %add3A_37 : i32
    "tpu.region"() ({
      %run_scoped3A = tpu.sem_alloc : memref<!tpu.dma_semaphore, #tpu.memory_space<semaphore_mem>>
      %dma_start3A = tpu.memref_slice %arg16[%add3A_38] : memref<10240xf32, #tpu.memory_space<vmem_shared>> -> memref<128xf32, #tpu.memory_space<vmem_shared>>
      %dma_start3A_79 = tpu.memref_slice %arg16[%add3A_38] : memref<10240xf32, #tpu.memory_space<vmem_shared>> -> memref<128xf32, #tpu.memory_space<vmem_shared>>
      tpu.enqueue_dma source(%arg14 : memref<128xf32, #tpu.memory_space<vmem>>) target(%dma_start3A_79 : memref<128xf32, #tpu.memory_space<vmem_shared>>) target_semaphore(%run_scoped3A : memref<!tpu.dma_semaphore, #tpu.memory_space<semaphore_mem>>)
      %dma_wait3A = tpu.memref_slice %arg16[%add3A_38] : memref<10240xf32, #tpu.memory_space<vmem_shared>> -> memref<128xf32, #tpu.memory_space<vmem_shared>>
      %dma_wait3A_80 = tpu.memref_slice %arg16[%add3A_38] : memref<10240xf32, #tpu.memory_space<vmem_shared>> -> memref<128xf32, #tpu.memory_space<vmem_shared>>
      tpu.wait_dma2 semaphore(%run_scoped3A : memref<!tpu.dma_semaphore, #tpu.memory_space<semaphore_mem>>) src(%arg14 : memref<128xf32, #tpu.memory_space<vmem>>) dst(%dma_wait3A_80 : memref<128xf32, #tpu.memory_space<vmem_shared>>)
      tpu.yield
    }) : () -> ()
    %mul3A_39 = arith.constant 640 : i32
    %mul3A_40 = arith.muli %arg1, %mul3A_39 : i32
    %add3A_41 = arith.constant 256 : i32
    %add3A_42 = arith.addi %mul3A_40, %add3A_41 : i32
    "tpu.region"() ({
      %run_scoped3A = tpu.sem_alloc : memref<!tpu.dma_semaphore, #tpu.memory_space<semaphore_mem>>
      %dma_start3A = arith.constant 0 : i32
      %dma_start3A_79 = tpu.memref_slice %arg15[%add3A_42, %dma_start3A] : memref<10240x128xf32, #tpu.memory_space<vmem_shared>> -> memref<128x128xf32, #tpu.memory_space<vmem_shared>>
      %dma_start3A_80 = arith.constant 0 : i32
      %dma_start3A_81 = tpu.memref_slice %arg15[%add3A_42, %dma_start3A_80] : memref<10240x128xf32, #tpu.memory_space<vmem_shared>> -> memref<128x128xf32, #tpu.memory_space<vmem_shared>>
      tpu.enqueue_dma source(%arg13 : memref<128x128xf32, #tpu.memory_space<vmem>>) target(%dma_start3A_81 : memref<128x128xf32, #tpu.memory_space<vmem_shared>>) target_semaphore(%run_scoped3A : memref<!tpu.dma_semaphore, #tpu.memory_space<semaphore_mem>>)
      %dma_wait3A = arith.constant 0 : i32
      %dma_wait3A_82 = tpu.memref_slice %arg15[%add3A_42, %dma_wait3A] : memref<10240x128xf32, #tpu.memory_space<vmem_shared>> -> memref<128x128xf32, #tpu.memory_space<vmem_shared>>
      %dma_wait3A_83 = arith.constant 0 : i32
      %dma_wait3A_84 = tpu.memref_slice %arg15[%add3A_42, %dma_wait3A_83] : memref<10240x128xf32, #tpu.memory_space<vmem_shared>> -> memref<128x128xf32, #tpu.memory_space<vmem_shared>>
      tpu.wait_dma2 semaphore(%run_scoped3A : memref<!tpu.dma_semaphore, #tpu.memory_space<semaphore_mem>>) src(%arg13 : memref<128x128xf32, #tpu.memory_space<vmem>>) dst(%dma_wait3A_84 : memref<128x128xf32, #tpu.memory_space<vmem_shared>>)
      tpu.yield
    }) : () -> ()
    %mul3A_43 = arith.constant 640 : i32
    %mul3A_44 = arith.muli %arg1, %mul3A_43 : i32
    %add3A_45 = arith.constant 256 : i32
    %add3A_46 = arith.addi %mul3A_44, %add3A_45 : i32
    "tpu.region"() ({
      %run_scoped3A = tpu.sem_alloc : memref<!tpu.dma_semaphore, #tpu.memory_space<semaphore_mem>>
      %dma_start3A = tpu.memref_slice %arg16[%add3A_46] : memref<10240xf32, #tpu.memory_space<vmem_shared>> -> memref<128xf32, #tpu.memory_space<vmem_shared>>
      %dma_start3A_79 = tpu.memref_slice %arg16[%add3A_46] : memref<10240xf32, #tpu.memory_space<vmem_shared>> -> memref<128xf32, #tpu.memory_space<vmem_shared>>
      tpu.enqueue_dma source(%arg14 : memref<128xf32, #tpu.memory_space<vmem>>) target(%dma_start3A_79 : memref<128xf32, #tpu.memory_space<vmem_shared>>) target_semaphore(%run_scoped3A : memref<!tpu.dma_semaphore, #tpu.memory_space<semaphore_mem>>)
      %dma_wait3A = tpu.memref_slice %arg16[%add3A_46] : memref<10240xf32, #tpu.memory_space<vmem_shared>> -> memref<128xf32, #tpu.memory_space<vmem_shared>>
      %dma_wait3A_80 = tpu.memref_slice %arg16[%add3A_46] : memref<10240xf32, #tpu.memory_space<vmem_shared>> -> memref<128xf32, #tpu.memory_space<vmem_shared>>
      tpu.wait_dma2 semaphore(%run_scoped3A : memref<!tpu.dma_semaphore, #tpu.memory_space<semaphore_mem>>) src(%arg14 : memref<128xf32, #tpu.memory_space<vmem>>) dst(%dma_wait3A_80 : memref<128xf32, #tpu.memory_space<vmem_shared>>)
      tpu.yield
    }) : () -> ()
    %mul3A_47 = arith.constant 640 : i32
    %mul3A_48 = arith.muli %arg1, %mul3A_47 : i32
    %add3A_49 = arith.constant 384 : i32
    %add3A_50 = arith.addi %mul3A_48, %add3A_49 : i32
    "tpu.region"() ({
      %run_scoped3A = tpu.sem_alloc : memref<!tpu.dma_semaphore, #tpu.memory_space<semaphore_mem>>
      %dma_start3A = arith.constant 0 : i32
      %dma_start3A_79 = tpu.memref_slice %arg15[%add3A_50, %dma_start3A] : memref<10240x128xf32, #tpu.memory_space<vmem_shared>> -> memref<128x128xf32, #tpu.memory_space<vmem_shared>>
      %dma_start3A_80 = arith.constant 0 : i32
      %dma_start3A_81 = tpu.memref_slice %arg15[%add3A_50, %dma_start3A_80] : memref<10240x128xf32, #tpu.memory_space<vmem_shared>> -> memref<128x128xf32, #tpu.memory_space<vmem_shared>>
      tpu.enqueue_dma source(%arg13 : memref<128x128xf32, #tpu.memory_space<vmem>>) target(%dma_start3A_81 : memref<128x128xf32, #tpu.memory_space<vmem_shared>>) target_semaphore(%run_scoped3A : memref<!tpu.dma_semaphore, #tpu.memory_space<semaphore_mem>>)
      %dma_wait3A = arith.constant 0 : i32
      %dma_wait3A_82 = tpu.memref_slice %arg15[%add3A_50, %dma_wait3A] : memref<10240x128xf32, #tpu.memory_space<vmem_shared>> -> memref<128x128xf32, #tpu.memory_space<vmem_shared>>
      %dma_wait3A_83 = arith.constant 0 : i32
      %dma_wait3A_84 = tpu.memref_slice %arg15[%add3A_50, %dma_wait3A_83] : memref<10240x128xf32, #tpu.memory_space<vmem_shared>> -> memref<128x128xf32, #tpu.memory_space<vmem_shared>>
      tpu.wait_dma2 semaphore(%run_scoped3A : memref<!tpu.dma_semaphore, #tpu.memory_space<semaphore_mem>>) src(%arg13 : memref<128x128xf32, #tpu.memory_space<vmem>>) dst(%dma_wait3A_84 : memref<128x128xf32, #tpu.memory_space<vmem_shared>>)
      tpu.yield
    }) : () -> ()
    %mul3A_51 = arith.constant 640 : i32
    %mul3A_52 = arith.muli %arg1, %mul3A_51 : i32
    %add3A_53 = arith.constant 384 : i32
    %add3A_54 = arith.addi %mul3A_52, %add3A_53 : i32
    "tpu.region"() ({
      %run_scoped3A = tpu.sem_alloc : memref<!tpu.dma_semaphore, #tpu.memory_space<semaphore_mem>>
      %dma_start3A = tpu.memref_slice %arg16[%add3A_54] : memref<10240xf32, #tpu.memory_space<vmem_shared>> -> memref<128xf32, #tpu.memory_space<vmem_shared>>
      %dma_start3A_79 = tpu.memref_slice %arg16[%add3A_54] : memref<10240xf32, #tpu.memory_space<vmem_shared>> -> memref<128xf32, #tpu.memory_space<vmem_shared>>
      tpu.enqueue_dma source(%arg14 : memref<128xf32, #tpu.memory_space<vmem>>) target(%dma_start3A_79 : memref<128xf32, #tpu.memory_space<vmem_shared>>) target_semaphore(%run_scoped3A : memref<!tpu.dma_semaphore, #tpu.memory_space<semaphore_mem>>)
      %dma_wait3A = tpu.memref_slice %arg16[%add3A_54] : memref<10240xf32, #tpu.memory_space<vmem_shared>> -> memref<128xf32, #tpu.memory_space<vmem_shared>>
      %dma_wait3A_80 = tpu.memref_slice %arg16[%add3A_54] : memref<10240xf32, #tpu.memory_space<vmem_shared>> -> memref<128xf32, #tpu.memory_space<vmem_shared>>
      tpu.wait_dma2 semaphore(%run_scoped3A : memref<!tpu.dma_semaphore, #tpu.memory_space<semaphore_mem>>) src(%arg14 : memref<128xf32, #tpu.memory_space<vmem>>) dst(%dma_wait3A_80 : memref<128xf32, #tpu.memory_space<vmem_shared>>)
      tpu.yield
    }) : () -> ()
    %mul3A_55 = arith.constant 640 : i32
    %mul3A_56 = arith.muli %arg1, %mul3A_55 : i32
    %add3A_57 = arith.constant 512 : i32
    %add3A_58 = arith.addi %mul3A_56, %add3A_57 : i32
    "tpu.region"() ({
      %run_scoped3A = tpu.sem_alloc : memref<!tpu.dma_semaphore, #tpu.memory_space<semaphore_mem>>
      %dma_start3A = arith.constant 0 : i32
      %dma_start3A_79 = tpu.memref_slice %arg15[%add3A_58, %dma_start3A] : memref<10240x128xf32, #tpu.memory_space<vmem_shared>> -> memref<128x128xf32, #tpu.memory_space<vmem_shared>>
      %dma_start3A_80 = arith.constant 0 : i32
      %dma_start3A_81 = tpu.memref_slice %arg15[%add3A_58, %dma_start3A_80] : memref<10240x128xf32, #tpu.memory_space<vmem_shared>> -> memref<128x128xf32, #tpu.memory_space<vmem_shared>>
      tpu.enqueue_dma source(%arg13 : memref<128x128xf32, #tpu.memory_space<vmem>>) target(%dma_start3A_81 : memref<128x128xf32, #tpu.memory_space<vmem_shared>>) target_semaphore(%run_scoped3A : memref<!tpu.dma_semaphore, #tpu.memory_space<semaphore_mem>>)
      %dma_wait3A = arith.constant 0 : i32
      %dma_wait3A_82 = tpu.memref_slice %arg15[%add3A_58, %dma_wait3A] : memref<10240x128xf32, #tpu.memory_space<vmem_shared>> -> memref<128x128xf32, #tpu.memory_space<vmem_shared>>
      %dma_wait3A_83 = arith.constant 0 : i32
      %dma_wait3A_84 = tpu.memref_slice %arg15[%add3A_58, %dma_wait3A_83] : memref<10240x128xf32, #tpu.memory_space<vmem_shared>> -> memref<128x128xf32, #tpu.memory_space<vmem_shared>>
      tpu.wait_dma2 semaphore(%run_scoped3A : memref<!tpu.dma_semaphore, #tpu.memory_space<semaphore_mem>>) src(%arg13 : memref<128x128xf32, #tpu.memory_space<vmem>>) dst(%dma_wait3A_84 : memref<128x128xf32, #tpu.memory_space<vmem_shared>>)
      tpu.yield
    }) : () -> ()
    %mul3A_59 = arith.constant 640 : i32
    %mul3A_60 = arith.muli %arg1, %mul3A_59 : i32
    %add3A_61 = arith.constant 512 : i32
    %add3A_62 = arith.addi %mul3A_60, %add3A_61 : i32
    "tpu.region"() ({
      %run_scoped3A = tpu.sem_alloc : memref<!tpu.dma_semaphore, #tpu.memory_space<semaphore_mem>>
      %dma_start3A = tpu.memref_slice %arg16[%add3A_62] : memref<10240xf32, #tpu.memory_space<vmem_shared>> -> memref<128xf32, #tpu.memory_space<vmem_shared>>
      %dma_start3A_79 = tpu.memref_slice %arg16[%add3A_62] : memref<10240xf32, #tpu.memory_space<vmem_shared>> -> memref<128xf32, #tpu.memory_space<vmem_shared>>
      tpu.enqueue_dma source(%arg14 : memref<128xf32, #tpu.memory_space<vmem>>) target(%dma_start3A_79 : memref<128xf32, #tpu.memory_space<vmem_shared>>) target_semaphore(%run_scoped3A : memref<!tpu.dma_semaphore, #tpu.memory_space<semaphore_mem>>)
      %dma_wait3A = tpu.memref_slice %arg16[%add3A_62] : memref<10240xf32, #tpu.memory_space<vmem_shared>> -> memref<128xf32, #tpu.memory_space<vmem_shared>>
      %dma_wait3A_80 = tpu.memref_slice %arg16[%add3A_62] : memref<10240xf32, #tpu.memory_space<vmem_shared>> -> memref<128xf32, #tpu.memory_space<vmem_shared>>
      tpu.wait_dma2 semaphore(%run_scoped3A : memref<!tpu.dma_semaphore, #tpu.memory_space<semaphore_mem>>) src(%arg14 : memref<128xf32, #tpu.memory_space<vmem>>) dst(%dma_wait3A_80 : memref<128xf32, #tpu.memory_space<vmem_shared>>)
      tpu.yield
    }) : () -> ()
    "tpu.region"() ({
      %run_scoped3A = tpu.sem_alloc : memref<!tpu.dma_semaphore, #tpu.memory_space<semaphore_mem>>
      tpu.enqueue_dma source(%arg3 : memref<10240xf32, #tpu.memory_space<hbm>>) target(%arg9 : memref<10240xf32, #tpu.memory_space<vmem>>) target_semaphore(%run_scoped3A : memref<!tpu.dma_semaphore, #tpu.memory_space<semaphore_mem>>)
      tpu.wait_dma2 semaphore(%run_scoped3A : memref<!tpu.dma_semaphore, #tpu.memory_space<semaphore_mem>>) src(%arg3 : memref<10240xf32, #tpu.memory_space<hbm>>) dst(%arg9 : memref<10240xf32, #tpu.memory_space<vmem>>)
      tpu.yield
    }) : () -> ()
    "tpu.region"() ({
      %run_scoped3A = tpu.sem_alloc : memref<!tpu.dma_semaphore, #tpu.memory_space<semaphore_mem>>
      tpu.enqueue_dma source(%arg4 : memref<10240xf32, #tpu.memory_space<hbm>>) target(%arg10 : memref<10240xf32, #tpu.memory_space<vmem>>) target_semaphore(%run_scoped3A : memref<!tpu.dma_semaphore, #tpu.memory_space<semaphore_mem>>)
      tpu.wait_dma2 semaphore(%run_scoped3A : memref<!tpu.dma_semaphore, #tpu.memory_space<semaphore_mem>>) src(%arg4 : memref<10240xf32, #tpu.memory_space<hbm>>) dst(%arg10 : memref<10240xf32, #tpu.memory_space<vmem>>)
      tpu.yield
    }) : () -> ()
    %barrier3A = arith.constant 0 : index
    tpu.barrier barrier_id(%barrier3A)
    %scan3A_63 = arith.constant 0 : i32
    %scan3A_64 = arith.constant 0 : i32
    %scan3A_65 = arith.constant 79 : i32
    %scan3A_66 = arith.addi %scan3A_64, %scan3A_65 : i32
    %scan3A_67 = arith.constant 1 : i32
    %scan3A_68 = scf.for %scan3A_79 = %scan3A_64 to %scan3A_66 step %scan3A_67 iter_args(%scan3A_80 = %scan3A_63) -> (i32)  : i32 {
      %run_scoped3A = arith.constant 0 : i32
      "tpu.region"() ({
        %run_scoped3A_244 = tpu.sem_alloc : memref<!tpu.dma_semaphore, #tpu.memory_space<semaphore_mem>>
        %dma_start3A_245 = arith.constant 0 : i32
        %dma_start3A_246 = tpu.memref_slice %arg11[%run_scoped3A, %dma_start3A_245] : memref<1x128xi32, #tpu.memory_space<vmem>> -> memref<1x128xi32, #tpu.memory_space<vmem>>
        %dma_start3A_247 = tpu.memref_squeeze %dma_start3A_246 : memref<1x128xi32, #tpu.memory_space<vmem>> -> memref<128xi32, #tpu.memory_space<vmem>>
        %dma_start3A_248 = arith.constant 0 : i32
        %dma_start3A_249 = tpu.memref_slice %arg5[%add3A, %scan3A_79, %dma_start3A_248] : memref<32x79x128xi32, #tpu.memory_space<hbm>> -> memref<1x1x128xi32, #tpu.memory_space<hbm>>
        %dma_start3A_250 = tpu.memref_squeeze %dma_start3A_249 : memref<1x1x128xi32, #tpu.memory_space<hbm>> -> memref<128xi32, #tpu.memory_space<hbm>>
        %dma_start3A_251 = arith.constant 0 : i32
        %dma_start3A_252 = tpu.memref_slice %arg11[%run_scoped3A, %dma_start3A_251] : memref<1x128xi32, #tpu.memory_space<vmem>> -> memref<1x128xi32, #tpu.memory_space<vmem>>
        %dma_start3A_253 = tpu.memref_squeeze %dma_start3A_252 : memref<1x128xi32, #tpu.memory_space<vmem>> -> memref<128xi32, #tpu.memory_space<vmem>>
        %dma_start3A_254 = arith.constant 0 : i32
        %dma_start3A_255 = tpu.memref_slice %arg5[%add3A, %scan3A_79, %dma_start3A_254] : memref<32x79x128xi32, #tpu.memory_space<hbm>> -> memref<1x1x128xi32, #tpu.memory_space<hbm>>
        %dma_start3A_256 = tpu.memref_squeeze %dma_start3A_255 : memref<1x1x128xi32, #tpu.memory_space<hbm>> -> memref<128xi32, #tpu.memory_space<hbm>>
        tpu.enqueue_dma source(%dma_start3A_256 : memref<128xi32, #tpu.memory_space<hbm>>) target(%dma_start3A_253 : memref<128xi32, #tpu.memory_space<vmem>>) target_semaphore(%run_scoped3A_244 : memref<!tpu.dma_semaphore, #tpu.memory_space<semaphore_mem>>)
        %dma_wait3A_257 = arith.constant 0 : i32
        %dma_wait3A_258 = tpu.memref_slice %arg11[%run_scoped3A, %dma_wait3A_257] : memref<1x128xi32, #tpu.memory_space<vmem>> -> memref<1x128xi32, #tpu.memory_space<vmem>>
        %dma_wait3A_259 = tpu.memref_squeeze %dma_wait3A_258 : memref<1x128xi32, #tpu.memory_space<vmem>> -> memref<128xi32, #tpu.memory_space<vmem>>
        %dma_wait3A_260 = arith.constant 0 : i32
        %dma_wait3A_261 = tpu.memref_slice %arg5[%add3A, %scan3A_79, %dma_wait3A_260] : memref<32x79x128xi32, #tpu.memory_space<hbm>> -> memref<1x1x128xi32, #tpu.memory_space<hbm>>
        %dma_wait3A_262 = tpu.memref_squeeze %dma_wait3A_261 : memref<1x1x128xi32, #tpu.memory_space<hbm>> -> memref<128xi32, #tpu.memory_space<hbm>>
        %dma_wait3A_263 = arith.constant 0 : i32
        %dma_wait3A_264 = tpu.memref_slice %arg11[%run_scoped3A, %dma_wait3A_263] : memref<1x128xi32, #tpu.memory_space<vmem>> -> memref<1x128xi32, #tpu.memory_space<vmem>>
        %dma_wait3A_265 = tpu.memref_squeeze %dma_wait3A_264 : memref<1x128xi32, #tpu.memory_space<vmem>> -> memref<128xi32, #tpu.memory_space<vmem>>
        %dma_wait3A_266 = arith.constant 0 : i32
        %dma_wait3A_267 = tpu.memref_slice %arg5[%add3A, %scan3A_79, %dma_wait3A_266] : memref<32x79x128xi32, #tpu.memory_space<hbm>> -> memref<1x1x128xi32, #tpu.memory_space<hbm>>
        %dma_wait3A_268 = tpu.memref_squeeze %dma_wait3A_267 : memref<1x1x128xi32, #tpu.memory_space<hbm>> -> memref<128xi32, #tpu.memory_space<hbm>>
        tpu.wait_dma2 semaphore(%run_scoped3A_244 : memref<!tpu.dma_semaphore, #tpu.memory_space<semaphore_mem>>) src(%dma_wait3A_268 : memref<128xi32, #tpu.memory_space<hbm>>) dst(%dma_wait3A_265 : memref<128xi32, #tpu.memory_space<vmem>>)
        tpu.yield
      }) : () -> ()
      %run_scoped3A_81 = arith.constant 0 : i32
      "tpu.region"() ({
        %run_scoped3A_244 = tpu.sem_alloc : memref<!tpu.dma_semaphore, #tpu.memory_space<semaphore_mem>>
        %dma_start3A_245 = arith.constant 0 : i32
        %dma_start3A_246 = tpu.memref_slice %arg12[%run_scoped3A_81, %dma_start3A_245] : memref<1x128xi32, #tpu.memory_space<vmem>> -> memref<1x128xi32, #tpu.memory_space<vmem>>
        %dma_start3A_247 = tpu.memref_squeeze %dma_start3A_246 : memref<1x128xi32, #tpu.memory_space<vmem>> -> memref<128xi32, #tpu.memory_space<vmem>>
        %dma_start3A_248 = arith.constant 0 : i32
        %dma_start3A_249 = tpu.memref_slice %arg6[%add3A, %scan3A_79, %dma_start3A_248] : memref<32x79x128xi32, #tpu.memory_space<hbm>> -> memref<1x1x128xi32, #tpu.memory_space<hbm>>
        %dma_start3A_250 = tpu.memref_squeeze %dma_start3A_249 : memref<1x1x128xi32, #tpu.memory_space<hbm>> -> memref<128xi32, #tpu.memory_space<hbm>>
        %dma_start3A_251 = arith.constant 0 : i32
        %dma_start3A_252 = tpu.memref_slice %arg12[%run_scoped3A_81, %dma_start3A_251] : memref<1x128xi32, #tpu.memory_space<vmem>> -> memref<1x128xi32, #tpu.memory_space<vmem>>
        %dma_start3A_253 = tpu.memref_squeeze %dma_start3A_252 : memref<1x128xi32, #tpu.memory_space<vmem>> -> memref<128xi32, #tpu.memory_space<vmem>>
        %dma_start3A_254 = arith.constant 0 : i32
        %dma_start3A_255 = tpu.memref_slice %arg6[%add3A, %scan3A_79, %dma_start3A_254] : memref<32x79x128xi32, #tpu.memory_space<hbm>> -> memref<1x1x128xi32, #tpu.memory_space<hbm>>
        %dma_start3A_256 = tpu.memref_squeeze %dma_start3A_255 : memref<1x1x128xi32, #tpu.memory_space<hbm>> -> memref<128xi32, #tpu.memory_space<hbm>>
        tpu.enqueue_dma source(%dma_start3A_256 : memref<128xi32, #tpu.memory_space<hbm>>) target(%dma_start3A_253 : memref<128xi32, #tpu.memory_space<vmem>>) target_semaphore(%run_scoped3A_244 : memref<!tpu.dma_semaphore, #tpu.memory_space<semaphore_mem>>)
        %dma_wait3A_257 = arith.constant 0 : i32
        %dma_wait3A_258 = tpu.memref_slice %arg12[%run_scoped3A_81, %dma_wait3A_257] : memref<1x128xi32, #tpu.memory_space<vmem>> -> memref<1x128xi32, #tpu.memory_space<vmem>>
        %dma_wait3A_259 = tpu.memref_squeeze %dma_wait3A_258 : memref<1x128xi32, #tpu.memory_space<vmem>> -> memref<128xi32, #tpu.memory_space<vmem>>
        %dma_wait3A_260 = arith.constant 0 : i32
        %dma_wait3A_261 = tpu.memref_slice %arg6[%add3A, %scan3A_79, %dma_wait3A_260] : memref<32x79x128xi32, #tpu.memory_space<hbm>> -> memref<1x1x128xi32, #tpu.memory_space<hbm>>
        %dma_wait3A_262 = tpu.memref_squeeze %dma_wait3A_261 : memref<1x1x128xi32, #tpu.memory_space<hbm>> -> memref<128xi32, #tpu.memory_space<hbm>>
        %dma_wait3A_263 = arith.constant 0 : i32
        %dma_wait3A_264 = tpu.memref_slice %arg12[%run_scoped3A_81, %dma_wait3A_263] : memref<1x128xi32, #tpu.memory_space<vmem>> -> memref<1x128xi32, #tpu.memory_space<vmem>>
        %dma_wait3A_265 = tpu.memref_squeeze %dma_wait3A_264 : memref<1x128xi32, #tpu.memory_space<vmem>> -> memref<128xi32, #tpu.memory_space<vmem>>
        %dma_wait3A_266 = arith.constant 0 : i32
        %dma_wait3A_267 = tpu.memref_slice %arg6[%add3A, %scan3A_79, %dma_wait3A_266] : memref<32x79x128xi32, #tpu.memory_space<hbm>> -> memref<1x1x128xi32, #tpu.memory_space<hbm>>
        %dma_wait3A_268 = tpu.memref_squeeze %dma_wait3A_267 : memref<1x1x128xi32, #tpu.memory_space<hbm>> -> memref<128xi32, #tpu.memory_space<hbm>>
        tpu.wait_dma2 semaphore(%run_scoped3A_244 : memref<!tpu.dma_semaphore, #tpu.memory_space<semaphore_mem>>) src(%dma_wait3A_268 : memref<128xi32, #tpu.memory_space<hbm>>) dst(%dma_wait3A_265 : memref<128xi32, #tpu.memory_space<vmem>>)
        tpu.yield
      }) : () -> ()
      %dma_start3A = arith.constant 0 : i32
      %dma_start3A_82 = arith.constant 0 : i32
      %dma_start3A_83 = tpu.memref_slice %arg11[%dma_start3A, %dma_start3A_82] : memref<1x128xi32, #tpu.memory_space<vmem>> -> memref<1x128xi32, #tpu.memory_space<vmem>>
      %dma_start3A_84 = tpu.memref_squeeze %dma_start3A_83 : memref<1x128xi32, #tpu.memory_space<vmem>> -> memref<128xi32, #tpu.memory_space<vmem>>
      %dma_start3A_85 = arith.constant 0 : i32
      %dma_start3A_86 = arith.constant 0 : i32
      %dma_start3A_87 = tpu.memref_slice %arg2[%dma_start3A_85, %dma_start3A_86] : memref<10240x128xf32, #tpu.memory_space<hbm>> -> memref<10240x128xf32, #tpu.memory_space<hbm>>
      tpu.enqueue_indirect_dma source(%dma_start3A_87 : memref<10240x128xf32, #tpu.memory_space<hbm>>) target(%arg13 : memref<128x128xf32, #tpu.memory_space<vmem>>) offsets(%dma_start3A_84 : memref<128xi32, #tpu.memory_space<vmem>>) semaphore(%arg17 : memref<!tpu.dma_semaphore, #tpu.memory_space<semaphore_mem>>)
      %get3A = arith.constant 0 : i32
      %get3A_88 = arith.index_cast %get3A : i32 to index
      %get3A_89 = arith.constant 0 : index
      %get3A_90 = tpu.vector_load %arg11[%get3A_88, %get3A_89] {strides = array<i32>} : memref<1x128xi32, #tpu.memory_space<vmem>>, vector<16xi32>,
      %get3A_91 = arith.constant 0 : i32
      %get3A_92 = arith.index_cast %get3A_91 : i32 to index
      %get3A_93 = arith.constant 0 : index
      %get3A_94 = tpu.vector_load %arg12[%get3A_92, %get3A_93] {strides = array<i32>} : memref<1x128xi32, #tpu.memory_space<vmem>>, vector<16xi32>,
      %gather3A = tpu.vector_load_idx %arg9[%get3A_90] : memref<10240xf32, #tpu.memory_space<vmem>>[vector<16xi32>], vector<16xf32>,
      %gather3A_95 = tpu.vector_load_idx %arg10[%get3A_94] : memref<10240xf32, #tpu.memory_space<vmem>>[vector<16xi32>], vector<16xf32>,
      %add3A_96 = arith.addf %gather3A, %gather3A_95 : vector<16xf32>
      %mul3A_97 = arith.constant 2.000000e-01 : f32
      %mul3A_98 = vector.broadcast %mul3A_97 : f32 to vector<16xf32>
      %mul3A_99 = arith.mulf %mul3A_98, %add3A_96 : vector<16xf32>
      %max3A = arith.maximumf %add3A_96, %mul3A_99 : vector<16xf32>
      %exp3A = math.exp %max3A : vector<16xf32>
      %swap3A_100 = arith.constant 0 : index
      %swap3A_101 = tpu.vector_load %arg14[%swap3A_100] {strides = array<i32>} : memref<128xf32, #tpu.memory_space<vmem>>, vector<16xf32>,
      tpu.vector_store %arg14[%swap3A_100], %exp3A {strides = array<i32>} : memref<128xf32, #tpu.memory_space<vmem>>, vector<16xf32>,
      %get3A_102 = arith.constant 0 : i32
      %get3A_103 = arith.index_cast %get3A_102 : i32 to index
      %get3A_104 = arith.constant 16 : index
      %get3A_105 = tpu.vector_load %arg11[%get3A_103, %get3A_104] {strides = array<i32>} : memref<1x128xi32, #tpu.memory_space<vmem>>, vector<16xi32>,
      %get3A_106 = arith.constant 0 : i32
      %get3A_107 = arith.index_cast %get3A_106 : i32 to index
      %get3A_108 = arith.constant 16 : index
      %get3A_109 = tpu.vector_load %arg12[%get3A_107, %get3A_108] {strides = array<i32>} : memref<1x128xi32, #tpu.memory_space<vmem>>, vector<16xi32>,
      %gather3A_110 = tpu.vector_load_idx %arg9[%get3A_105] : memref<10240xf32, #tpu.memory_space<vmem>>[vector<16xi32>], vector<16xf32>,
      %gather3A_111 = tpu.vector_load_idx %arg10[%get3A_109] : memref<10240xf32, #tpu.memory_space<vmem>>[vector<16xi32>], vector<16xf32>,
      %add3A_112 = arith.addf %gather3A_110, %gather3A_111 : vector<16xf32>
      %mul3A_113 = arith.constant 2.000000e-01 : f32
      %mul3A_114 = vector.broadcast %mul3A_113 : f32 to vector<16xf32>
      %mul3A_115 = arith.mulf %mul3A_114, %add3A_112 : vector<16xf32>
      %max3A_116 = arith.maximumf %add3A_112, %mul3A_115 : vector<16xf32>
      %exp3A_117 = math.exp %max3A_116 : vector<16xf32>
      %swap3A_118 = arith.constant 16 : index
      %swap3A_119 = tpu.vector_load %arg14[%swap3A_118] {strides = array<i32>} : memref<128xf32, #tpu.memory_space<vmem>>, vector<16xf32>,
      tpu.vector_store %arg14[%swap3A_118], %exp3A_117 {strides = array<i32>} : memref<128xf32, #tpu.memory_space<vmem>>, vector<16xf32>,
      %get3A_120 = arith.constant 0 : i32
      %get3A_121 = arith.index_cast %get3A_120 : i32 to index
      %get3A_122 = arith.constant 32 : index
      %get3A_123 = tpu.vector_load %arg11[%get3A_121, %get3A_122] {strides = array<i32>} : memref<1x128xi32, #tpu.memory_space<vmem>>, vector<16xi32>,
      %get3A_124 = arith.constant 0 : i32
      %get3A_125 = arith.index_cast %get3A_124 : i32 to index
      %get3A_126 = arith.constant 32 : index
      %get3A_127 = tpu.vector_load %arg12[%get3A_125, %get3A_126] {strides = array<i32>} : memref<1x128xi32, #tpu.memory_space<vmem>>, vector<16xi32>,
      %gather3A_128 = tpu.vector_load_idx %arg9[%get3A_123] : memref<10240xf32, #tpu.memory_space<vmem>>[vector<16xi32>], vector<16xf32>,
      %gather3A_129 = tpu.vector_load_idx %arg10[%get3A_127] : memref<10240xf32, #tpu.memory_space<vmem>>[vector<16xi32>], vector<16xf32>,
      %add3A_130 = arith.addf %gather3A_128, %gather3A_129 : vector<16xf32>
      %mul3A_131 = arith.constant 2.000000e-01 : f32
      %mul3A_132 = vector.broadcast %mul3A_131 : f32 to vector<16xf32>
      %mul3A_133 = arith.mulf %mul3A_132, %add3A_130 : vector<16xf32>
      %max3A_134 = arith.maximumf %add3A_130, %mul3A_133 : vector<16xf32>
      %exp3A_135 = math.exp %max3A_134 : vector<16xf32>
      %swap3A_136 = arith.constant 32 : index
      %swap3A_137 = tpu.vector_load %arg14[%swap3A_136] {strides = array<i32>} : memref<128xf32, #tpu.memory_space<vmem>>, vector<16xf32>,
      tpu.vector_store %arg14[%swap3A_136], %exp3A_135 {strides = array<i32>} : memref<128xf32, #tpu.memory_space<vmem>>, vector<16xf32>,
      %get3A_138 = arith.constant 0 : i32
      %get3A_139 = arith.index_cast %get3A_138 : i32 to index
      %get3A_140 = arith.constant 48 : index
      %get3A_141 = tpu.vector_load %arg11[%get3A_139, %get3A_140] {strides = array<i32>} : memref<1x128xi32, #tpu.memory_space<vmem>>, vector<16xi32>,
      %get3A_142 = arith.constant 0 : i32
      %get3A_143 = arith.index_cast %get3A_142 : i32 to index
      %get3A_144 = arith.constant 48 : index
      %get3A_145 = tpu.vector_load %arg12[%get3A_143, %get3A_144] {strides = array<i32>} : memref<1x128xi32, #tpu.memory_space<vmem>>, vector<16xi32>,
      %gather3A_146 = tpu.vector_load_idx %arg9[%get3A_141] : memref<10240xf32, #tpu.memory_space<vmem>>[vector<16xi32>], vector<16xf32>,
      %gather3A_147 = tpu.vector_load_idx %arg10[%get3A_145] : memref<10240xf32, #tpu.memory_space<vmem>>[vector<16xi32>], vector<16xf32>,
      %add3A_148 = arith.addf %gather3A_146, %gather3A_147 : vector<16xf32>
      %mul3A_149 = arith.constant 2.000000e-01 : f32
      %mul3A_150 = vector.broadcast %mul3A_149 : f32 to vector<16xf32>
      %mul3A_151 = arith.mulf %mul3A_150, %add3A_148 : vector<16xf32>
      %max3A_152 = arith.maximumf %add3A_148, %mul3A_151 : vector<16xf32>
      %exp3A_153 = math.exp %max3A_152 : vector<16xf32>
      %swap3A_154 = arith.constant 48 : index
      %swap3A_155 = tpu.vector_load %arg14[%swap3A_154] {strides = array<i32>} : memref<128xf32, #tpu.memory_space<vmem>>, vector<16xf32>,
      tpu.vector_store %arg14[%swap3A_154], %exp3A_153 {strides = array<i32>} : memref<128xf32, #tpu.memory_space<vmem>>, vector<16xf32>,
      %get3A_156 = arith.constant 0 : i32
      %get3A_157 = arith.index_cast %get3A_156 : i32 to index
      %get3A_158 = arith.constant 64 : index
      %get3A_159 = tpu.vector_load %arg11[%get3A_157, %get3A_158] {strides = array<i32>} : memref<1x128xi32, #tpu.memory_space<vmem>>, vector<16xi32>,
      %get3A_160 = arith.constant 0 : i32
      %get3A_161 = arith.index_cast %get3A_160 : i32 to index
      %get3A_162 = arith.constant 64 : index
      %get3A_163 = tpu.vector_load %arg12[%get3A_161, %get3A_162] {strides = array<i32>} : memref<1x128xi32, #tpu.memory_space<vmem>>, vector<16xi32>,
      %gather3A_164 = tpu.vector_load_idx %arg9[%get3A_159] : memref<10240xf32, #tpu.memory_space<vmem>>[vector<16xi32>], vector<16xf32>,
      %gather3A_165 = tpu.vector_load_idx %arg10[%get3A_163] : memref<10240xf32, #tpu.memory_space<vmem>>[vector<16xi32>], vector<16xf32>,
      %add3A_166 = arith.addf %gather3A_164, %gather3A_165 : vector<16xf32>
      %mul3A_167 = arith.constant 2.000000e-01 : f32
      %mul3A_168 = vector.broadcast %mul3A_167 : f32 to vector<16xf32>
      %mul3A_169 = arith.mulf %mul3A_168, %add3A_166 : vector<16xf32>
      %max3A_170 = arith.maximumf %add3A_166, %mul3A_169 : vector<16xf32>
      %exp3A_171 = math.exp %max3A_170 : vector<16xf32>
      %swap3A_172 = arith.constant 64 : index
      %swap3A_173 = tpu.vector_load %arg14[%swap3A_172] {strides = array<i32>} : memref<128xf32, #tpu.memory_space<vmem>>, vector<16xf32>,
      tpu.vector_store %arg14[%swap3A_172], %exp3A_171 {strides = array<i32>} : memref<128xf32, #tpu.memory_space<vmem>>, vector<16xf32>,
      %get3A_174 = arith.constant 0 : i32
      %get3A_175 = arith.index_cast %get3A_174 : i32 to index
      %get3A_176 = arith.constant 80 : index
      %get3A_177 = tpu.vector_load %arg11[%get3A_175, %get3A_176] {strides = array<i32>} : memref<1x128xi32, #tpu.memory_space<vmem>>, vector<16xi32>,
      %get3A_178 = arith.constant 0 : i32
      %get3A_179 = arith.index_cast %get3A_178 : i32 to index
      %get3A_180 = arith.constant 80 : index
      %get3A_181 = tpu.vector_load %arg12[%get3A_179, %get3A_180] {strides = array<i32>} : memref<1x128xi32, #tpu.memory_space<vmem>>, vector<16xi32>,
      %gather3A_182 = tpu.vector_load_idx %arg9[%get3A_177] : memref<10240xf32, #tpu.memory_space<vmem>>[vector<16xi32>], vector<16xf32>,
      %gather3A_183 = tpu.vector_load_idx %arg10[%get3A_181] : memref<10240xf32, #tpu.memory_space<vmem>>[vector<16xi32>], vector<16xf32>,
      %add3A_184 = arith.addf %gather3A_182, %gather3A_183 : vector<16xf32>
      %mul3A_185 = arith.constant 2.000000e-01 : f32
      %mul3A_186 = vector.broadcast %mul3A_185 : f32 to vector<16xf32>
      %mul3A_187 = arith.mulf %mul3A_186, %add3A_184 : vector<16xf32>
      %max3A_188 = arith.maximumf %add3A_184, %mul3A_187 : vector<16xf32>
      %exp3A_189 = math.exp %max3A_188 : vector<16xf32>
      %swap3A_190 = arith.constant 80 : index
      %swap3A_191 = tpu.vector_load %arg14[%swap3A_190] {strides = array<i32>} : memref<128xf32, #tpu.memory_space<vmem>>, vector<16xf32>,
      tpu.vector_store %arg14[%swap3A_190], %exp3A_189 {strides = array<i32>} : memref<128xf32, #tpu.memory_space<vmem>>, vector<16xf32>,
      %get3A_192 = arith.constant 0 : i32
      %get3A_193 = arith.index_cast %get3A_192 : i32 to index
      %get3A_194 = arith.constant 96 : index
      %get3A_195 = tpu.vector_load %arg11[%get3A_193, %get3A_194] {strides = array<i32>} : memref<1x128xi32, #tpu.memory_space<vmem>>, vector<16xi32>,
      %get3A_196 = arith.constant 0 : i32
      %get3A_197 = arith.index_cast %get3A_196 : i32 to index
      %get3A_198 = arith.constant 96 : index
      %get3A_199 = tpu.vector_load %arg12[%get3A_197, %get3A_198] {strides = array<i32>} : memref<1x128xi32, #tpu.memory_space<vmem>>, vector<16xi32>,
      %gather3A_200 = tpu.vector_load_idx %arg9[%get3A_195] : memref<10240xf32, #tpu.memory_space<vmem>>[vector<16xi32>], vector<16xf32>,
      %gather3A_201 = tpu.vector_load_idx %arg10[%get3A_199] : memref<10240xf32, #tpu.memory_space<vmem>>[vector<16xi32>], vector<16xf32>,
      %add3A_202 = arith.addf %gather3A_200, %gather3A_201 : vector<16xf32>
      %mul3A_203 = arith.constant 2.000000e-01 : f32
      %mul3A_204 = vector.broadcast %mul3A_203 : f32 to vector<16xf32>
      %mul3A_205 = arith.mulf %mul3A_204, %add3A_202 : vector<16xf32>
      %max3A_206 = arith.maximumf %add3A_202, %mul3A_205 : vector<16xf32>
      %exp3A_207 = math.exp %max3A_206 : vector<16xf32>
      %swap3A_208 = arith.constant 96 : index
      %swap3A_209 = tpu.vector_load %arg14[%swap3A_208] {strides = array<i32>} : memref<128xf32, #tpu.memory_space<vmem>>, vector<16xf32>,
      tpu.vector_store %arg14[%swap3A_208], %exp3A_207 {strides = array<i32>} : memref<128xf32, #tpu.memory_space<vmem>>, vector<16xf32>,
      %get3A_210 = arith.constant 0 : i32
      %get3A_211 = arith.index_cast %get3A_210 : i32 to index
      %get3A_212 = arith.constant 112 : index
      %get3A_213 = tpu.vector_load %arg11[%get3A_211, %get3A_212] {strides = array<i32>} : memref<1x128xi32, #tpu.memory_space<vmem>>, vector<16xi32>,
      %get3A_214 = arith.constant 0 : i32
      %get3A_215 = arith.index_cast %get3A_214 : i32 to index
      %get3A_216 = arith.constant 112 : index
      %get3A_217 = tpu.vector_load %arg12[%get3A_215, %get3A_216] {strides = array<i32>} : memref<1x128xi32, #tpu.memory_space<vmem>>, vector<16xi32>,
      %gather3A_218 = tpu.vector_load_idx %arg9[%get3A_213] : memref<10240xf32, #tpu.memory_space<vmem>>[vector<16xi32>], vector<16xf32>,
      %gather3A_219 = tpu.vector_load_idx %arg10[%get3A_217] : memref<10240xf32, #tpu.memory_space<vmem>>[vector<16xi32>], vector<16xf32>,
      %add3A_220 = arith.addf %gather3A_218, %gather3A_219 : vector<16xf32>
      %mul3A_221 = arith.constant 2.000000e-01 : f32
      %mul3A_222 = vector.broadcast %mul3A_221 : f32 to vector<16xf32>
      %mul3A_223 = arith.mulf %mul3A_222, %add3A_220 : vector<16xf32>
      %max3A_224 = arith.maximumf %add3A_220, %mul3A_223 : vector<16xf32>
      %exp3A_225 = math.exp %max3A_224 : vector<16xf32>
      %swap3A_226 = arith.constant 112 : index
      %swap3A_227 = tpu.vector_load %arg14[%swap3A_226] {strides = array<i32>} : memref<128xf32, #tpu.memory_space<vmem>>, vector<16xf32>,
      tpu.vector_store %arg14[%swap3A_226], %exp3A_225 {strides = array<i32>} : memref<128xf32, #tpu.memory_space<vmem>>, vector<16xf32>,
      %dma_wait3A = arith.constant 0 : i32
      %dma_wait3A_228 = arith.constant 0 : i32
      %dma_wait3A_229 = tpu.memref_slice %arg11[%dma_wait3A, %dma_wait3A_228] : memref<1x128xi32, #tpu.memory_space<vmem>> -> memref<1x128xi32, #tpu.memory_space<vmem>>
      %dma_wait3A_230 = tpu.memref_squeeze %dma_wait3A_229 : memref<1x128xi32, #tpu.memory_space<vmem>> -> memref<128xi32, #tpu.memory_space<vmem>>
      %dma_wait3A_231 = arith.constant 0 : i32
      %dma_wait3A_232 = arith.constant 0 : i32
      %dma_wait3A_233 = tpu.memref_slice %arg2[%dma_wait3A_231, %dma_wait3A_232] : memref<10240x128xf32, #tpu.memory_space<hbm>> -> memref<10240x128xf32, #tpu.memory_space<hbm>>
      tpu.wait_indirect_dma semaphore(%arg17 : memref<!tpu.dma_semaphore, #tpu.memory_space<semaphore_mem>>) src(%dma_wait3A_233 : memref<10240x128xf32, #tpu.memory_space<hbm>>) dst(%arg13 : memref<128x128xf32, #tpu.memory_space<vmem>>)
      %scan3A_234 = arith.constant 0 : i32
      %scan3A_235 = arith.constant 0 : i32
      %scan3A_236 = arith.constant 64 : i32
      %scan3A_237 = arith.addi %scan3A_235, %scan3A_236 : i32
      %scan3A_238 = arith.constant 1 : i32
      %scan3A_239 = scf.for %scan3A_244 = %scan3A_235 to %scan3A_237 step %scan3A_238 iter_args(%scan3A_245 = %scan3A_234) -> (i32)  : i32 {
        %mul3A_246 = arith.constant 2 : i32
        %mul3A_247 = arith.muli %mul3A_246, %scan3A_244 : i32
        %add3A_248 = arith.constant 0 : i32
        %add3A_249 = arith.addi %mul3A_247, %add3A_248 : i32
        %broadcast_in_dim3A_250 = vector.broadcast %add3A_249 : i32 to vector<16xi32>
        %gather3A_251 = tpu.vector_load_idx %arg14[%broadcast_in_dim3A_250] : memref<128xf32, #tpu.memory_space<vmem>>[vector<16xi32>], vector<16xf32>,
        %get3A_252 = arith.index_cast %add3A_249 : i32 to index
        %get3A_253 = arith.constant 0 : index
        %get3A_254 = tpu.vector_load %arg13[%get3A_252, %get3A_253] {strides = array<i32>} : memref<128x128xf32, #tpu.memory_space<vmem>>, vector<16xf32>,
        %mul3A_255 = arith.mulf %get3A_254, %gather3A_251 : vector<16xf32>
        %swap3A_256 = arith.index_cast %add3A_249 : i32 to index
        %swap3A_257 = arith.constant 0 : index
        %swap3A_258 = tpu.vector_load %arg13[%swap3A_256, %swap3A_257] {strides = array<i32>} : memref<128x128xf32, #tpu.memory_space<vmem>>, vector<16xf32>,
        tpu.vector_store %arg13[%swap3A_256, %swap3A_257], %mul3A_255 {strides = array<i32>} : memref<128x128xf32, #tpu.memory_space<vmem>>, vector<16xf32>,
        %get3A_259 = arith.index_cast %add3A_249 : i32 to index
        %get3A_260 = arith.constant 16 : index
        %get3A_261 = tpu.vector_load %arg13[%get3A_259, %get3A_260] {strides = array<i32>} : memref<128x128xf32, #tpu.memory_space<vmem>>, vector<16xf32>,
        %mul3A_262 = arith.mulf %get3A_261, %gather3A_251 : vector<16xf32>
        %swap3A_263 = arith.index_cast %add3A_249 : i32 to index
        %swap3A_264 = arith.constant 16 : index
        %swap3A_265 = tpu.vector_load %arg13[%swap3A_263, %swap3A_264] {strides = array<i32>} : memref<128x128xf32, #tpu.memory_space<vmem>>, vector<16xf32>,
        tpu.vector_store %arg13[%swap3A_263, %swap3A_264], %mul3A_262 {strides = array<i32>} : memref<128x128xf32, #tpu.memory_space<vmem>>, vector<16xf32>,
        %get3A_266 = arith.index_cast %add3A_249 : i32 to index
        %get3A_267 = arith.constant 32 : index
        %get3A_268 = tpu.vector_load %arg13[%get3A_266, %get3A_267] {strides = array<i32>} : memref<128x128xf32, #tpu.memory_space<vmem>>, vector<16xf32>,
        %mul3A_269 = arith.mulf %get3A_268, %gather3A_251 : vector<16xf32>
        %swap3A_270 = arith.index_cast %add3A_249 : i32 to index
        %swap3A_271 = arith.constant 32 : index
        %swap3A_272 = tpu.vector_load %arg13[%swap3A_270, %swap3A_271] {strides = array<i32>} : memref<128x128xf32, #tpu.memory_space<vmem>>, vector<16xf32>,
        tpu.vector_store %arg13[%swap3A_270, %swap3A_271], %mul3A_269 {strides = array<i32>} : memref<128x128xf32, #tpu.memory_space<vmem>>, vector<16xf32>,
        %get3A_273 = arith.index_cast %add3A_249 : i32 to index
        %get3A_274 = arith.constant 48 : index
        %get3A_275 = tpu.vector_load %arg13[%get3A_273, %get3A_274] {strides = array<i32>} : memref<128x128xf32, #tpu.memory_space<vmem>>, vector<16xf32>,
        %mul3A_276 = arith.mulf %get3A_275, %gather3A_251 : vector<16xf32>
        %swap3A_277 = arith.index_cast %add3A_249 : i32 to index
        %swap3A_278 = arith.constant 48 : index
        %swap3A_279 = tpu.vector_load %arg13[%swap3A_277, %swap3A_278] {strides = array<i32>} : memref<128x128xf32, #tpu.memory_space<vmem>>, vector<16xf32>,
        tpu.vector_store %arg13[%swap3A_277, %swap3A_278], %mul3A_276 {strides = array<i32>} : memref<128x128xf32, #tpu.memory_space<vmem>>, vector<16xf32>,
        %get3A_280 = arith.index_cast %add3A_249 : i32 to index
        %get3A_281 = arith.constant 64 : index
        %get3A_282 = tpu.vector_load %arg13[%get3A_280, %get3A_281] {strides = array<i32>} : memref<128x128xf32, #tpu.memory_space<vmem>>, vector<16xf32>,
        %mul3A_283 = arith.mulf %get3A_282, %gather3A_251 : vector<16xf32>
        %swap3A_284 = arith.index_cast %add3A_249 : i32 to index
        %swap3A_285 = arith.constant 64 : index
        %swap3A_286 = tpu.vector_load %arg13[%swap3A_284, %swap3A_285] {strides = array<i32>} : memref<128x128xf32, #tpu.memory_space<vmem>>, vector<16xf32>,
        tpu.vector_store %arg13[%swap3A_284, %swap3A_285], %mul3A_283 {strides = array<i32>} : memref<128x128xf32, #tpu.memory_space<vmem>>, vector<16xf32>,
        %get3A_287 = arith.index_cast %add3A_249 : i32 to index
        %get3A_288 = arith.constant 80 : index
        %get3A_289 = tpu.vector_load %arg13[%get3A_287, %get3A_288] {strides = array<i32>} : memref<128x128xf32, #tpu.memory_space<vmem>>, vector<16xf32>,
        %mul3A_290 = arith.mulf %get3A_289, %gather3A_251 : vector<16xf32>
        %swap3A_291 = arith.index_cast %add3A_249 : i32 to index
        %swap3A_292 = arith.constant 80 : index
        %swap3A_293 = tpu.vector_load %arg13[%swap3A_291, %swap3A_292] {strides = array<i32>} : memref<128x128xf32, #tpu.memory_space<vmem>>, vector<16xf32>,
        tpu.vector_store %arg13[%swap3A_291, %swap3A_292], %mul3A_290 {strides = array<i32>} : memref<128x128xf32, #tpu.memory_space<vmem>>, vector<16xf32>,
        %get3A_294 = arith.index_cast %add3A_249 : i32 to index
        %get3A_295 = arith.constant 96 : index
        %get3A_296 = tpu.vector_load %arg13[%get3A_294, %get3A_295] {strides = array<i32>} : memref<128x128xf32, #tpu.memory_space<vmem>>, vector<16xf32>,
        %mul3A_297 = arith.mulf %get3A_296, %gather3A_251 : vector<16xf32>
        %swap3A_298 = arith.index_cast %add3A_249 : i32 to index
        %swap3A_299 = arith.constant 96 : index
        %swap3A_300 = tpu.vector_load %arg13[%swap3A_298, %swap3A_299] {strides = array<i32>} : memref<128x128xf32, #tpu.memory_space<vmem>>, vector<16xf32>,
        tpu.vector_store %arg13[%swap3A_298, %swap3A_299], %mul3A_297 {strides = array<i32>} : memref<128x128xf32, #tpu.memory_space<vmem>>, vector<16xf32>,
        %get3A_301 = arith.index_cast %add3A_249 : i32 to index
        %get3A_302 = arith.constant 112 : index
        %get3A_303 = tpu.vector_load %arg13[%get3A_301, %get3A_302] {strides = array<i32>} : memref<128x128xf32, #tpu.memory_space<vmem>>, vector<16xf32>,
        %mul3A_304 = arith.mulf %get3A_303, %gather3A_251 : vector<16xf32>
        %swap3A_305 = arith.index_cast %add3A_249 : i32 to index
        %swap3A_306 = arith.constant 112 : index
        %swap3A_307 = tpu.vector_load %arg13[%swap3A_305, %swap3A_306] {strides = array<i32>} : memref<128x128xf32, #tpu.memory_space<vmem>>, vector<16xf32>,
        tpu.vector_store %arg13[%swap3A_305, %swap3A_306], %mul3A_304 {strides = array<i32>} : memref<128x128xf32, #tpu.memory_space<vmem>>, vector<16xf32>,
        %mul3A_308 = arith.constant 2 : i32
        %mul3A_309 = arith.muli %mul3A_308, %scan3A_244 : i32
        %add3A_310 = arith.constant 1 : i32
        %add3A_311 = arith.addi %mul3A_309, %add3A_310 : i32
        %broadcast_in_dim3A_312 = vector.broadcast %add3A_311 : i32 to vector<16xi32>
        %gather3A_313 = tpu.vector_load_idx %arg14[%broadcast_in_dim3A_312] : memref<128xf32, #tpu.memory_space<vmem>>[vector<16xi32>], vector<16xf32>,
        %get3A_314 = arith.index_cast %add3A_311 : i32 to index
        %get3A_315 = arith.constant 0 : index
        %get3A_316 = tpu.vector_load %arg13[%get3A_314, %get3A_315] {strides = array<i32>} : memref<128x128xf32, #tpu.memory_space<vmem>>, vector<16xf32>,
        %mul3A_317 = arith.mulf %get3A_316, %gather3A_313 : vector<16xf32>
        %swap3A_318 = arith.index_cast %add3A_311 : i32 to index
        %swap3A_319 = arith.constant 0 : index
        %swap3A_320 = tpu.vector_load %arg13[%swap3A_318, %swap3A_319] {strides = array<i32>} : memref<128x128xf32, #tpu.memory_space<vmem>>, vector<16xf32>,
        tpu.vector_store %arg13[%swap3A_318, %swap3A_319], %mul3A_317 {strides = array<i32>} : memref<128x128xf32, #tpu.memory_space<vmem>>, vector<16xf32>,
        %get3A_321 = arith.index_cast %add3A_311 : i32 to index
        %get3A_322 = arith.constant 16 : index
        %get3A_323 = tpu.vector_load %arg13[%get3A_321, %get3A_322] {strides = array<i32>} : memref<128x128xf32, #tpu.memory_space<vmem>>, vector<16xf32>,
        %mul3A_324 = arith.mulf %get3A_323, %gather3A_313 : vector<16xf32>
        %swap3A_325 = arith.index_cast %add3A_311 : i32 to index
        %swap3A_326 = arith.constant 16 : index
        %swap3A_327 = tpu.vector_load %arg13[%swap3A_325, %swap3A_326] {strides = array<i32>} : memref<128x128xf32, #tpu.memory_space<vmem>>, vector<16xf32>,
        tpu.vector_store %arg13[%swap3A_325, %swap3A_326], %mul3A_324 {strides = array<i32>} : memref<128x128xf32, #tpu.memory_space<vmem>>, vector<16xf32>,
        %get3A_328 = arith.index_cast %add3A_311 : i32 to index
        %get3A_329 = arith.constant 32 : index
        %get3A_330 = tpu.vector_load %arg13[%get3A_328, %get3A_329] {strides = array<i32>} : memref<128x128xf32, #tpu.memory_space<vmem>>, vector<16xf32>,
        %mul3A_331 = arith.mulf %get3A_330, %gather3A_313 : vector<16xf32>
        %swap3A_332 = arith.index_cast %add3A_311 : i32 to index
        %swap3A_333 = arith.constant 32 : index
        %swap3A_334 = tpu.vector_load %arg13[%swap3A_332, %swap3A_333] {strides = array<i32>} : memref<128x128xf32, #tpu.memory_space<vmem>>, vector<16xf32>,
        tpu.vector_store %arg13[%swap3A_332, %swap3A_333], %mul3A_331 {strides = array<i32>} : memref<128x128xf32, #tpu.memory_space<vmem>>, vector<16xf32>,
        %get3A_335 = arith.index_cast %add3A_311 : i32 to index
        %get3A_336 = arith.constant 48 : index
        %get3A_337 = tpu.vector_load %arg13[%get3A_335, %get3A_336] {strides = array<i32>} : memref<128x128xf32, #tpu.memory_space<vmem>>, vector<16xf32>,
        %mul3A_338 = arith.mulf %get3A_337, %gather3A_313 : vector<16xf32>
        %swap3A_339 = arith.index_cast %add3A_311 : i32 to index
        %swap3A_340 = arith.constant 48 : index
        %swap3A_341 = tpu.vector_load %arg13[%swap3A_339, %swap3A_340] {strides = array<i32>} : memref<128x128xf32, #tpu.memory_space<vmem>>, vector<16xf32>,
        tpu.vector_store %arg13[%swap3A_339, %swap3A_340], %mul3A_338 {strides = array<i32>} : memref<128x128xf32, #tpu.memory_space<vmem>>, vector<16xf32>,
        %get3A_342 = arith.index_cast %add3A_311 : i32 to index
        %get3A_343 = arith.constant 64 : index
        %get3A_344 = tpu.vector_load %arg13[%get3A_342, %get3A_343] {strides = array<i32>} : memref<128x128xf32, #tpu.memory_space<vmem>>, vector<16xf32>,
        %mul3A_345 = arith.mulf %get3A_344, %gather3A_313 : vector<16xf32>
        %swap3A_346 = arith.index_cast %add3A_311 : i32 to index
        %swap3A_347 = arith.constant 64 : index
        %swap3A_348 = tpu.vector_load %arg13[%swap3A_346, %swap3A_347] {strides = array<i32>} : memref<128x128xf32, #tpu.memory_space<vmem>>, vector<16xf32>,
        tpu.vector_store %arg13[%swap3A_346, %swap3A_347], %mul3A_345 {strides = array<i32>} : memref<128x128xf32, #tpu.memory_space<vmem>>, vector<16xf32>,
        %get3A_349 = arith.index_cast %add3A_311 : i32 to index
        %get3A_350 = arith.constant 80 : index
        %get3A_351 = tpu.vector_load %arg13[%get3A_349, %get3A_350] {strides = array<i32>} : memref<128x128xf32, #tpu.memory_space<vmem>>, vector<16xf32>,
        %mul3A_352 = arith.mulf %get3A_351, %gather3A_313 : vector<16xf32>
        %swap3A_353 = arith.index_cast %add3A_311 : i32 to index
        %swap3A_354 = arith.constant 80 : index
        %swap3A_355 = tpu.vector_load %arg13[%swap3A_353, %swap3A_354] {strides = array<i32>} : memref<128x128xf32, #tpu.memory_space<vmem>>, vector<16xf32>,
        tpu.vector_store %arg13[%swap3A_353, %swap3A_354], %mul3A_352 {strides = array<i32>} : memref<128x128xf32, #tpu.memory_space<vmem>>, vector<16xf32>,
        %get3A_356 = arith.index_cast %add3A_311 : i32 to index
        %get3A_357 = arith.constant 96 : index
        %get3A_358 = tpu.vector_load %arg13[%get3A_356, %get3A_357] {strides = array<i32>} : memref<128x128xf32, #tpu.memory_space<vmem>>, vector<16xf32>,
        %mul3A_359 = arith.mulf %get3A_358, %gather3A_313 : vector<16xf32>
        %swap3A_360 = arith.index_cast %add3A_311 : i32 to index
        %swap3A_361 = arith.constant 96 : index
        %swap3A_362 = tpu.vector_load %arg13[%swap3A_360, %swap3A_361] {strides = array<i32>} : memref<128x128xf32, #tpu.memory_space<vmem>>, vector<16xf32>,
        tpu.vector_store %arg13[%swap3A_360, %swap3A_361], %mul3A_359 {strides = array<i32>} : memref<128x128xf32, #tpu.memory_space<vmem>>, vector<16xf32>,
        %get3A_363 = arith.index_cast %add3A_311 : i32 to index
        %get3A_364 = arith.constant 112 : index
        %get3A_365 = tpu.vector_load %arg13[%get3A_363, %get3A_364] {strides = array<i32>} : memref<128x128xf32, #tpu.memory_space<vmem>>, vector<16xf32>,
        %mul3A_366 = arith.mulf %get3A_365, %gather3A_313 : vector<16xf32>
        %swap3A_367 = arith.index_cast %add3A_311 : i32 to index
        %swap3A_368 = arith.constant 112 : index
        %swap3A_369 = tpu.vector_load %arg13[%swap3A_367, %swap3A_368] {strides = array<i32>} : memref<128x128xf32, #tpu.memory_space<vmem>>, vector<16xf32>,
        tpu.vector_store %arg13[%swap3A_367, %swap3A_368], %mul3A_366 {strides = array<i32>} : memref<128x128xf32, #tpu.memory_space<vmem>>, vector<16xf32>,
        %scan3A_370 = arith.constant 0 : i32
        scf.yield %scan3A_370 : i32
      }
      %scan3A_240 = arith.constant 64 : i32
      %run_scoped3A_241 = arith.constant 0 : i32
      "tpu.region"() ({
        %run_scoped3A_244 = tpu.sem_alloc : memref<!tpu.dma_semaphore, #tpu.memory_space<semaphore_mem>>
        %dma_start3A_245 = arith.constant 0 : i32
        %dma_start3A_246 = tpu.memref_slice %arg12[%run_scoped3A_241, %dma_start3A_245] : memref<1x128xi32, #tpu.memory_space<vmem>> -> memref<1x128xi32, #tpu.memory_space<vmem>>
        %dma_start3A_247 = tpu.memref_squeeze %dma_start3A_246 : memref<1x128xi32, #tpu.memory_space<vmem>> -> memref<128xi32, #tpu.memory_space<vmem>>
        %dma_start3A_248 = arith.constant 0 : i32
        %dma_start3A_249 = arith.constant 0 : i32
        %dma_start3A_250 = tpu.memref_slice %arg15[%dma_start3A_248, %dma_start3A_249] : memref<10240x128xf32, #tpu.memory_space<vmem_shared>> -> memref<10240x128xf32, #tpu.memory_space<vmem_shared>>
        tpu.enqueue_indirect_dma source(%arg13 : memref<128x128xf32, #tpu.memory_space<vmem>>) target(%dma_start3A_250 : memref<10240x128xf32, #tpu.memory_space<vmem_shared>>) offsets(%dma_start3A_247 : memref<128xi32, #tpu.memory_space<vmem>>) semaphore(%run_scoped3A_244 : memref<!tpu.dma_semaphore, #tpu.memory_space<semaphore_mem>>) {add = true}
        %dma_wait3A_251 = arith.constant 0 : i32
        %dma_wait3A_252 = tpu.memref_slice %arg12[%run_scoped3A_241, %dma_wait3A_251] : memref<1x128xi32, #tpu.memory_space<vmem>> -> memref<1x128xi32, #tpu.memory_space<vmem>>
        %dma_wait3A_253 = tpu.memref_squeeze %dma_wait3A_252 : memref<1x128xi32, #tpu.memory_space<vmem>> -> memref<128xi32, #tpu.memory_space<vmem>>
        %dma_wait3A_254 = arith.constant 0 : i32
        %dma_wait3A_255 = arith.constant 0 : i32
        %dma_wait3A_256 = tpu.memref_slice %arg15[%dma_wait3A_254, %dma_wait3A_255] : memref<10240x128xf32, #tpu.memory_space<vmem_shared>> -> memref<10240x128xf32, #tpu.memory_space<vmem_shared>>
        tpu.wait_indirect_dma semaphore(%run_scoped3A_244 : memref<!tpu.dma_semaphore, #tpu.memory_space<semaphore_mem>>) src(%arg13 : memref<128x128xf32, #tpu.memory_space<vmem>>) dst(%dma_wait3A_256 : memref<10240x128xf32, #tpu.memory_space<vmem_shared>>)
        tpu.yield
      }) : () -> ()
      %run_scoped3A_242 = arith.constant 0 : i32
      "tpu.region"() ({
        %run_scoped3A_244 = tpu.sem_alloc : memref<!tpu.dma_semaphore, #tpu.memory_space<semaphore_mem>>
        %dma_start3A_245 = arith.constant 0 : i32
        %dma_start3A_246 = tpu.memref_slice %arg12[%run_scoped3A_242, %dma_start3A_245] : memref<1x128xi32, #tpu.memory_space<vmem>> -> memref<1x128xi32, #tpu.memory_space<vmem>>
        %dma_start3A_247 = tpu.memref_squeeze %dma_start3A_246 : memref<1x128xi32, #tpu.memory_space<vmem>> -> memref<128xi32, #tpu.memory_space<vmem>>
        %dma_start3A_248 = arith.constant 0 : i32
        %dma_start3A_249 = tpu.memref_slice %arg16[%dma_start3A_248] : memref<10240xf32, #tpu.memory_space<vmem_shared>> -> memref<10240xf32, #tpu.memory_space<vmem_shared>>
        tpu.enqueue_indirect_dma source(%arg14 : memref<128xf32, #tpu.memory_space<vmem>>) target(%dma_start3A_249 : memref<10240xf32, #tpu.memory_space<vmem_shared>>) offsets(%dma_start3A_247 : memref<128xi32, #tpu.memory_space<vmem>>) semaphore(%run_scoped3A_244 : memref<!tpu.dma_semaphore, #tpu.memory_space<semaphore_mem>>) {add = true}
        %dma_wait3A_250 = arith.constant 0 : i32
        %dma_wait3A_251 = tpu.memref_slice %arg12[%run_scoped3A_242, %dma_wait3A_250] : memref<1x128xi32, #tpu.memory_space<vmem>> -> memref<1x128xi32, #tpu.memory_space<vmem>>
        %dma_wait3A_252 = tpu.memref_squeeze %dma_wait3A_251 : memref<1x128xi32, #tpu.memory_space<vmem>> -> memref<128xi32, #tpu.memory_space<vmem>>
        %dma_wait3A_253 = arith.constant 0 : i32
        %dma_wait3A_254 = tpu.memref_slice %arg16[%dma_wait3A_253] : memref<10240xf32, #tpu.memory_space<vmem_shared>> -> memref<10240xf32, #tpu.memory_space<vmem_shared>>
        tpu.wait_indirect_dma semaphore(%run_scoped3A_244 : memref<!tpu.dma_semaphore, #tpu.memory_space<semaphore_mem>>) src(%arg14 : memref<128xf32, #tpu.memory_space<vmem>>) dst(%dma_wait3A_254 : memref<10240xf32, #tpu.memory_space<vmem_shared>>)
        tpu.yield
      }) : () -> ()
      %scan3A_243 = arith.constant 0 : i32
      scf.yield %scan3A_243 : i32
    }
    %scan3A_69 = arith.constant 79 : i32
    %barrier3A_70 = arith.constant 0 : index
    tpu.barrier barrier_id(%barrier3A_70)
    %mul3A_71 = arith.constant 640 : i32
    %mul3A_72 = arith.muli %arg1, %mul3A_71 : i32
    %mul3A_73 = arith.constant 640 : i32
    %mul3A_74 = arith.muli %arg1, %mul3A_73 : i32
    "tpu.region"() ({
      %run_scoped3A = tpu.sem_alloc : memref<!tpu.dma_semaphore, #tpu.memory_space<semaphore_mem>>
      %dma_start3A = arith.constant 0 : i32
      %dma_start3A_79 = tpu.memref_slice %arg7[%arg0, %mul3A_74, %dma_start3A] : memref<2x10240x128xf32, #tpu.memory_space<hbm>> -> memref<1x640x128xf32, #tpu.memory_space<hbm>>
      %dma_start3A_80 = tpu.memref_squeeze %dma_start3A_79 : memref<1x640x128xf32, #tpu.memory_space<hbm>> -> memref<640x128xf32, #tpu.memory_space<hbm>>
      %dma_start3A_81 = arith.constant 0 : i32
      %dma_start3A_82 = tpu.memref_slice %arg15[%mul3A_72, %dma_start3A_81] : memref<10240x128xf32, #tpu.memory_space<vmem_shared>> -> memref<640x128xf32, #tpu.memory_space<vmem_shared>>
      tpu.enqueue_dma source(%dma_start3A_82 : memref<640x128xf32, #tpu.memory_space<vmem_shared>>) target(%dma_start3A_80 : memref<640x128xf32, #tpu.memory_space<hbm>>) target_semaphore(%run_scoped3A : memref<!tpu.dma_semaphore, #tpu.memory_space<semaphore_mem>>)
      %dma_wait3A = arith.constant 0 : i32
      %dma_wait3A_83 = tpu.memref_slice %arg7[%arg0, %mul3A_74, %dma_wait3A] : memref<2x10240x128xf32, #tpu.memory_space<hbm>> -> memref<1x640x128xf32, #tpu.memory_space<hbm>>
      %dma_wait3A_84 = tpu.memref_squeeze %dma_wait3A_83 : memref<1x640x128xf32, #tpu.memory_space<hbm>> -> memref<640x128xf32, #tpu.memory_space<hbm>>
      %dma_wait3A_85 = arith.constant 0 : i32
      %dma_wait3A_86 = tpu.memref_slice %arg15[%mul3A_72, %dma_wait3A_85] : memref<10240x128xf32, #tpu.memory_space<vmem_shared>> -> memref<640x128xf32, #tpu.memory_space<vmem_shared>>
      tpu.wait_dma2 semaphore(%run_scoped3A : memref<!tpu.dma_semaphore, #tpu.memory_space<semaphore_mem>>) src(%dma_wait3A_86 : memref<640x128xf32, #tpu.memory_space<vmem_shared>>) dst(%dma_wait3A_84 : memref<640x128xf32, #tpu.memory_space<hbm>>)
      tpu.yield
    }) : () -> ()
    %mul3A_75 = arith.constant 640 : i32
    %mul3A_76 = arith.muli %arg1, %mul3A_75 : i32
    %mul3A_77 = arith.constant 640 : i32
    %mul3A_78 = arith.muli %arg1, %mul3A_77 : i32
    "tpu.region"() ({
      %run_scoped3A = tpu.sem_alloc : memref<!tpu.dma_semaphore, #tpu.memory_space<semaphore_mem>>
      %dma_start3A = tpu.memref_slice %arg8[%arg0, %mul3A_78] : memref<2x10240xf32, #tpu.memory_space<hbm>> -> memref<1x640xf32, #tpu.memory_space<hbm>>
      %dma_start3A_79 = tpu.memref_squeeze %dma_start3A : memref<1x640xf32, #tpu.memory_space<hbm>> -> memref<640xf32, #tpu.memory_space<hbm>>
      %dma_start3A_80 = tpu.memref_slice %arg16[%mul3A_76] : memref<10240xf32, #tpu.memory_space<vmem_shared>> -> memref<640xf32, #tpu.memory_space<vmem_shared>>
      tpu.enqueue_dma source(%dma_start3A_80 : memref<640xf32, #tpu.memory_space<vmem_shared>>) target(%dma_start3A_79 : memref<640xf32, #tpu.memory_space<hbm>>) target_semaphore(%run_scoped3A : memref<!tpu.dma_semaphore, #tpu.memory_space<semaphore_mem>>)
      %dma_wait3A = tpu.memref_slice %arg8[%arg0, %mul3A_78] : memref<2x10240xf32, #tpu.memory_space<hbm>> -> memref<1x640xf32, #tpu.memory_space<hbm>>
      %dma_wait3A_81 = tpu.memref_squeeze %dma_wait3A : memref<1x640xf32, #tpu.memory_space<hbm>> -> memref<640xf32, #tpu.memory_space<hbm>>
      %dma_wait3A_82 = tpu.memref_slice %arg16[%mul3A_76] : memref<10240xf32, #tpu.memory_space<vmem_shared>> -> memref<640xf32, #tpu.memory_space<vmem_shared>>
      tpu.wait_dma2 semaphore(%run_scoped3A : memref<!tpu.dma_semaphore, #tpu.memory_space<semaphore_mem>>) src(%dma_wait3A_82 : memref<640xf32, #tpu.memory_space<vmem_shared>>) dst(%dma_wait3A_81 : memref<640xf32, #tpu.memory_space<hbm>>)
      tpu.yield
    }) : () -> ()
    return
  }
}

#map = affine_map<(d0, d1) -> (0)>
#map1 = affine_map<(d0, d1) -> (0, 0)>
module attributes {stable_mosaic.version = 14 : i64} {
  func.func @k(%arg0: i32, %arg1: i32, %arg2: memref<10240xi32, #tpu.memory_space<hbm>>, %arg3: memref<32000x128xf32, #tpu.memory_space<hbm>>, %arg4: memref<10240x128xf32, #tpu.memory_space<hbm>>, %arg5: memref<64xi32, #tpu.memory_space<vmem>>, %arg6: memref<64x128xf32, #tpu.memory_space<vmem>>, %arg7: memref<!tpu.dma_semaphore, #tpu.memory_space<semaphore_mem>>) attributes {dimension_semantics = [#tpu.dimension_semantics<core_parallel>, #tpu.dimension_semantics<subcore_parallel>], iteration_bounds = array<i64: 2, 16>, scalar_prefetch = 0 : i64, scratch_operands = 3 : i64, tpu.core_type = #tpu.core_type<sc_vector_subcore>, window_params = [{transform_indices = #map}, {transform_indices = #map1}, {transform_indices = #map1}]} {
    %mul3A = arith.constant 2 : i32
    %mul3A_0 = arith.muli %arg1, %mul3A : i32
    %add3A = arith.addi %mul3A_0, %arg0 : i32
    %mul3A_1 = arith.constant 320 : i32
    %mul3A_2 = arith.muli %add3A, %mul3A_1 : i32
    %add3A_3 = arith.constant 0 : i32
    %add3A_4 = arith.addi %mul3A_2, %add3A_3 : i32
    "tpu.region"() ({
      %run_scoped3A = tpu.sem_alloc : memref<!tpu.dma_semaphore, #tpu.memory_space<semaphore_mem>>
      %dma_start3A_51 = tpu.memref_slice %arg2[%add3A_4] : memref<10240xi32, #tpu.memory_space<hbm>> -> memref<64xi32, #tpu.memory_space<hbm>>
      %dma_start3A_52 = tpu.memref_slice %arg2[%add3A_4] : memref<10240xi32, #tpu.memory_space<hbm>> -> memref<64xi32, #tpu.memory_space<hbm>>
      tpu.enqueue_dma source(%dma_start3A_52 : memref<64xi32, #tpu.memory_space<hbm>>) target(%arg5 : memref<64xi32, #tpu.memory_space<vmem>>) target_semaphore(%run_scoped3A : memref<!tpu.dma_semaphore, #tpu.memory_space<semaphore_mem>>)
      %dma_wait3A_53 = tpu.memref_slice %arg2[%add3A_4] : memref<10240xi32, #tpu.memory_space<hbm>> -> memref<64xi32, #tpu.memory_space<hbm>>
      %dma_wait3A_54 = tpu.memref_slice %arg2[%add3A_4] : memref<10240xi32, #tpu.memory_space<hbm>> -> memref<64xi32, #tpu.memory_space<hbm>>
      tpu.wait_dma2 semaphore(%run_scoped3A : memref<!tpu.dma_semaphore, #tpu.memory_space<semaphore_mem>>) src(%dma_wait3A_54 : memref<64xi32, #tpu.memory_space<hbm>>) dst(%arg5 : memref<64xi32, #tpu.memory_space<vmem>>)
      tpu.yield
    }) : () -> ()
    %dma_start3A = arith.constant 0 : i32
    %dma_start3A_5 = arith.constant 0 : i32
    %dma_start3A_6 = tpu.memref_slice %arg3[%dma_start3A, %dma_start3A_5] : memref<32000x128xf32, #tpu.memory_space<hbm>> -> memref<32000x128xf32, #tpu.memory_space<hbm>>
    tpu.enqueue_indirect_dma source(%dma_start3A_6 : memref<32000x128xf32, #tpu.memory_space<hbm>>) target(%arg6 : memref<64x128xf32, #tpu.memory_space<vmem>>) offsets(%arg5 : memref<64xi32, #tpu.memory_space<vmem>>) semaphore(%arg7 : memref<!tpu.dma_semaphore, #tpu.memory_space<semaphore_mem>>)
    %dma_wait3A = arith.constant 0 : i32
    %dma_wait3A_7 = arith.constant 0 : i32
    %dma_wait3A_8 = tpu.memref_slice %arg3[%dma_wait3A, %dma_wait3A_7] : memref<32000x128xf32, #tpu.memory_space<hbm>> -> memref<32000x128xf32, #tpu.memory_space<hbm>>
    tpu.wait_indirect_dma semaphore(%arg7 : memref<!tpu.dma_semaphore, #tpu.memory_space<semaphore_mem>>) src(%dma_wait3A_8 : memref<32000x128xf32, #tpu.memory_space<hbm>>) dst(%arg6 : memref<64x128xf32, #tpu.memory_space<vmem>>)
    %add3A_9 = arith.constant 0 : i32
    %add3A_10 = arith.addi %mul3A_2, %add3A_9 : i32
    "tpu.region"() ({
      %run_scoped3A = tpu.sem_alloc : memref<!tpu.dma_semaphore, #tpu.memory_space<semaphore_mem>>
      %dma_start3A_51 = arith.constant 0 : i32
      %dma_start3A_52 = tpu.memref_slice %arg4[%add3A_10, %dma_start3A_51] : memref<10240x128xf32, #tpu.memory_space<hbm>> -> memref<64x128xf32, #tpu.memory_space<hbm>>
      %dma_start3A_53 = arith.constant 0 : i32
      %dma_start3A_54 = tpu.memref_slice %arg4[%add3A_10, %dma_start3A_53] : memref<10240x128xf32, #tpu.memory_space<hbm>> -> memref<64x128xf32, #tpu.memory_space<hbm>>
      tpu.enqueue_dma source(%arg6 : memref<64x128xf32, #tpu.memory_space<vmem>>) target(%dma_start3A_54 : memref<64x128xf32, #tpu.memory_space<hbm>>) target_semaphore(%run_scoped3A : memref<!tpu.dma_semaphore, #tpu.memory_space<semaphore_mem>>)
      %dma_wait3A_55 = arith.constant 0 : i32
      %dma_wait3A_56 = tpu.memref_slice %arg4[%add3A_10, %dma_wait3A_55] : memref<10240x128xf32, #tpu.memory_space<hbm>> -> memref<64x128xf32, #tpu.memory_space<hbm>>
      %dma_wait3A_57 = arith.constant 0 : i32
      %dma_wait3A_58 = tpu.memref_slice %arg4[%add3A_10, %dma_wait3A_57] : memref<10240x128xf32, #tpu.memory_space<hbm>> -> memref<64x128xf32, #tpu.memory_space<hbm>>
      tpu.wait_dma2 semaphore(%run_scoped3A : memref<!tpu.dma_semaphore, #tpu.memory_space<semaphore_mem>>) src(%arg6 : memref<64x128xf32, #tpu.memory_space<vmem>>) dst(%dma_wait3A_58 : memref<64x128xf32, #tpu.memory_space<hbm>>)
      tpu.yield
    }) : () -> ()
    %add3A_11 = arith.constant 64 : i32
    %add3A_12 = arith.addi %mul3A_2, %add3A_11 : i32
    "tpu.region"() ({
      %run_scoped3A = tpu.sem_alloc : memref<!tpu.dma_semaphore, #tpu.memory_space<semaphore_mem>>
      %dma_start3A_51 = tpu.memref_slice %arg2[%add3A_12] : memref<10240xi32, #tpu.memory_space<hbm>> -> memref<64xi32, #tpu.memory_space<hbm>>
      %dma_start3A_52 = tpu.memref_slice %arg2[%add3A_12] : memref<10240xi32, #tpu.memory_space<hbm>> -> memref<64xi32, #tpu.memory_space<hbm>>
      tpu.enqueue_dma source(%dma_start3A_52 : memref<64xi32, #tpu.memory_space<hbm>>) target(%arg5 : memref<64xi32, #tpu.memory_space<vmem>>) target_semaphore(%run_scoped3A : memref<!tpu.dma_semaphore, #tpu.memory_space<semaphore_mem>>)
      %dma_wait3A_53 = tpu.memref_slice %arg2[%add3A_12] : memref<10240xi32, #tpu.memory_space<hbm>> -> memref<64xi32, #tpu.memory_space<hbm>>
      %dma_wait3A_54 = tpu.memref_slice %arg2[%add3A_12] : memref<10240xi32, #tpu.memory_space<hbm>> -> memref<64xi32, #tpu.memory_space<hbm>>
      tpu.wait_dma2 semaphore(%run_scoped3A : memref<!tpu.dma_semaphore, #tpu.memory_space<semaphore_mem>>) src(%dma_wait3A_54 : memref<64xi32, #tpu.memory_space<hbm>>) dst(%arg5 : memref<64xi32, #tpu.memory_space<vmem>>)
      tpu.yield
    }) : () -> ()
    %dma_start3A_13 = arith.constant 0 : i32
    %dma_start3A_14 = arith.constant 0 : i32
    %dma_start3A_15 = tpu.memref_slice %arg3[%dma_start3A_13, %dma_start3A_14] : memref<32000x128xf32, #tpu.memory_space<hbm>> -> memref<32000x128xf32, #tpu.memory_space<hbm>>
    tpu.enqueue_indirect_dma source(%dma_start3A_15 : memref<32000x128xf32, #tpu.memory_space<hbm>>) target(%arg6 : memref<64x128xf32, #tpu.memory_space<vmem>>) offsets(%arg5 : memref<64xi32, #tpu.memory_space<vmem>>) semaphore(%arg7 : memref<!tpu.dma_semaphore, #tpu.memory_space<semaphore_mem>>)
    %dma_wait3A_16 = arith.constant 0 : i32
    %dma_wait3A_17 = arith.constant 0 : i32
    %dma_wait3A_18 = tpu.memref_slice %arg3[%dma_wait3A_16, %dma_wait3A_17] : memref<32000x128xf32, #tpu.memory_space<hbm>> -> memref<32000x128xf32, #tpu.memory_space<hbm>>
    tpu.wait_indirect_dma semaphore(%arg7 : memref<!tpu.dma_semaphore, #tpu.memory_space<semaphore_mem>>) src(%dma_wait3A_18 : memref<32000x128xf32, #tpu.memory_space<hbm>>) dst(%arg6 : memref<64x128xf32, #tpu.memory_space<vmem>>)
    %add3A_19 = arith.constant 64 : i32
    %add3A_20 = arith.addi %mul3A_2, %add3A_19 : i32
    "tpu.region"() ({
      %run_scoped3A = tpu.sem_alloc : memref<!tpu.dma_semaphore, #tpu.memory_space<semaphore_mem>>
      %dma_start3A_51 = arith.constant 0 : i32
      %dma_start3A_52 = tpu.memref_slice %arg4[%add3A_20, %dma_start3A_51] : memref<10240x128xf32, #tpu.memory_space<hbm>> -> memref<64x128xf32, #tpu.memory_space<hbm>>
      %dma_start3A_53 = arith.constant 0 : i32
      %dma_start3A_54 = tpu.memref_slice %arg4[%add3A_20, %dma_start3A_53] : memref<10240x128xf32, #tpu.memory_space<hbm>> -> memref<64x128xf32, #tpu.memory_space<hbm>>
      tpu.enqueue_dma source(%arg6 : memref<64x128xf32, #tpu.memory_space<vmem>>) target(%dma_start3A_54 : memref<64x128xf32, #tpu.memory_space<hbm>>) target_semaphore(%run_scoped3A : memref<!tpu.dma_semaphore, #tpu.memory_space<semaphore_mem>>)
      %dma_wait3A_55 = arith.constant 0 : i32
      %dma_wait3A_56 = tpu.memref_slice %arg4[%add3A_20, %dma_wait3A_55] : memref<10240x128xf32, #tpu.memory_space<hbm>> -> memref<64x128xf32, #tpu.memory_space<hbm>>
      %dma_wait3A_57 = arith.constant 0 : i32
      %dma_wait3A_58 = tpu.memref_slice %arg4[%add3A_20, %dma_wait3A_57] : memref<10240x128xf32, #tpu.memory_space<hbm>> -> memref<64x128xf32, #tpu.memory_space<hbm>>
      tpu.wait_dma2 semaphore(%run_scoped3A : memref<!tpu.dma_semaphore, #tpu.memory_space<semaphore_mem>>) src(%arg6 : memref<64x128xf32, #tpu.memory_space<vmem>>) dst(%dma_wait3A_58 : memref<64x128xf32, #tpu.memory_space<hbm>>)
      tpu.yield
    }) : () -> ()
    %add3A_21 = arith.constant 128 : i32
    %add3A_22 = arith.addi %mul3A_2, %add3A_21 : i32
    "tpu.region"() ({
      %run_scoped3A = tpu.sem_alloc : memref<!tpu.dma_semaphore, #tpu.memory_space<semaphore_mem>>
      %dma_start3A_51 = tpu.memref_slice %arg2[%add3A_22] : memref<10240xi32, #tpu.memory_space<hbm>> -> memref<64xi32, #tpu.memory_space<hbm>>
      %dma_start3A_52 = tpu.memref_slice %arg2[%add3A_22] : memref<10240xi32, #tpu.memory_space<hbm>> -> memref<64xi32, #tpu.memory_space<hbm>>
      tpu.enqueue_dma source(%dma_start3A_52 : memref<64xi32, #tpu.memory_space<hbm>>) target(%arg5 : memref<64xi32, #tpu.memory_space<vmem>>) target_semaphore(%run_scoped3A : memref<!tpu.dma_semaphore, #tpu.memory_space<semaphore_mem>>)
      %dma_wait3A_53 = tpu.memref_slice %arg2[%add3A_22] : memref<10240xi32, #tpu.memory_space<hbm>> -> memref<64xi32, #tpu.memory_space<hbm>>
      %dma_wait3A_54 = tpu.memref_slice %arg2[%add3A_22] : memref<10240xi32, #tpu.memory_space<hbm>> -> memref<64xi32, #tpu.memory_space<hbm>>
      tpu.wait_dma2 semaphore(%run_scoped3A : memref<!tpu.dma_semaphore, #tpu.memory_space<semaphore_mem>>) src(%dma_wait3A_54 : memref<64xi32, #tpu.memory_space<hbm>>) dst(%arg5 : memref<64xi32, #tpu.memory_space<vmem>>)
      tpu.yield
    }) : () -> ()
    %dma_start3A_23 = arith.constant 0 : i32
    %dma_start3A_24 = arith.constant 0 : i32
    %dma_start3A_25 = tpu.memref_slice %arg3[%dma_start3A_23, %dma_start3A_24] : memref<32000x128xf32, #tpu.memory_space<hbm>> -> memref<32000x128xf32, #tpu.memory_space<hbm>>
    tpu.enqueue_indirect_dma source(%dma_start3A_25 : memref<32000x128xf32, #tpu.memory_space<hbm>>) target(%arg6 : memref<64x128xf32, #tpu.memory_space<vmem>>) offsets(%arg5 : memref<64xi32, #tpu.memory_space<vmem>>) semaphore(%arg7 : memref<!tpu.dma_semaphore, #tpu.memory_space<semaphore_mem>>)
    %dma_wait3A_26 = arith.constant 0 : i32
    %dma_wait3A_27 = arith.constant 0 : i32
    %dma_wait3A_28 = tpu.memref_slice %arg3[%dma_wait3A_26, %dma_wait3A_27] : memref<32000x128xf32, #tpu.memory_space<hbm>> -> memref<32000x128xf32, #tpu.memory_space<hbm>>
    tpu.wait_indirect_dma semaphore(%arg7 : memref<!tpu.dma_semaphore, #tpu.memory_space<semaphore_mem>>) src(%dma_wait3A_28 : memref<32000x128xf32, #tpu.memory_space<hbm>>) dst(%arg6 : memref<64x128xf32, #tpu.memory_space<vmem>>)
    %add3A_29 = arith.constant 128 : i32
    %add3A_30 = arith.addi %mul3A_2, %add3A_29 : i32
    "tpu.region"() ({
      %run_scoped3A = tpu.sem_alloc : memref<!tpu.dma_semaphore, #tpu.memory_space<semaphore_mem>>
      %dma_start3A_51 = arith.constant 0 : i32
      %dma_start3A_52 = tpu.memref_slice %arg4[%add3A_30, %dma_start3A_51] : memref<10240x128xf32, #tpu.memory_space<hbm>> -> memref<64x128xf32, #tpu.memory_space<hbm>>
      %dma_start3A_53 = arith.constant 0 : i32
      %dma_start3A_54 = tpu.memref_slice %arg4[%add3A_30, %dma_start3A_53] : memref<10240x128xf32, #tpu.memory_space<hbm>> -> memref<64x128xf32, #tpu.memory_space<hbm>>
      tpu.enqueue_dma source(%arg6 : memref<64x128xf32, #tpu.memory_space<vmem>>) target(%dma_start3A_54 : memref<64x128xf32, #tpu.memory_space<hbm>>) target_semaphore(%run_scoped3A : memref<!tpu.dma_semaphore, #tpu.memory_space<semaphore_mem>>)
      %dma_wait3A_55 = arith.constant 0 : i32
      %dma_wait3A_56 = tpu.memref_slice %arg4[%add3A_30, %dma_wait3A_55] : memref<10240x128xf32, #tpu.memory_space<hbm>> -> memref<64x128xf32, #tpu.memory_space<hbm>>
      %dma_wait3A_57 = arith.constant 0 : i32
      %dma_wait3A_58 = tpu.memref_slice %arg4[%add3A_30, %dma_wait3A_57] : memref<10240x128xf32, #tpu.memory_space<hbm>> -> memref<64x128xf32, #tpu.memory_space<hbm>>
      tpu.wait_dma2 semaphore(%run_scoped3A : memref<!tpu.dma_semaphore, #tpu.memory_space<semaphore_mem>>) src(%arg6 : memref<64x128xf32, #tpu.memory_space<vmem>>) dst(%dma_wait3A_58 : memref<64x128xf32, #tpu.memory_space<hbm>>)
      tpu.yield
    }) : () -> ()
    %add3A_31 = arith.constant 192 : i32
    %add3A_32 = arith.addi %mul3A_2, %add3A_31 : i32
    "tpu.region"() ({
      %run_scoped3A = tpu.sem_alloc : memref<!tpu.dma_semaphore, #tpu.memory_space<semaphore_mem>>
      %dma_start3A_51 = tpu.memref_slice %arg2[%add3A_32] : memref<10240xi32, #tpu.memory_space<hbm>> -> memref<64xi32, #tpu.memory_space<hbm>>
      %dma_start3A_52 = tpu.memref_slice %arg2[%add3A_32] : memref<10240xi32, #tpu.memory_space<hbm>> -> memref<64xi32, #tpu.memory_space<hbm>>
      tpu.enqueue_dma source(%dma_start3A_52 : memref<64xi32, #tpu.memory_space<hbm>>) target(%arg5 : memref<64xi32, #tpu.memory_space<vmem>>) target_semaphore(%run_scoped3A : memref<!tpu.dma_semaphore, #tpu.memory_space<semaphore_mem>>)
      %dma_wait3A_53 = tpu.memref_slice %arg2[%add3A_32] : memref<10240xi32, #tpu.memory_space<hbm>> -> memref<64xi32, #tpu.memory_space<hbm>>
      %dma_wait3A_54 = tpu.memref_slice %arg2[%add3A_32] : memref<10240xi32, #tpu.memory_space<hbm>> -> memref<64xi32, #tpu.memory_space<hbm>>
      tpu.wait_dma2 semaphore(%run_scoped3A : memref<!tpu.dma_semaphore, #tpu.memory_space<semaphore_mem>>) src(%dma_wait3A_54 : memref<64xi32, #tpu.memory_space<hbm>>) dst(%arg5 : memref<64xi32, #tpu.memory_space<vmem>>)
      tpu.yield
    }) : () -> ()
    %dma_start3A_33 = arith.constant 0 : i32
    %dma_start3A_34 = arith.constant 0 : i32
    %dma_start3A_35 = tpu.memref_slice %arg3[%dma_start3A_33, %dma_start3A_34] : memref<32000x128xf32, #tpu.memory_space<hbm>> -> memref<32000x128xf32, #tpu.memory_space<hbm>>
    tpu.enqueue_indirect_dma source(%dma_start3A_35 : memref<32000x128xf32, #tpu.memory_space<hbm>>) target(%arg6 : memref<64x128xf32, #tpu.memory_space<vmem>>) offsets(%arg5 : memref<64xi32, #tpu.memory_space<vmem>>) semaphore(%arg7 : memref<!tpu.dma_semaphore, #tpu.memory_space<semaphore_mem>>)
    %dma_wait3A_36 = arith.constant 0 : i32
    %dma_wait3A_37 = arith.constant 0 : i32
    %dma_wait3A_38 = tpu.memref_slice %arg3[%dma_wait3A_36, %dma_wait3A_37] : memref<32000x128xf32, #tpu.memory_space<hbm>> -> memref<32000x128xf32, #tpu.memory_space<hbm>>
    tpu.wait_indirect_dma semaphore(%arg7 : memref<!tpu.dma_semaphore, #tpu.memory_space<semaphore_mem>>) src(%dma_wait3A_38 : memref<32000x128xf32, #tpu.memory_space<hbm>>) dst(%arg6 : memref<64x128xf32, #tpu.memory_space<vmem>>)
    %add3A_39 = arith.constant 192 : i32
    %add3A_40 = arith.addi %mul3A_2, %add3A_39 : i32
    "tpu.region"() ({
      %run_scoped3A = tpu.sem_alloc : memref<!tpu.dma_semaphore, #tpu.memory_space<semaphore_mem>>
      %dma_start3A_51 = arith.constant 0 : i32
      %dma_start3A_52 = tpu.memref_slice %arg4[%add3A_40, %dma_start3A_51] : memref<10240x128xf32, #tpu.memory_space<hbm>> -> memref<64x128xf32, #tpu.memory_space<hbm>>
      %dma_start3A_53 = arith.constant 0 : i32
      %dma_start3A_54 = tpu.memref_slice %arg4[%add3A_40, %dma_start3A_53] : memref<10240x128xf32, #tpu.memory_space<hbm>> -> memref<64x128xf32, #tpu.memory_space<hbm>>
      tpu.enqueue_dma source(%arg6 : memref<64x128xf32, #tpu.memory_space<vmem>>) target(%dma_start3A_54 : memref<64x128xf32, #tpu.memory_space<hbm>>) target_semaphore(%run_scoped3A : memref<!tpu.dma_semaphore, #tpu.memory_space<semaphore_mem>>)
      %dma_wait3A_55 = arith.constant 0 : i32
      %dma_wait3A_56 = tpu.memref_slice %arg4[%add3A_40, %dma_wait3A_55] : memref<10240x128xf32, #tpu.memory_space<hbm>> -> memref<64x128xf32, #tpu.memory_space<hbm>>
      %dma_wait3A_57 = arith.constant 0 : i32
      %dma_wait3A_58 = tpu.memref_slice %arg4[%add3A_40, %dma_wait3A_57] : memref<10240x128xf32, #tpu.memory_space<hbm>> -> memref<64x128xf32, #tpu.memory_space<hbm>>
      tpu.wait_dma2 semaphore(%run_scoped3A : memref<!tpu.dma_semaphore, #tpu.memory_space<semaphore_mem>>) src(%arg6 : memref<64x128xf32, #tpu.memory_space<vmem>>) dst(%dma_wait3A_58 : memref<64x128xf32, #tpu.memory_space<hbm>>)
      tpu.yield
    }) : () -> ()
    %add3A_41 = arith.constant 256 : i32
    %add3A_42 = arith.addi %mul3A_2, %add3A_41 : i32
    "tpu.region"() ({
      %run_scoped3A = tpu.sem_alloc : memref<!tpu.dma_semaphore, #tpu.memory_space<semaphore_mem>>
      %dma_start3A_51 = tpu.memref_slice %arg2[%add3A_42] : memref<10240xi32, #tpu.memory_space<hbm>> -> memref<64xi32, #tpu.memory_space<hbm>>
      %dma_start3A_52 = tpu.memref_slice %arg2[%add3A_42] : memref<10240xi32, #tpu.memory_space<hbm>> -> memref<64xi32, #tpu.memory_space<hbm>>
      tpu.enqueue_dma source(%dma_start3A_52 : memref<64xi32, #tpu.memory_space<hbm>>) target(%arg5 : memref<64xi32, #tpu.memory_space<vmem>>) target_semaphore(%run_scoped3A : memref<!tpu.dma_semaphore, #tpu.memory_space<semaphore_mem>>)
      %dma_wait3A_53 = tpu.memref_slice %arg2[%add3A_42] : memref<10240xi32, #tpu.memory_space<hbm>> -> memref<64xi32, #tpu.memory_space<hbm>>
      %dma_wait3A_54 = tpu.memref_slice %arg2[%add3A_42] : memref<10240xi32, #tpu.memory_space<hbm>> -> memref<64xi32, #tpu.memory_space<hbm>>
      tpu.wait_dma2 semaphore(%run_scoped3A : memref<!tpu.dma_semaphore, #tpu.memory_space<semaphore_mem>>) src(%dma_wait3A_54 : memref<64xi32, #tpu.memory_space<hbm>>) dst(%arg5 : memref<64xi32, #tpu.memory_space<vmem>>)
      tpu.yield
    }) : () -> ()
    %dma_start3A_43 = arith.constant 0 : i32
    %dma_start3A_44 = arith.constant 0 : i32
    %dma_start3A_45 = tpu.memref_slice %arg3[%dma_start3A_43, %dma_start3A_44] : memref<32000x128xf32, #tpu.memory_space<hbm>> -> memref<32000x128xf32, #tpu.memory_space<hbm>>
    tpu.enqueue_indirect_dma source(%dma_start3A_45 : memref<32000x128xf32, #tpu.memory_space<hbm>>) target(%arg6 : memref<64x128xf32, #tpu.memory_space<vmem>>) offsets(%arg5 : memref<64xi32, #tpu.memory_space<vmem>>) semaphore(%arg7 : memref<!tpu.dma_semaphore, #tpu.memory_space<semaphore_mem>>)
    %dma_wait3A_46 = arith.constant 0 : i32
    %dma_wait3A_47 = arith.constant 0 : i32
    %dma_wait3A_48 = tpu.memref_slice %arg3[%dma_wait3A_46, %dma_wait3A_47] : memref<32000x128xf32, #tpu.memory_space<hbm>> -> memref<32000x128xf32, #tpu.memory_space<hbm>>
    tpu.wait_indirect_dma semaphore(%arg7 : memref<!tpu.dma_semaphore, #tpu.memory_space<semaphore_mem>>) src(%dma_wait3A_48 : memref<32000x128xf32, #tpu.memory_space<hbm>>) dst(%arg6 : memref<64x128xf32, #tpu.memory_space<vmem>>)
    %add3A_49 = arith.constant 256 : i32
    %add3A_50 = arith.addi %mul3A_2, %add3A_49 : i32
    "tpu.region"() ({
      %run_scoped3A = tpu.sem_alloc : memref<!tpu.dma_semaphore, #tpu.memory_space<semaphore_mem>>
      %dma_start3A_51 = arith.constant 0 : i32
      %dma_start3A_52 = tpu.memref_slice %arg4[%add3A_50, %dma_start3A_51] : memref<10240x128xf32, #tpu.memory_space<hbm>> -> memref<64x128xf32, #tpu.memory_space<hbm>>
      %dma_start3A_53 = arith.constant 0 : i32
      %dma_start3A_54 = tpu.memref_slice %arg4[%add3A_50, %dma_start3A_53] : memref<10240x128xf32, #tpu.memory_space<hbm>> -> memref<64x128xf32, #tpu.memory_space<hbm>>
      tpu.enqueue_dma source(%arg6 : memref<64x128xf32, #tpu.memory_space<vmem>>) target(%dma_start3A_54 : memref<64x128xf32, #tpu.memory_space<hbm>>) target_semaphore(%run_scoped3A : memref<!tpu.dma_semaphore, #tpu.memory_space<semaphore_mem>>)
      %dma_wait3A_55 = arith.constant 0 : i32
      %dma_wait3A_56 = tpu.memref_slice %arg4[%add3A_50, %dma_wait3A_55] : memref<10240x128xf32, #tpu.memory_space<hbm>> -> memref<64x128xf32, #tpu.memory_space<hbm>>
      %dma_wait3A_57 = arith.constant 0 : i32
      %dma_wait3A_58 = tpu.memref_slice %arg4[%add3A_50, %dma_wait3A_57] : memref<10240x128xf32, #tpu.memory_space<hbm>> -> memref<64x128xf32, #tpu.memory_space<hbm>>
      tpu.wait_dma2 semaphore(%run_scoped3A : memref<!tpu.dma_semaphore, #tpu.memory_space<semaphore_mem>>) src(%arg6 : memref<64x128xf32, #tpu.memory_space<vmem>>) dst(%dma_wait3A_58 : memref<64x128xf32, #tpu.memory_space<hbm>>)
      tpu.yield
    }) : () -> ()
    return
  }
}

#map = affine_map<(d0, d1) -> (0, 0)>
#map1 = affine_map<(d0, d1) -> (0)>
#map2 = affine_map<(d0, d1) -> (0, 0, 0)>
module attributes {stable_mosaic.version = 14 : i64} {
  func.func @k(%arg0: i32, %arg1: i32, %arg2: memref<10240x128xf32, #tpu.memory_space<hbm>>, %arg3: memref<10240xf32, #tpu.memory_space<hbm>>, %arg4: memref<10240xf32, #tpu.memory_space<hbm>>, %arg5: memref<32x79x128xi32, #tpu.memory_space<hbm>>, %arg6: memref<32x79x128xi32, #tpu.memory_space<hbm>>, %arg7: memref<2x10240x128xf32, #tpu.memory_space<hbm>>, %arg8: memref<2x10240xf32, #tpu.memory_space<hbm>>, %arg9: memref<10240xf32, #tpu.memory_space<vmem>>, %arg10: memref<10240xf32, #tpu.memory_space<vmem>>, %arg11: memref<1x128xi32, #tpu.memory_space<vmem>>, %arg12: memref<1x128xi32, #tpu.memory_space<vmem>>, %arg13: memref<128x128xf32, #tpu.memory_space<vmem>>, %arg14: memref<128xf32, #tpu.memory_space<vmem>>, %arg15: memref<10240x128xf32, #tpu.memory_space<vmem_shared>>, %arg16: memref<10240xf32, #tpu.memory_space<vmem_shared>>, %arg17: memref<!tpu.dma_semaphore, #tpu.memory_space<semaphore_mem>>) attributes {dimension_semantics = [#tpu.dimension_semantics<core_parallel>, #tpu.dimension_semantics<subcore_parallel>], iteration_bounds = array<i64: 2, 16>, scalar_prefetch = 0 : i64, scratch_operands = 9 : i64, tpu.core_type = #tpu.core_type<sc_vector_subcore>, window_params = [{transform_indices = #map}, {transform_indices = #map1}, {transform_indices = #map1}, {transform_indices = #map2}, {transform_indices = #map2}, {transform_indices = #map2}, {transform_indices = #map}]} {
    %mul3A = arith.constant 2 : i32
    %mul3A_0 = arith.muli %arg1, %mul3A : i32
    %add3A = arith.addi %mul3A_0, %arg0 : i32
    %broadcast_in_dim3A = arith.constant 0.000000e+00 : f32
    %broadcast_in_dim3A_1 = vector.broadcast %broadcast_in_dim3A : f32 to vector<16xf32>
    %scan3A = arith.constant 0 : i32
    %scan3A_2 = arith.constant 0 : i32
    %scan3A_3 = arith.constant 128 : i32
    %scan3A_4 = arith.addi %scan3A_2, %scan3A_3 : i32
    %scan3A_5 = arith.constant 1 : i32
    %scan3A_6 = scf.for %scan3A_79 = %scan3A_2 to %scan3A_4 step %scan3A_5 iter_args(%scan3A_80 = %scan3A) -> (i32)  : i32 {
      %swap3A_81 = arith.index_cast %scan3A_79 : i32 to index
      %swap3A_82 = arith.constant 0 : index
      %swap3A_83 = tpu.vector_load %arg13[%swap3A_81, %swap3A_82] {strides = array<i32>} : memref<128x128xf32, #tpu.memory_space<vmem>>, vector<16xf32>,
      tpu.vector_store %arg13[%swap3A_81, %swap3A_82], %broadcast_in_dim3A_1 {strides = array<i32>} : memref<128x128xf32, #tpu.memory_space<vmem>>, vector<16xf32>,
      %swap3A_84 = arith.index_cast %scan3A_79 : i32 to index
      %swap3A_85 = arith.constant 16 : index
      %swap3A_86 = tpu.vector_load %arg13[%swap3A_84, %swap3A_85] {strides = array<i32>} : memref<128x128xf32, #tpu.memory_space<vmem>>, vector<16xf32>,
      tpu.vector_store %arg13[%swap3A_84, %swap3A_85], %broadcast_in_dim3A_1 {strides = array<i32>} : memref<128x128xf32, #tpu.memory_space<vmem>>, vector<16xf32>,
      %swap3A_87 = arith.index_cast %scan3A_79 : i32 to index
      %swap3A_88 = arith.constant 32 : index
      %swap3A_89 = tpu.vector_load %arg13[%swap3A_87, %swap3A_88] {strides = array<i32>} : memref<128x128xf32, #tpu.memory_space<vmem>>, vector<16xf32>,
      tpu.vector_store %arg13[%swap3A_87, %swap3A_88], %broadcast_in_dim3A_1 {strides = array<i32>} : memref<128x128xf32, #tpu.memory_space<vmem>>, vector<16xf32>,
      %swap3A_90 = arith.index_cast %scan3A_79 : i32 to index
      %swap3A_91 = arith.constant 48 : index
      %swap3A_92 = tpu.vector_load %arg13[%swap3A_90, %swap3A_91] {strides = array<i32>} : memref<128x128xf32, #tpu.memory_space<vmem>>, vector<16xf32>,
      tpu.vector_store %arg13[%swap3A_90, %swap3A_91], %broadcast_in_dim3A_1 {strides = array<i32>} : memref<128x128xf32, #tpu.memory_space<vmem>>, vector<16xf32>,
      %swap3A_93 = arith.index_cast %scan3A_79 : i32 to index
      %swap3A_94 = arith.constant 64 : index
      %swap3A_95 = tpu.vector_load %arg13[%swap3A_93, %swap3A_94] {strides = array<i32>} : memref<128x128xf32, #tpu.memory_space<vmem>>, vector<16xf32>,
      tpu.vector_store %arg13[%swap3A_93, %swap3A_94], %broadcast_in_dim3A_1 {strides = array<i32>} : memref<128x128xf32, #tpu.memory_space<vmem>>, vector<16xf32>,
      %swap3A_96 = arith.index_cast %scan3A_79 : i32 to index
      %swap3A_97 = arith.constant 80 : index
      %swap3A_98 = tpu.vector_load %arg13[%swap3A_96, %swap3A_97] {strides = array<i32>} : memref<128x128xf32, #tpu.memory_space<vmem>>, vector<16xf32>,
      tpu.vector_store %arg13[%swap3A_96, %swap3A_97], %broadcast_in_dim3A_1 {strides = array<i32>} : memref<128x128xf32, #tpu.memory_space<vmem>>, vector<16xf32>,
      %swap3A_99 = arith.index_cast %scan3A_79 : i32 to index
      %swap3A_100 = arith.constant 96 : index
      %swap3A_101 = tpu.vector_load %arg13[%swap3A_99, %swap3A_100] {strides = array<i32>} : memref<128x128xf32, #tpu.memory_space<vmem>>, vector<16xf32>,
      tpu.vector_store %arg13[%swap3A_99, %swap3A_100], %broadcast_in_dim3A_1 {strides = array<i32>} : memref<128x128xf32, #tpu.memory_space<vmem>>, vector<16xf32>,
      %swap3A_102 = arith.index_cast %scan3A_79 : i32 to index
      %swap3A_103 = arith.constant 112 : index
      %swap3A_104 = tpu.vector_load %arg13[%swap3A_102, %swap3A_103] {strides = array<i32>} : memref<128x128xf32, #tpu.memory_space<vmem>>, vector<16xf32>,
      tpu.vector_store %arg13[%swap3A_102, %swap3A_103], %broadcast_in_dim3A_1 {strides = array<i32>} : memref<128x128xf32, #tpu.memory_space<vmem>>, vector<16xf32>,
      %scan3A_105 = arith.constant 0 : i32
      scf.yield %scan3A_105 : i32
    }
    %scan3A_7 = arith.constant 128 : i32
    %swap3A = arith.constant 0 : index
    %swap3A_8 = tpu.vector_load %arg14[%swap3A] {strides = array<i32>} : memref<128xf32, #tpu.memory_space<vmem>>, vector<16xf32>,
    tpu.vector_store %arg14[%swap3A], %broadcast_in_dim3A_1 {strides = array<i32>} : memref<128xf32, #tpu.memory_space<vmem>>, vector<16xf32>,
    %swap3A_9 = arith.constant 16 : index
    %swap3A_10 = tpu.vector_load %arg14[%swap3A_9] {strides = array<i32>} : memref<128xf32, #tpu.memory_space<vmem>>, vector<16xf32>,
    tpu.vector_store %arg14[%swap3A_9], %broadcast_in_dim3A_1 {strides = array<i32>} : memref<128xf32, #tpu.memory_space<vmem>>, vector<16xf32>,
    %swap3A_11 = arith.constant 32 : index
    %swap3A_12 = tpu.vector_load %arg14[%swap3A_11] {strides = array<i32>} : memref<128xf32, #tpu.memory_space<vmem>>, vector<16xf32>,
    tpu.vector_store %arg14[%swap3A_11], %broadcast_in_dim3A_1 {strides = array<i32>} : memref<128xf32, #tpu.memory_space<vmem>>, vector<16xf32>,
    %swap3A_13 = arith.constant 48 : index
    %swap3A_14 = tpu.vector_load %arg14[%swap3A_13] {strides = array<i32>} : memref<128xf32, #tpu.memory_space<vmem>>, vector<16xf32>,
    tpu.vector_store %arg14[%swap3A_13], %broadcast_in_dim3A_1 {strides = array<i32>} : memref<128xf32, #tpu.memory_space<vmem>>, vector<16xf32>,
    %swap3A_15 = arith.constant 64 : index
    %swap3A_16 = tpu.vector_load %arg14[%swap3A_15] {strides = array<i32>} : memref<128xf32, #tpu.memory_space<vmem>>, vector<16xf32>,
    tpu.vector_store %arg14[%swap3A_15], %broadcast_in_dim3A_1 {strides = array<i32>} : memref<128xf32, #tpu.memory_space<vmem>>, vector<16xf32>,
    %swap3A_17 = arith.constant 80 : index
    %swap3A_18 = tpu.vector_load %arg14[%swap3A_17] {strides = array<i32>} : memref<128xf32, #tpu.memory_space<vmem>>, vector<16xf32>,
    tpu.vector_store %arg14[%swap3A_17], %broadcast_in_dim3A_1 {strides = array<i32>} : memref<128xf32, #tpu.memory_space<vmem>>, vector<16xf32>,
    %swap3A_19 = arith.constant 96 : index
    %swap3A_20 = tpu.vector_load %arg14[%swap3A_19] {strides = array<i32>} : memref<128xf32, #tpu.memory_space<vmem>>, vector<16xf32>,
    tpu.vector_store %arg14[%swap3A_19], %broadcast_in_dim3A_1 {strides = array<i32>} : memref<128xf32, #tpu.memory_space<vmem>>, vector<16xf32>,
    %swap3A_21 = arith.constant 112 : index
    %swap3A_22 = tpu.vector_load %arg14[%swap3A_21] {strides = array<i32>} : memref<128xf32, #tpu.memory_space<vmem>>, vector<16xf32>,
    tpu.vector_store %arg14[%swap3A_21], %broadcast_in_dim3A_1 {strides = array<i32>} : memref<128xf32, #tpu.memory_space<vmem>>, vector<16xf32>,
    %mul3A_23 = arith.constant 640 : i32
    %mul3A_24 = arith.muli %arg1, %mul3A_23 : i32
    %add3A_25 = arith.constant 0 : i32
    %add3A_26 = arith.addi %mul3A_24, %add3A_25 : i32
    "tpu.region"() ({
      %run_scoped3A = tpu.sem_alloc : memref<!tpu.dma_semaphore, #tpu.memory_space<semaphore_mem>>
      %dma_start3A = arith.constant 0 : i32
      %dma_start3A_79 = tpu.memref_slice %arg15[%add3A_26, %dma_start3A] : memref<10240x128xf32, #tpu.memory_space<vmem_shared>> -> memref<128x128xf32, #tpu.memory_space<vmem_shared>>
      %dma_start3A_80 = arith.constant 0 : i32
      %dma_start3A_81 = tpu.memref_slice %arg15[%add3A_26, %dma_start3A_80] : memref<10240x128xf32, #tpu.memory_space<vmem_shared>> -> memref<128x128xf32, #tpu.memory_space<vmem_shared>>
      tpu.enqueue_dma source(%arg13 : memref<128x128xf32, #tpu.memory_space<vmem>>) target(%dma_start3A_81 : memref<128x128xf32, #tpu.memory_space<vmem_shared>>) target_semaphore(%run_scoped3A : memref<!tpu.dma_semaphore, #tpu.memory_space<semaphore_mem>>)
      %dma_wait3A = arith.constant 0 : i32
      %dma_wait3A_82 = tpu.memref_slice %arg15[%add3A_26, %dma_wait3A] : memref<10240x128xf32, #tpu.memory_space<vmem_shared>> -> memref<128x128xf32, #tpu.memory_space<vmem_shared>>
      %dma_wait3A_83 = arith.constant 0 : i32
      %dma_wait3A_84 = tpu.memref_slice %arg15[%add3A_26, %dma_wait3A_83] : memref<10240x128xf32, #tpu.memory_space<vmem_shared>> -> memref<128x128xf32, #tpu.memory_space<vmem_shared>>
      tpu.wait_dma2 semaphore(%run_scoped3A : memref<!tpu.dma_semaphore, #tpu.memory_space<semaphore_mem>>) src(%arg13 : memref<128x128xf32, #tpu.memory_space<vmem>>) dst(%dma_wait3A_84 : memref<128x128xf32, #tpu.memory_space<vmem_shared>>)
      tpu.yield
    }) : () -> ()
    %mul3A_27 = arith.constant 640 : i32
    %mul3A_28 = arith.muli %arg1, %mul3A_27 : i32
    %add3A_29 = arith.constant 0 : i32
    %add3A_30 = arith.addi %mul3A_28, %add3A_29 : i32
    "tpu.region"() ({
      %run_scoped3A = tpu.sem_alloc : memref<!tpu.dma_semaphore, #tpu.memory_space<semaphore_mem>>
      %dma_start3A = tpu.memref_slice %arg16[%add3A_30] : memref<10240xf32, #tpu.memory_space<vmem_shared>> -> memref<128xf32, #tpu.memory_space<vmem_shared>>
      %dma_start3A_79 = tpu.memref_slice %arg16[%add3A_30] : memref<10240xf32, #tpu.memory_space<vmem_shared>> -> memref<128xf32, #tpu.memory_space<vmem_shared>>
      tpu.enqueue_dma source(%arg14 : memref<128xf32, #tpu.memory_space<vmem>>) target(%dma_start3A_79 : memref<128xf32, #tpu.memory_space<vmem_shared>>) target_semaphore(%run_scoped3A : memref<!tpu.dma_semaphore, #tpu.memory_space<semaphore_mem>>)
      %dma_wait3A = tpu.memref_slice %arg16[%add3A_30] : memref<10240xf32, #tpu.memory_space<vmem_shared>> -> memref<128xf32, #tpu.memory_space<vmem_shared>>
      %dma_wait3A_80 = tpu.memref_slice %arg16[%add3A_30] : memref<10240xf32, #tpu.memory_space<vmem_shared>> -> memref<128xf32, #tpu.memory_space<vmem_shared>>
      tpu.wait_dma2 semaphore(%run_scoped3A : memref<!tpu.dma_semaphore, #tpu.memory_space<semaphore_mem>>) src(%arg14 : memref<128xf32, #tpu.memory_space<vmem>>) dst(%dma_wait3A_80 : memref<128xf32, #tpu.memory_space<vmem_shared>>)
      tpu.yield
    }) : () -> ()
    %mul3A_31 = arith.constant 640 : i32
    %mul3A_32 = arith.muli %arg1, %mul3A_31 : i32
    %add3A_33 = arith.constant 128 : i32
    %add3A_34 = arith.addi %mul3A_32, %add3A_33 : i32
    "tpu.region"() ({
      %run_scoped3A = tpu.sem_alloc : memref<!tpu.dma_semaphore, #tpu.memory_space<semaphore_mem>>
      %dma_start3A = arith.constant 0 : i32
      %dma_start3A_79 = tpu.memref_slice %arg15[%add3A_34, %dma_start3A] : memref<10240x128xf32, #tpu.memory_space<vmem_shared>> -> memref<128x128xf32, #tpu.memory_space<vmem_shared>>
      %dma_start3A_80 = arith.constant 0 : i32
      %dma_start3A_81 = tpu.memref_slice %arg15[%add3A_34, %dma_start3A_80] : memref<10240x128xf32, #tpu.memory_space<vmem_shared>> -> memref<128x128xf32, #tpu.memory_space<vmem_shared>>
      tpu.enqueue_dma source(%arg13 : memref<128x128xf32, #tpu.memory_space<vmem>>) target(%dma_start3A_81 : memref<128x128xf32, #tpu.memory_space<vmem_shared>>) target_semaphore(%run_scoped3A : memref<!tpu.dma_semaphore, #tpu.memory_space<semaphore_mem>>)
      %dma_wait3A = arith.constant 0 : i32
      %dma_wait3A_82 = tpu.memref_slice %arg15[%add3A_34, %dma_wait3A] : memref<10240x128xf32, #tpu.memory_space<vmem_shared>> -> memref<128x128xf32, #tpu.memory_space<vmem_shared>>
      %dma_wait3A_83 = arith.constant 0 : i32
      %dma_wait3A_84 = tpu.memref_slice %arg15[%add3A_34, %dma_wait3A_83] : memref<10240x128xf32, #tpu.memory_space<vmem_shared>> -> memref<128x128xf32, #tpu.memory_space<vmem_shared>>
      tpu.wait_dma2 semaphore(%run_scoped3A : memref<!tpu.dma_semaphore, #tpu.memory_space<semaphore_mem>>) src(%arg13 : memref<128x128xf32, #tpu.memory_space<vmem>>) dst(%dma_wait3A_84 : memref<128x128xf32, #tpu.memory_space<vmem_shared>>)
      tpu.yield
    }) : () -> ()
    %mul3A_35 = arith.constant 640 : i32
    %mul3A_36 = arith.muli %arg1, %mul3A_35 : i32
    %add3A_37 = arith.constant 128 : i32
    %add3A_38 = arith.addi %mul3A_36, %add3A_37 : i32
    "tpu.region"() ({
      %run_scoped3A = tpu.sem_alloc : memref<!tpu.dma_semaphore, #tpu.memory_space<semaphore_mem>>
      %dma_start3A = tpu.memref_slice %arg16[%add3A_38] : memref<10240xf32, #tpu.memory_space<vmem_shared>> -> memref<128xf32, #tpu.memory_space<vmem_shared>>
      %dma_start3A_79 = tpu.memref_slice %arg16[%add3A_38] : memref<10240xf32, #tpu.memory_space<vmem_shared>> -> memref<128xf32, #tpu.memory_space<vmem_shared>>
      tpu.enqueue_dma source(%arg14 : memref<128xf32, #tpu.memory_space<vmem>>) target(%dma_start3A_79 : memref<128xf32, #tpu.memory_space<vmem_shared>>) target_semaphore(%run_scoped3A : memref<!tpu.dma_semaphore, #tpu.memory_space<semaphore_mem>>)
      %dma_wait3A = tpu.memref_slice %arg16[%add3A_38] : memref<10240xf32, #tpu.memory_space<vmem_shared>> -> memref<128xf32, #tpu.memory_space<vmem_shared>>
      %dma_wait3A_80 = tpu.memref_slice %arg16[%add3A_38] : memref<10240xf32, #tpu.memory_space<vmem_shared>> -> memref<128xf32, #tpu.memory_space<vmem_shared>>
      tpu.wait_dma2 semaphore(%run_scoped3A : memref<!tpu.dma_semaphore, #tpu.memory_space<semaphore_mem>>) src(%arg14 : memref<128xf32, #tpu.memory_space<vmem>>) dst(%dma_wait3A_80 : memref<128xf32, #tpu.memory_space<vmem_shared>>)
      tpu.yield
    }) : () -> ()
    %mul3A_39 = arith.constant 640 : i32
    %mul3A_40 = arith.muli %arg1, %mul3A_39 : i32
    %add3A_41 = arith.constant 256 : i32
    %add3A_42 = arith.addi %mul3A_40, %add3A_41 : i32
    "tpu.region"() ({
      %run_scoped3A = tpu.sem_alloc : memref<!tpu.dma_semaphore, #tpu.memory_space<semaphore_mem>>
      %dma_start3A = arith.constant 0 : i32
      %dma_start3A_79 = tpu.memref_slice %arg15[%add3A_42, %dma_start3A] : memref<10240x128xf32, #tpu.memory_space<vmem_shared>> -> memref<128x128xf32, #tpu.memory_space<vmem_shared>>
      %dma_start3A_80 = arith.constant 0 : i32
      %dma_start3A_81 = tpu.memref_slice %arg15[%add3A_42, %dma_start3A_80] : memref<10240x128xf32, #tpu.memory_space<vmem_shared>> -> memref<128x128xf32, #tpu.memory_space<vmem_shared>>
      tpu.enqueue_dma source(%arg13 : memref<128x128xf32, #tpu.memory_space<vmem>>) target(%dma_start3A_81 : memref<128x128xf32, #tpu.memory_space<vmem_shared>>) target_semaphore(%run_scoped3A : memref<!tpu.dma_semaphore, #tpu.memory_space<semaphore_mem>>)
      %dma_wait3A = arith.constant 0 : i32
      %dma_wait3A_82 = tpu.memref_slice %arg15[%add3A_42, %dma_wait3A] : memref<10240x128xf32, #tpu.memory_space<vmem_shared>> -> memref<128x128xf32, #tpu.memory_space<vmem_shared>>
      %dma_wait3A_83 = arith.constant 0 : i32
      %dma_wait3A_84 = tpu.memref_slice %arg15[%add3A_42, %dma_wait3A_83] : memref<10240x128xf32, #tpu.memory_space<vmem_shared>> -> memref<128x128xf32, #tpu.memory_space<vmem_shared>>
      tpu.wait_dma2 semaphore(%run_scoped3A : memref<!tpu.dma_semaphore, #tpu.memory_space<semaphore_mem>>) src(%arg13 : memref<128x128xf32, #tpu.memory_space<vmem>>) dst(%dma_wait3A_84 : memref<128x128xf32, #tpu.memory_space<vmem_shared>>)
      tpu.yield
    }) : () -> ()
    %mul3A_43 = arith.constant 640 : i32
    %mul3A_44 = arith.muli %arg1, %mul3A_43 : i32
    %add3A_45 = arith.constant 256 : i32
    %add3A_46 = arith.addi %mul3A_44, %add3A_45 : i32
    "tpu.region"() ({
      %run_scoped3A = tpu.sem_alloc : memref<!tpu.dma_semaphore, #tpu.memory_space<semaphore_mem>>
      %dma_start3A = tpu.memref_slice %arg16[%add3A_46] : memref<10240xf32, #tpu.memory_space<vmem_shared>> -> memref<128xf32, #tpu.memory_space<vmem_shared>>
      %dma_start3A_79 = tpu.memref_slice %arg16[%add3A_46] : memref<10240xf32, #tpu.memory_space<vmem_shared>> -> memref<128xf32, #tpu.memory_space<vmem_shared>>
      tpu.enqueue_dma source(%arg14 : memref<128xf32, #tpu.memory_space<vmem>>) target(%dma_start3A_79 : memref<128xf32, #tpu.memory_space<vmem_shared>>) target_semaphore(%run_scoped3A : memref<!tpu.dma_semaphore, #tpu.memory_space<semaphore_mem>>)
      %dma_wait3A = tpu.memref_slice %arg16[%add3A_46] : memref<10240xf32, #tpu.memory_space<vmem_shared>> -> memref<128xf32, #tpu.memory_space<vmem_shared>>
      %dma_wait3A_80 = tpu.memref_slice %arg16[%add3A_46] : memref<10240xf32, #tpu.memory_space<vmem_shared>> -> memref<128xf32, #tpu.memory_space<vmem_shared>>
      tpu.wait_dma2 semaphore(%run_scoped3A : memref<!tpu.dma_semaphore, #tpu.memory_space<semaphore_mem>>) src(%arg14 : memref<128xf32, #tpu.memory_space<vmem>>) dst(%dma_wait3A_80 : memref<128xf32, #tpu.memory_space<vmem_shared>>)
      tpu.yield
    }) : () -> ()
    %mul3A_47 = arith.constant 640 : i32
    %mul3A_48 = arith.muli %arg1, %mul3A_47 : i32
    %add3A_49 = arith.constant 384 : i32
    %add3A_50 = arith.addi %mul3A_48, %add3A_49 : i32
    "tpu.region"() ({
      %run_scoped3A = tpu.sem_alloc : memref<!tpu.dma_semaphore, #tpu.memory_space<semaphore_mem>>
      %dma_start3A = arith.constant 0 : i32
      %dma_start3A_79 = tpu.memref_slice %arg15[%add3A_50, %dma_start3A] : memref<10240x128xf32, #tpu.memory_space<vmem_shared>> -> memref<128x128xf32, #tpu.memory_space<vmem_shared>>
      %dma_start3A_80 = arith.constant 0 : i32
      %dma_start3A_81 = tpu.memref_slice %arg15[%add3A_50, %dma_start3A_80] : memref<10240x128xf32, #tpu.memory_space<vmem_shared>> -> memref<128x128xf32, #tpu.memory_space<vmem_shared>>
      tpu.enqueue_dma source(%arg13 : memref<128x128xf32, #tpu.memory_space<vmem>>) target(%dma_start3A_81 : memref<128x128xf32, #tpu.memory_space<vmem_shared>>) target_semaphore(%run_scoped3A : memref<!tpu.dma_semaphore, #tpu.memory_space<semaphore_mem>>)
      %dma_wait3A = arith.constant 0 : i32
      %dma_wait3A_82 = tpu.memref_slice %arg15[%add3A_50, %dma_wait3A] : memref<10240x128xf32, #tpu.memory_space<vmem_shared>> -> memref<128x128xf32, #tpu.memory_space<vmem_shared>>
      %dma_wait3A_83 = arith.constant 0 : i32
      %dma_wait3A_84 = tpu.memref_slice %arg15[%add3A_50, %dma_wait3A_83] : memref<10240x128xf32, #tpu.memory_space<vmem_shared>> -> memref<128x128xf32, #tpu.memory_space<vmem_shared>>
      tpu.wait_dma2 semaphore(%run_scoped3A : memref<!tpu.dma_semaphore, #tpu.memory_space<semaphore_mem>>) src(%arg13 : memref<128x128xf32, #tpu.memory_space<vmem>>) dst(%dma_wait3A_84 : memref<128x128xf32, #tpu.memory_space<vmem_shared>>)
      tpu.yield
    }) : () -> ()
    %mul3A_51 = arith.constant 640 : i32
    %mul3A_52 = arith.muli %arg1, %mul3A_51 : i32
    %add3A_53 = arith.constant 384 : i32
    %add3A_54 = arith.addi %mul3A_52, %add3A_53 : i32
    "tpu.region"() ({
      %run_scoped3A = tpu.sem_alloc : memref<!tpu.dma_semaphore, #tpu.memory_space<semaphore_mem>>
      %dma_start3A = tpu.memref_slice %arg16[%add3A_54] : memref<10240xf32, #tpu.memory_space<vmem_shared>> -> memref<128xf32, #tpu.memory_space<vmem_shared>>
      %dma_start3A_79 = tpu.memref_slice %arg16[%add3A_54] : memref<10240xf32, #tpu.memory_space<vmem_shared>> -> memref<128xf32, #tpu.memory_space<vmem_shared>>
      tpu.enqueue_dma source(%arg14 : memref<128xf32, #tpu.memory_space<vmem>>) target(%dma_start3A_79 : memref<128xf32, #tpu.memory_space<vmem_shared>>) target_semaphore(%run_scoped3A : memref<!tpu.dma_semaphore, #tpu.memory_space<semaphore_mem>>)
      %dma_wait3A = tpu.memref_slice %arg16[%add3A_54] : memref<10240xf32, #tpu.memory_space<vmem_shared>> -> memref<128xf32, #tpu.memory_space<vmem_shared>>
      %dma_wait3A_80 = tpu.memref_slice %arg16[%add3A_54] : memref<10240xf32, #tpu.memory_space<vmem_shared>> -> memref<128xf32, #tpu.memory_space<vmem_shared>>
      tpu.wait_dma2 semaphore(%run_scoped3A : memref<!tpu.dma_semaphore, #tpu.memory_space<semaphore_mem>>) src(%arg14 : memref<128xf32, #tpu.memory_space<vmem>>) dst(%dma_wait3A_80 : memref<128xf32, #tpu.memory_space<vmem_shared>>)
      tpu.yield
    }) : () -> ()
    %mul3A_55 = arith.constant 640 : i32
    %mul3A_56 = arith.muli %arg1, %mul3A_55 : i32
    %add3A_57 = arith.constant 512 : i32
    %add3A_58 = arith.addi %mul3A_56, %add3A_57 : i32
    "tpu.region"() ({
      %run_scoped3A = tpu.sem_alloc : memref<!tpu.dma_semaphore, #tpu.memory_space<semaphore_mem>>
      %dma_start3A = arith.constant 0 : i32
      %dma_start3A_79 = tpu.memref_slice %arg15[%add3A_58, %dma_start3A] : memref<10240x128xf32, #tpu.memory_space<vmem_shared>> -> memref<128x128xf32, #tpu.memory_space<vmem_shared>>
      %dma_start3A_80 = arith.constant 0 : i32
      %dma_start3A_81 = tpu.memref_slice %arg15[%add3A_58, %dma_start3A_80] : memref<10240x128xf32, #tpu.memory_space<vmem_shared>> -> memref<128x128xf32, #tpu.memory_space<vmem_shared>>
      tpu.enqueue_dma source(%arg13 : memref<128x128xf32, #tpu.memory_space<vmem>>) target(%dma_start3A_81 : memref<128x128xf32, #tpu.memory_space<vmem_shared>>) target_semaphore(%run_scoped3A : memref<!tpu.dma_semaphore, #tpu.memory_space<semaphore_mem>>)
      %dma_wait3A = arith.constant 0 : i32
      %dma_wait3A_82 = tpu.memref_slice %arg15[%add3A_58, %dma_wait3A] : memref<10240x128xf32, #tpu.memory_space<vmem_shared>> -> memref<128x128xf32, #tpu.memory_space<vmem_shared>>
      %dma_wait3A_83 = arith.constant 0 : i32
      %dma_wait3A_84 = tpu.memref_slice %arg15[%add3A_58, %dma_wait3A_83] : memref<10240x128xf32, #tpu.memory_space<vmem_shared>> -> memref<128x128xf32, #tpu.memory_space<vmem_shared>>
      tpu.wait_dma2 semaphore(%run_scoped3A : memref<!tpu.dma_semaphore, #tpu.memory_space<semaphore_mem>>) src(%arg13 : memref<128x128xf32, #tpu.memory_space<vmem>>) dst(%dma_wait3A_84 : memref<128x128xf32, #tpu.memory_space<vmem_shared>>)
      tpu.yield
    }) : () -> ()
    %mul3A_59 = arith.constant 640 : i32
    %mul3A_60 = arith.muli %arg1, %mul3A_59 : i32
    %add3A_61 = arith.constant 512 : i32
    %add3A_62 = arith.addi %mul3A_60, %add3A_61 : i32
    "tpu.region"() ({
      %run_scoped3A = tpu.sem_alloc : memref<!tpu.dma_semaphore, #tpu.memory_space<semaphore_mem>>
      %dma_start3A = tpu.memref_slice %arg16[%add3A_62] : memref<10240xf32, #tpu.memory_space<vmem_shared>> -> memref<128xf32, #tpu.memory_space<vmem_shared>>
      %dma_start3A_79 = tpu.memref_slice %arg16[%add3A_62] : memref<10240xf32, #tpu.memory_space<vmem_shared>> -> memref<128xf32, #tpu.memory_space<vmem_shared>>
      tpu.enqueue_dma source(%arg14 : memref<128xf32, #tpu.memory_space<vmem>>) target(%dma_start3A_79 : memref<128xf32, #tpu.memory_space<vmem_shared>>) target_semaphore(%run_scoped3A : memref<!tpu.dma_semaphore, #tpu.memory_space<semaphore_mem>>)
      %dma_wait3A = tpu.memref_slice %arg16[%add3A_62] : memref<10240xf32, #tpu.memory_space<vmem_shared>> -> memref<128xf32, #tpu.memory_space<vmem_shared>>
      %dma_wait3A_80 = tpu.memref_slice %arg16[%add3A_62] : memref<10240xf32, #tpu.memory_space<vmem_shared>> -> memref<128xf32, #tpu.memory_space<vmem_shared>>
      tpu.wait_dma2 semaphore(%run_scoped3A : memref<!tpu.dma_semaphore, #tpu.memory_space<semaphore_mem>>) src(%arg14 : memref<128xf32, #tpu.memory_space<vmem>>) dst(%dma_wait3A_80 : memref<128xf32, #tpu.memory_space<vmem_shared>>)
      tpu.yield
    }) : () -> ()
    "tpu.region"() ({
      %run_scoped3A = tpu.sem_alloc : memref<!tpu.dma_semaphore, #tpu.memory_space<semaphore_mem>>
      tpu.enqueue_dma source(%arg3 : memref<10240xf32, #tpu.memory_space<hbm>>) target(%arg9 : memref<10240xf32, #tpu.memory_space<vmem>>) target_semaphore(%run_scoped3A : memref<!tpu.dma_semaphore, #tpu.memory_space<semaphore_mem>>)
      tpu.wait_dma2 semaphore(%run_scoped3A : memref<!tpu.dma_semaphore, #tpu.memory_space<semaphore_mem>>) src(%arg3 : memref<10240xf32, #tpu.memory_space<hbm>>) dst(%arg9 : memref<10240xf32, #tpu.memory_space<vmem>>)
      tpu.yield
    }) : () -> ()
    "tpu.region"() ({
      %run_scoped3A = tpu.sem_alloc : memref<!tpu.dma_semaphore, #tpu.memory_space<semaphore_mem>>
      tpu.enqueue_dma source(%arg4 : memref<10240xf32, #tpu.memory_space<hbm>>) target(%arg10 : memref<10240xf32, #tpu.memory_space<vmem>>) target_semaphore(%run_scoped3A : memref<!tpu.dma_semaphore, #tpu.memory_space<semaphore_mem>>)
      tpu.wait_dma2 semaphore(%run_scoped3A : memref<!tpu.dma_semaphore, #tpu.memory_space<semaphore_mem>>) src(%arg4 : memref<10240xf32, #tpu.memory_space<hbm>>) dst(%arg10 : memref<10240xf32, #tpu.memory_space<vmem>>)
      tpu.yield
    }) : () -> ()
    %barrier3A = arith.constant 0 : index
    tpu.barrier barrier_id(%barrier3A)
    %scan3A_63 = arith.constant 0 : i32
    %scan3A_64 = arith.constant 0 : i32
    %scan3A_65 = arith.constant 79 : i32
    %scan3A_66 = arith.addi %scan3A_64, %scan3A_65 : i32
    %scan3A_67 = arith.constant 1 : i32
    %scan3A_68 = scf.for %scan3A_79 = %scan3A_64 to %scan3A_66 step %scan3A_67 iter_args(%scan3A_80 = %scan3A_63) -> (i32)  : i32 {
      %run_scoped3A = arith.constant 0 : i32
      "tpu.region"() ({
        %run_scoped3A_244 = tpu.sem_alloc : memref<!tpu.dma_semaphore, #tpu.memory_space<semaphore_mem>>
        %dma_start3A_245 = arith.constant 0 : i32
        %dma_start3A_246 = tpu.memref_slice %arg11[%run_scoped3A, %dma_start3A_245] : memref<1x128xi32, #tpu.memory_space<vmem>> -> memref<1x128xi32, #tpu.memory_space<vmem>>
        %dma_start3A_247 = tpu.memref_squeeze %dma_start3A_246 : memref<1x128xi32, #tpu.memory_space<vmem>> -> memref<128xi32, #tpu.memory_space<vmem>>
        %dma_start3A_248 = arith.constant 0 : i32
        %dma_start3A_249 = tpu.memref_slice %arg5[%add3A, %scan3A_79, %dma_start3A_248] : memref<32x79x128xi32, #tpu.memory_space<hbm>> -> memref<1x1x128xi32, #tpu.memory_space<hbm>>
        %dma_start3A_250 = tpu.memref_squeeze %dma_start3A_249 : memref<1x1x128xi32, #tpu.memory_space<hbm>> -> memref<128xi32, #tpu.memory_space<hbm>>
        %dma_start3A_251 = arith.constant 0 : i32
        %dma_start3A_252 = tpu.memref_slice %arg11[%run_scoped3A, %dma_start3A_251] : memref<1x128xi32, #tpu.memory_space<vmem>> -> memref<1x128xi32, #tpu.memory_space<vmem>>
        %dma_start3A_253 = tpu.memref_squeeze %dma_start3A_252 : memref<1x128xi32, #tpu.memory_space<vmem>> -> memref<128xi32, #tpu.memory_space<vmem>>
        %dma_start3A_254 = arith.constant 0 : i32
        %dma_start3A_255 = tpu.memref_slice %arg5[%add3A, %scan3A_79, %dma_start3A_254] : memref<32x79x128xi32, #tpu.memory_space<hbm>> -> memref<1x1x128xi32, #tpu.memory_space<hbm>>
        %dma_start3A_256 = tpu.memref_squeeze %dma_start3A_255 : memref<1x1x128xi32, #tpu.memory_space<hbm>> -> memref<128xi32, #tpu.memory_space<hbm>>
        tpu.enqueue_dma source(%dma_start3A_256 : memref<128xi32, #tpu.memory_space<hbm>>) target(%dma_start3A_253 : memref<128xi32, #tpu.memory_space<vmem>>) target_semaphore(%run_scoped3A_244 : memref<!tpu.dma_semaphore, #tpu.memory_space<semaphore_mem>>)
        %dma_wait3A_257 = arith.constant 0 : i32
        %dma_wait3A_258 = tpu.memref_slice %arg11[%run_scoped3A, %dma_wait3A_257] : memref<1x128xi32, #tpu.memory_space<vmem>> -> memref<1x128xi32, #tpu.memory_space<vmem>>
        %dma_wait3A_259 = tpu.memref_squeeze %dma_wait3A_258 : memref<1x128xi32, #tpu.memory_space<vmem>> -> memref<128xi32, #tpu.memory_space<vmem>>
        %dma_wait3A_260 = arith.constant 0 : i32
        %dma_wait3A_261 = tpu.memref_slice %arg5[%add3A, %scan3A_79, %dma_wait3A_260] : memref<32x79x128xi32, #tpu.memory_space<hbm>> -> memref<1x1x128xi32, #tpu.memory_space<hbm>>
        %dma_wait3A_262 = tpu.memref_squeeze %dma_wait3A_261 : memref<1x1x128xi32, #tpu.memory_space<hbm>> -> memref<128xi32, #tpu.memory_space<hbm>>
        %dma_wait3A_263 = arith.constant 0 : i32
        %dma_wait3A_264 = tpu.memref_slice %arg11[%run_scoped3A, %dma_wait3A_263] : memref<1x128xi32, #tpu.memory_space<vmem>> -> memref<1x128xi32, #tpu.memory_space<vmem>>
        %dma_wait3A_265 = tpu.memref_squeeze %dma_wait3A_264 : memref<1x128xi32, #tpu.memory_space<vmem>> -> memref<128xi32, #tpu.memory_space<vmem>>
        %dma_wait3A_266 = arith.constant 0 : i32
        %dma_wait3A_267 = tpu.memref_slice %arg5[%add3A, %scan3A_79, %dma_wait3A_266] : memref<32x79x128xi32, #tpu.memory_space<hbm>> -> memref<1x1x128xi32, #tpu.memory_space<hbm>>
        %dma_wait3A_268 = tpu.memref_squeeze %dma_wait3A_267 : memref<1x1x128xi32, #tpu.memory_space<hbm>> -> memref<128xi32, #tpu.memory_space<hbm>>
        tpu.wait_dma2 semaphore(%run_scoped3A_244 : memref<!tpu.dma_semaphore, #tpu.memory_space<semaphore_mem>>) src(%dma_wait3A_268 : memref<128xi32, #tpu.memory_space<hbm>>) dst(%dma_wait3A_265 : memref<128xi32, #tpu.memory_space<vmem>>)
        tpu.yield
      }) : () -> ()
      %run_scoped3A_81 = arith.constant 0 : i32
      "tpu.region"() ({
        %run_scoped3A_244 = tpu.sem_alloc : memref<!tpu.dma_semaphore, #tpu.memory_space<semaphore_mem>>
        %dma_start3A_245 = arith.constant 0 : i32
        %dma_start3A_246 = tpu.memref_slice %arg12[%run_scoped3A_81, %dma_start3A_245] : memref<1x128xi32, #tpu.memory_space<vmem>> -> memref<1x128xi32, #tpu.memory_space<vmem>>
        %dma_start3A_247 = tpu.memref_squeeze %dma_start3A_246 : memref<1x128xi32, #tpu.memory_space<vmem>> -> memref<128xi32, #tpu.memory_space<vmem>>
        %dma_start3A_248 = arith.constant 0 : i32
        %dma_start3A_249 = tpu.memref_slice %arg6[%add3A, %scan3A_79, %dma_start3A_248] : memref<32x79x128xi32, #tpu.memory_space<hbm>> -> memref<1x1x128xi32, #tpu.memory_space<hbm>>
        %dma_start3A_250 = tpu.memref_squeeze %dma_start3A_249 : memref<1x1x128xi32, #tpu.memory_space<hbm>> -> memref<128xi32, #tpu.memory_space<hbm>>
        %dma_start3A_251 = arith.constant 0 : i32
        %dma_start3A_252 = tpu.memref_slice %arg12[%run_scoped3A_81, %dma_start3A_251] : memref<1x128xi32, #tpu.memory_space<vmem>> -> memref<1x128xi32, #tpu.memory_space<vmem>>
        %dma_start3A_253 = tpu.memref_squeeze %dma_start3A_252 : memref<1x128xi32, #tpu.memory_space<vmem>> -> memref<128xi32, #tpu.memory_space<vmem>>
        %dma_start3A_254 = arith.constant 0 : i32
        %dma_start3A_255 = tpu.memref_slice %arg6[%add3A, %scan3A_79, %dma_start3A_254] : memref<32x79x128xi32, #tpu.memory_space<hbm>> -> memref<1x1x128xi32, #tpu.memory_space<hbm>>
        %dma_start3A_256 = tpu.memref_squeeze %dma_start3A_255 : memref<1x1x128xi32, #tpu.memory_space<hbm>> -> memref<128xi32, #tpu.memory_space<hbm>>
        tpu.enqueue_dma source(%dma_start3A_256 : memref<128xi32, #tpu.memory_space<hbm>>) target(%dma_start3A_253 : memref<128xi32, #tpu.memory_space<vmem>>) target_semaphore(%run_scoped3A_244 : memref<!tpu.dma_semaphore, #tpu.memory_space<semaphore_mem>>)
        %dma_wait3A_257 = arith.constant 0 : i32
        %dma_wait3A_258 = tpu.memref_slice %arg12[%run_scoped3A_81, %dma_wait3A_257] : memref<1x128xi32, #tpu.memory_space<vmem>> -> memref<1x128xi32, #tpu.memory_space<vmem>>
        %dma_wait3A_259 = tpu.memref_squeeze %dma_wait3A_258 : memref<1x128xi32, #tpu.memory_space<vmem>> -> memref<128xi32, #tpu.memory_space<vmem>>
        %dma_wait3A_260 = arith.constant 0 : i32
        %dma_wait3A_261 = tpu.memref_slice %arg6[%add3A, %scan3A_79, %dma_wait3A_260] : memref<32x79x128xi32, #tpu.memory_space<hbm>> -> memref<1x1x128xi32, #tpu.memory_space<hbm>>
        %dma_wait3A_262 = tpu.memref_squeeze %dma_wait3A_261 : memref<1x1x128xi32, #tpu.memory_space<hbm>> -> memref<128xi32, #tpu.memory_space<hbm>>
        %dma_wait3A_263 = arith.constant 0 : i32
        %dma_wait3A_264 = tpu.memref_slice %arg12[%run_scoped3A_81, %dma_wait3A_263] : memref<1x128xi32, #tpu.memory_space<vmem>> -> memref<1x128xi32, #tpu.memory_space<vmem>>
        %dma_wait3A_265 = tpu.memref_squeeze %dma_wait3A_264 : memref<1x128xi32, #tpu.memory_space<vmem>> -> memref<128xi32, #tpu.memory_space<vmem>>
        %dma_wait3A_266 = arith.constant 0 : i32
        %dma_wait3A_267 = tpu.memref_slice %arg6[%add3A, %scan3A_79, %dma_wait3A_266] : memref<32x79x128xi32, #tpu.memory_space<hbm>> -> memref<1x1x128xi32, #tpu.memory_space<hbm>>
        %dma_wait3A_268 = tpu.memref_squeeze %dma_wait3A_267 : memref<1x1x128xi32, #tpu.memory_space<hbm>> -> memref<128xi32, #tpu.memory_space<hbm>>
        tpu.wait_dma2 semaphore(%run_scoped3A_244 : memref<!tpu.dma_semaphore, #tpu.memory_space<semaphore_mem>>) src(%dma_wait3A_268 : memref<128xi32, #tpu.memory_space<hbm>>) dst(%dma_wait3A_265 : memref<128xi32, #tpu.memory_space<vmem>>)
        tpu.yield
      }) : () -> ()
      %dma_start3A = arith.constant 0 : i32
      %dma_start3A_82 = arith.constant 0 : i32
      %dma_start3A_83 = tpu.memref_slice %arg11[%dma_start3A, %dma_start3A_82] : memref<1x128xi32, #tpu.memory_space<vmem>> -> memref<1x128xi32, #tpu.memory_space<vmem>>
      %dma_start3A_84 = tpu.memref_squeeze %dma_start3A_83 : memref<1x128xi32, #tpu.memory_space<vmem>> -> memref<128xi32, #tpu.memory_space<vmem>>
      %dma_start3A_85 = arith.constant 0 : i32
      %dma_start3A_86 = arith.constant 0 : i32
      %dma_start3A_87 = tpu.memref_slice %arg2[%dma_start3A_85, %dma_start3A_86] : memref<10240x128xf32, #tpu.memory_space<hbm>> -> memref<10240x128xf32, #tpu.memory_space<hbm>>
      tpu.enqueue_indirect_dma source(%dma_start3A_87 : memref<10240x128xf32, #tpu.memory_space<hbm>>) target(%arg13 : memref<128x128xf32, #tpu.memory_space<vmem>>) offsets(%dma_start3A_84 : memref<128xi32, #tpu.memory_space<vmem>>) semaphore(%arg17 : memref<!tpu.dma_semaphore, #tpu.memory_space<semaphore_mem>>)
      %get3A = arith.constant 0 : i32
      %get3A_88 = arith.index_cast %get3A : i32 to index
      %get3A_89 = arith.constant 0 : index
      %get3A_90 = tpu.vector_load %arg11[%get3A_88, %get3A_89] {strides = array<i32>} : memref<1x128xi32, #tpu.memory_space<vmem>>, vector<16xi32>,
      %get3A_91 = arith.constant 0 : i32
      %get3A_92 = arith.index_cast %get3A_91 : i32 to index
      %get3A_93 = arith.constant 0 : index
      %get3A_94 = tpu.vector_load %arg12[%get3A_92, %get3A_93] {strides = array<i32>} : memref<1x128xi32, #tpu.memory_space<vmem>>, vector<16xi32>,
      %gather3A = tpu.vector_load_idx %arg9[%get3A_90] : memref<10240xf32, #tpu.memory_space<vmem>>[vector<16xi32>], vector<16xf32>,
      %gather3A_95 = tpu.vector_load_idx %arg10[%get3A_94] : memref<10240xf32, #tpu.memory_space<vmem>>[vector<16xi32>], vector<16xf32>,
      %add3A_96 = arith.addf %gather3A, %gather3A_95 : vector<16xf32>
      %mul3A_97 = arith.constant 2.000000e-01 : f32
      %mul3A_98 = vector.broadcast %mul3A_97 : f32 to vector<16xf32>
      %mul3A_99 = arith.mulf %mul3A_98, %add3A_96 : vector<16xf32>
      %max3A = arith.maximumf %add3A_96, %mul3A_99 : vector<16xf32>
      %exp3A = math.exp %max3A : vector<16xf32>
      %swap3A_100 = arith.constant 0 : index
      %swap3A_101 = tpu.vector_load %arg14[%swap3A_100] {strides = array<i32>} : memref<128xf32, #tpu.memory_space<vmem>>, vector<16xf32>,
      tpu.vector_store %arg14[%swap3A_100], %exp3A {strides = array<i32>} : memref<128xf32, #tpu.memory_space<vmem>>, vector<16xf32>,
      %get3A_102 = arith.constant 0 : i32
      %get3A_103 = arith.index_cast %get3A_102 : i32 to index
      %get3A_104 = arith.constant 16 : index
      %get3A_105 = tpu.vector_load %arg11[%get3A_103, %get3A_104] {strides = array<i32>} : memref<1x128xi32, #tpu.memory_space<vmem>>, vector<16xi32>,
      %get3A_106 = arith.constant 0 : i32
      %get3A_107 = arith.index_cast %get3A_106 : i32 to index
      %get3A_108 = arith.constant 16 : index
      %get3A_109 = tpu.vector_load %arg12[%get3A_107, %get3A_108] {strides = array<i32>} : memref<1x128xi32, #tpu.memory_space<vmem>>, vector<16xi32>,
      %gather3A_110 = tpu.vector_load_idx %arg9[%get3A_105] : memref<10240xf32, #tpu.memory_space<vmem>>[vector<16xi32>], vector<16xf32>,
      %gather3A_111 = tpu.vector_load_idx %arg10[%get3A_109] : memref<10240xf32, #tpu.memory_space<vmem>>[vector<16xi32>], vector<16xf32>,
      %add3A_112 = arith.addf %gather3A_110, %gather3A_111 : vector<16xf32>
      %mul3A_113 = arith.constant 2.000000e-01 : f32
      %mul3A_114 = vector.broadcast %mul3A_113 : f32 to vector<16xf32>
      %mul3A_115 = arith.mulf %mul3A_114, %add3A_112 : vector<16xf32>
      %max3A_116 = arith.maximumf %add3A_112, %mul3A_115 : vector<16xf32>
      %exp3A_117 = math.exp %max3A_116 : vector<16xf32>
      %swap3A_118 = arith.constant 16 : index
      %swap3A_119 = tpu.vector_load %arg14[%swap3A_118] {strides = array<i32>} : memref<128xf32, #tpu.memory_space<vmem>>, vector<16xf32>,
      tpu.vector_store %arg14[%swap3A_118], %exp3A_117 {strides = array<i32>} : memref<128xf32, #tpu.memory_space<vmem>>, vector<16xf32>,
      %get3A_120 = arith.constant 0 : i32
      %get3A_121 = arith.index_cast %get3A_120 : i32 to index
      %get3A_122 = arith.constant 32 : index
      %get3A_123 = tpu.vector_load %arg11[%get3A_121, %get3A_122] {strides = array<i32>} : memref<1x128xi32, #tpu.memory_space<vmem>>, vector<16xi32>,
      %get3A_124 = arith.constant 0 : i32
      %get3A_125 = arith.index_cast %get3A_124 : i32 to index
      %get3A_126 = arith.constant 32 : index
      %get3A_127 = tpu.vector_load %arg12[%get3A_125, %get3A_126] {strides = array<i32>} : memref<1x128xi32, #tpu.memory_space<vmem>>, vector<16xi32>,
      %gather3A_128 = tpu.vector_load_idx %arg9[%get3A_123] : memref<10240xf32, #tpu.memory_space<vmem>>[vector<16xi32>], vector<16xf32>,
      %gather3A_129 = tpu.vector_load_idx %arg10[%get3A_127] : memref<10240xf32, #tpu.memory_space<vmem>>[vector<16xi32>], vector<16xf32>,
      %add3A_130 = arith.addf %gather3A_128, %gather3A_129 : vector<16xf32>
      %mul3A_131 = arith.constant 2.000000e-01 : f32
      %mul3A_132 = vector.broadcast %mul3A_131 : f32 to vector<16xf32>
      %mul3A_133 = arith.mulf %mul3A_132, %add3A_130 : vector<16xf32>
      %max3A_134 = arith.maximumf %add3A_130, %mul3A_133 : vector<16xf32>
      %exp3A_135 = math.exp %max3A_134 : vector<16xf32>
      %swap3A_136 = arith.constant 32 : index
      %swap3A_137 = tpu.vector_load %arg14[%swap3A_136] {strides = array<i32>} : memref<128xf32, #tpu.memory_space<vmem>>, vector<16xf32>,
      tpu.vector_store %arg14[%swap3A_136], %exp3A_135 {strides = array<i32>} : memref<128xf32, #tpu.memory_space<vmem>>, vector<16xf32>,
      %get3A_138 = arith.constant 0 : i32
      %get3A_139 = arith.index_cast %get3A_138 : i32 to index
      %get3A_140 = arith.constant 48 : index
      %get3A_141 = tpu.vector_load %arg11[%get3A_139, %get3A_140] {strides = array<i32>} : memref<1x128xi32, #tpu.memory_space<vmem>>, vector<16xi32>,
      %get3A_142 = arith.constant 0 : i32
      %get3A_143 = arith.index_cast %get3A_142 : i32 to index
      %get3A_144 = arith.constant 48 : index
      %get3A_145 = tpu.vector_load %arg12[%get3A_143, %get3A_144] {strides = array<i32>} : memref<1x128xi32, #tpu.memory_space<vmem>>, vector<16xi32>,
      %gather3A_146 = tpu.vector_load_idx %arg9[%get3A_141] : memref<10240xf32, #tpu.memory_space<vmem>>[vector<16xi32>], vector<16xf32>,
      %gather3A_147 = tpu.vector_load_idx %arg10[%get3A_145] : memref<10240xf32, #tpu.memory_space<vmem>>[vector<16xi32>], vector<16xf32>,
      %add3A_148 = arith.addf %gather3A_146, %gather3A_147 : vector<16xf32>
      %mul3A_149 = arith.constant 2.000000e-01 : f32
      %mul3A_150 = vector.broadcast %mul3A_149 : f32 to vector<16xf32>
      %mul3A_151 = arith.mulf %mul3A_150, %add3A_148 : vector<16xf32>
      %max3A_152 = arith.maximumf %add3A_148, %mul3A_151 : vector<16xf32>
      %exp3A_153 = math.exp %max3A_152 : vector<16xf32>
      %swap3A_154 = arith.constant 48 : index
      %swap3A_155 = tpu.vector_load %arg14[%swap3A_154] {strides = array<i32>} : memref<128xf32, #tpu.memory_space<vmem>>, vector<16xf32>,
      tpu.vector_store %arg14[%swap3A_154], %exp3A_153 {strides = array<i32>} : memref<128xf32, #tpu.memory_space<vmem>>, vector<16xf32>,
      %get3A_156 = arith.constant 0 : i32
      %get3A_157 = arith.index_cast %get3A_156 : i32 to index
      %get3A_158 = arith.constant 64 : index
      %get3A_159 = tpu.vector_load %arg11[%get3A_157, %get3A_158] {strides = array<i32>} : memref<1x128xi32, #tpu.memory_space<vmem>>, vector<16xi32>,
      %get3A_160 = arith.constant 0 : i32
      %get3A_161 = arith.index_cast %get3A_160 : i32 to index
      %get3A_162 = arith.constant 64 : index
      %get3A_163 = tpu.vector_load %arg12[%get3A_161, %get3A_162] {strides = array<i32>} : memref<1x128xi32, #tpu.memory_space<vmem>>, vector<16xi32>,
      %gather3A_164 = tpu.vector_load_idx %arg9[%get3A_159] : memref<10240xf32, #tpu.memory_space<vmem>>[vector<16xi32>], vector<16xf32>,
      %gather3A_165 = tpu.vector_load_idx %arg10[%get3A_163] : memref<10240xf32, #tpu.memory_space<vmem>>[vector<16xi32>], vector<16xf32>,
      %add3A_166 = arith.addf %gather3A_164, %gather3A_165 : vector<16xf32>
      %mul3A_167 = arith.constant 2.000000e-01 : f32
      %mul3A_168 = vector.broadcast %mul3A_167 : f32 to vector<16xf32>
      %mul3A_169 = arith.mulf %mul3A_168, %add3A_166 : vector<16xf32>
      %max3A_170 = arith.maximumf %add3A_166, %mul3A_169 : vector<16xf32>
      %exp3A_171 = math.exp %max3A_170 : vector<16xf32>
      %swap3A_172 = arith.constant 64 : index
      %swap3A_173 = tpu.vector_load %arg14[%swap3A_172] {strides = array<i32>} : memref<128xf32, #tpu.memory_space<vmem>>, vector<16xf32>,
      tpu.vector_store %arg14[%swap3A_172], %exp3A_171 {strides = array<i32>} : memref<128xf32, #tpu.memory_space<vmem>>, vector<16xf32>,
      %get3A_174 = arith.constant 0 : i32
      %get3A_175 = arith.index_cast %get3A_174 : i32 to index
      %get3A_176 = arith.constant 80 : index
      %get3A_177 = tpu.vector_load %arg11[%get3A_175, %get3A_176] {strides = array<i32>} : memref<1x128xi32, #tpu.memory_space<vmem>>, vector<16xi32>,
      %get3A_178 = arith.constant 0 : i32
      %get3A_179 = arith.index_cast %get3A_178 : i32 to index
      %get3A_180 = arith.constant 80 : index
      %get3A_181 = tpu.vector_load %arg12[%get3A_179, %get3A_180] {strides = array<i32>} : memref<1x128xi32, #tpu.memory_space<vmem>>, vector<16xi32>,
      %gather3A_182 = tpu.vector_load_idx %arg9[%get3A_177] : memref<10240xf32, #tpu.memory_space<vmem>>[vector<16xi32>], vector<16xf32>,
      %gather3A_183 = tpu.vector_load_idx %arg10[%get3A_181] : memref<10240xf32, #tpu.memory_space<vmem>>[vector<16xi32>], vector<16xf32>,
      %add3A_184 = arith.addf %gather3A_182, %gather3A_183 : vector<16xf32>
      %mul3A_185 = arith.constant 2.000000e-01 : f32
      %mul3A_186 = vector.broadcast %mul3A_185 : f32 to vector<16xf32>
      %mul3A_187 = arith.mulf %mul3A_186, %add3A_184 : vector<16xf32>
      %max3A_188 = arith.maximumf %add3A_184, %mul3A_187 : vector<16xf32>
      %exp3A_189 = math.exp %max3A_188 : vector<16xf32>
      %swap3A_190 = arith.constant 80 : index
      %swap3A_191 = tpu.vector_load %arg14[%swap3A_190] {strides = array<i32>} : memref<128xf32, #tpu.memory_space<vmem>>, vector<16xf32>,
      tpu.vector_store %arg14[%swap3A_190], %exp3A_189 {strides = array<i32>} : memref<128xf32, #tpu.memory_space<vmem>>, vector<16xf32>,
      %get3A_192 = arith.constant 0 : i32
      %get3A_193 = arith.index_cast %get3A_192 : i32 to index
      %get3A_194 = arith.constant 96 : index
      %get3A_195 = tpu.vector_load %arg11[%get3A_193, %get3A_194] {strides = array<i32>} : memref<1x128xi32, #tpu.memory_space<vmem>>, vector<16xi32>,
      %get3A_196 = arith.constant 0 : i32
      %get3A_197 = arith.index_cast %get3A_196 : i32 to index
      %get3A_198 = arith.constant 96 : index
      %get3A_199 = tpu.vector_load %arg12[%get3A_197, %get3A_198] {strides = array<i32>} : memref<1x128xi32, #tpu.memory_space<vmem>>, vector<16xi32>,
      %gather3A_200 = tpu.vector_load_idx %arg9[%get3A_195] : memref<10240xf32, #tpu.memory_space<vmem>>[vector<16xi32>], vector<16xf32>,
      %gather3A_201 = tpu.vector_load_idx %arg10[%get3A_199] : memref<10240xf32, #tpu.memory_space<vmem>>[vector<16xi32>], vector<16xf32>,
      %add3A_202 = arith.addf %gather3A_200, %gather3A_201 : vector<16xf32>
      %mul3A_203 = arith.constant 2.000000e-01 : f32
      %mul3A_204 = vector.broadcast %mul3A_203 : f32 to vector<16xf32>
      %mul3A_205 = arith.mulf %mul3A_204, %add3A_202 : vector<16xf32>
      %max3A_206 = arith.maximumf %add3A_202, %mul3A_205 : vector<16xf32>
      %exp3A_207 = math.exp %max3A_206 : vector<16xf32>
      %swap3A_208 = arith.constant 96 : index
      %swap3A_209 = tpu.vector_load %arg14[%swap3A_208] {strides = array<i32>} : memref<128xf32, #tpu.memory_space<vmem>>, vector<16xf32>,
      tpu.vector_store %arg14[%swap3A_208], %exp3A_207 {strides = array<i32>} : memref<128xf32, #tpu.memory_space<vmem>>, vector<16xf32>,
      %get3A_210 = arith.constant 0 : i32
      %get3A_211 = arith.index_cast %get3A_210 : i32 to index
      %get3A_212 = arith.constant 112 : index
      %get3A_213 = tpu.vector_load %arg11[%get3A_211, %get3A_212] {strides = array<i32>} : memref<1x128xi32, #tpu.memory_space<vmem>>, vector<16xi32>,
      %get3A_214 = arith.constant 0 : i32
      %get3A_215 = arith.index_cast %get3A_214 : i32 to index
      %get3A_216 = arith.constant 112 : index
      %get3A_217 = tpu.vector_load %arg12[%get3A_215, %get3A_216] {strides = array<i32>} : memref<1x128xi32, #tpu.memory_space<vmem>>, vector<16xi32>,
      %gather3A_218 = tpu.vector_load_idx %arg9[%get3A_213] : memref<10240xf32, #tpu.memory_space<vmem>>[vector<16xi32>], vector<16xf32>,
      %gather3A_219 = tpu.vector_load_idx %arg10[%get3A_217] : memref<10240xf32, #tpu.memory_space<vmem>>[vector<16xi32>], vector<16xf32>,
      %add3A_220 = arith.addf %gather3A_218, %gather3A_219 : vector<16xf32>
      %mul3A_221 = arith.constant 2.000000e-01 : f32
      %mul3A_222 = vector.broadcast %mul3A_221 : f32 to vector<16xf32>
      %mul3A_223 = arith.mulf %mul3A_222, %add3A_220 : vector<16xf32>
      %max3A_224 = arith.maximumf %add3A_220, %mul3A_223 : vector<16xf32>
      %exp3A_225 = math.exp %max3A_224 : vector<16xf32>
      %swap3A_226 = arith.constant 112 : index
      %swap3A_227 = tpu.vector_load %arg14[%swap3A_226] {strides = array<i32>} : memref<128xf32, #tpu.memory_space<vmem>>, vector<16xf32>,
      tpu.vector_store %arg14[%swap3A_226], %exp3A_225 {strides = array<i32>} : memref<128xf32, #tpu.memory_space<vmem>>, vector<16xf32>,
      %dma_wait3A = arith.constant 0 : i32
      %dma_wait3A_228 = arith.constant 0 : i32
      %dma_wait3A_229 = tpu.memref_slice %arg11[%dma_wait3A, %dma_wait3A_228] : memref<1x128xi32, #tpu.memory_space<vmem>> -> memref<1x128xi32, #tpu.memory_space<vmem>>
      %dma_wait3A_230 = tpu.memref_squeeze %dma_wait3A_229 : memref<1x128xi32, #tpu.memory_space<vmem>> -> memref<128xi32, #tpu.memory_space<vmem>>
      %dma_wait3A_231 = arith.constant 0 : i32
      %dma_wait3A_232 = arith.constant 0 : i32
      %dma_wait3A_233 = tpu.memref_slice %arg2[%dma_wait3A_231, %dma_wait3A_232] : memref<10240x128xf32, #tpu.memory_space<hbm>> -> memref<10240x128xf32, #tpu.memory_space<hbm>>
      tpu.wait_indirect_dma semaphore(%arg17 : memref<!tpu.dma_semaphore, #tpu.memory_space<semaphore_mem>>) src(%dma_wait3A_233 : memref<10240x128xf32, #tpu.memory_space<hbm>>) dst(%arg13 : memref<128x128xf32, #tpu.memory_space<vmem>>)
      %scan3A_234 = arith.constant 0 : i32
      %scan3A_235 = arith.constant 0 : i32
      %scan3A_236 = arith.constant 64 : i32
      %scan3A_237 = arith.addi %scan3A_235, %scan3A_236 : i32
      %scan3A_238 = arith.constant 1 : i32
      %scan3A_239 = scf.for %scan3A_244 = %scan3A_235 to %scan3A_237 step %scan3A_238 iter_args(%scan3A_245 = %scan3A_234) -> (i32)  : i32 {
        %mul3A_246 = arith.constant 2 : i32
        %mul3A_247 = arith.muli %mul3A_246, %scan3A_244 : i32
        %add3A_248 = arith.constant 0 : i32
        %add3A_249 = arith.addi %mul3A_247, %add3A_248 : i32
        %broadcast_in_dim3A_250 = vector.broadcast %add3A_249 : i32 to vector<16xi32>
        %gather3A_251 = tpu.vector_load_idx %arg14[%broadcast_in_dim3A_250] : memref<128xf32, #tpu.memory_space<vmem>>[vector<16xi32>], vector<16xf32>,
        %get3A_252 = arith.index_cast %add3A_249 : i32 to index
        %get3A_253 = arith.constant 0 : index
        %get3A_254 = tpu.vector_load %arg13[%get3A_252, %get3A_253] {strides = array<i32>} : memref<128x128xf32, #tpu.memory_space<vmem>>, vector<16xf32>,
        %mul3A_255 = arith.mulf %get3A_254, %gather3A_251 : vector<16xf32>
        %swap3A_256 = arith.index_cast %add3A_249 : i32 to index
        %swap3A_257 = arith.constant 0 : index
        %swap3A_258 = tpu.vector_load %arg13[%swap3A_256, %swap3A_257] {strides = array<i32>} : memref<128x128xf32, #tpu.memory_space<vmem>>, vector<16xf32>,
        tpu.vector_store %arg13[%swap3A_256, %swap3A_257], %mul3A_255 {strides = array<i32>} : memref<128x128xf32, #tpu.memory_space<vmem>>, vector<16xf32>,
        %get3A_259 = arith.index_cast %add3A_249 : i32 to index
        %get3A_260 = arith.constant 16 : index
        %get3A_261 = tpu.vector_load %arg13[%get3A_259, %get3A_260] {strides = array<i32>} : memref<128x128xf32, #tpu.memory_space<vmem>>, vector<16xf32>,
        %mul3A_262 = arith.mulf %get3A_261, %gather3A_251 : vector<16xf32>
        %swap3A_263 = arith.index_cast %add3A_249 : i32 to index
        %swap3A_264 = arith.constant 16 : index
        %swap3A_265 = tpu.vector_load %arg13[%swap3A_263, %swap3A_264] {strides = array<i32>} : memref<128x128xf32, #tpu.memory_space<vmem>>, vector<16xf32>,
        tpu.vector_store %arg13[%swap3A_263, %swap3A_264], %mul3A_262 {strides = array<i32>} : memref<128x128xf32, #tpu.memory_space<vmem>>, vector<16xf32>,
        %get3A_266 = arith.index_cast %add3A_249 : i32 to index
        %get3A_267 = arith.constant 32 : index
        %get3A_268 = tpu.vector_load %arg13[%get3A_266, %get3A_267] {strides = array<i32>} : memref<128x128xf32, #tpu.memory_space<vmem>>, vector<16xf32>,
        %mul3A_269 = arith.mulf %get3A_268, %gather3A_251 : vector<16xf32>
        %swap3A_270 = arith.index_cast %add3A_249 : i32 to index
        %swap3A_271 = arith.constant 32 : index
        %swap3A_272 = tpu.vector_load %arg13[%swap3A_270, %swap3A_271] {strides = array<i32>} : memref<128x128xf32, #tpu.memory_space<vmem>>, vector<16xf32>,
        tpu.vector_store %arg13[%swap3A_270, %swap3A_271], %mul3A_269 {strides = array<i32>} : memref<128x128xf32, #tpu.memory_space<vmem>>, vector<16xf32>,
        %get3A_273 = arith.index_cast %add3A_249 : i32 to index
        %get3A_274 = arith.constant 48 : index
        %get3A_275 = tpu.vector_load %arg13[%get3A_273, %get3A_274] {strides = array<i32>} : memref<128x128xf32, #tpu.memory_space<vmem>>, vector<16xf32>,
        %mul3A_276 = arith.mulf %get3A_275, %gather3A_251 : vector<16xf32>
        %swap3A_277 = arith.index_cast %add3A_249 : i32 to index
        %swap3A_278 = arith.constant 48 : index
        %swap3A_279 = tpu.vector_load %arg13[%swap3A_277, %swap3A_278] {strides = array<i32>} : memref<128x128xf32, #tpu.memory_space<vmem>>, vector<16xf32>,
        tpu.vector_store %arg13[%swap3A_277, %swap3A_278], %mul3A_276 {strides = array<i32>} : memref<128x128xf32, #tpu.memory_space<vmem>>, vector<16xf32>,
        %get3A_280 = arith.index_cast %add3A_249 : i32 to index
        %get3A_281 = arith.constant 64 : index
        %get3A_282 = tpu.vector_load %arg13[%get3A_280, %get3A_281] {strides = array<i32>} : memref<128x128xf32, #tpu.memory_space<vmem>>, vector<16xf32>,
        %mul3A_283 = arith.mulf %get3A_282, %gather3A_251 : vector<16xf32>
        %swap3A_284 = arith.index_cast %add3A_249 : i32 to index
        %swap3A_285 = arith.constant 64 : index
        %swap3A_286 = tpu.vector_load %arg13[%swap3A_284, %swap3A_285] {strides = array<i32>} : memref<128x128xf32, #tpu.memory_space<vmem>>, vector<16xf32>,
        tpu.vector_store %arg13[%swap3A_284, %swap3A_285], %mul3A_283 {strides = array<i32>} : memref<128x128xf32, #tpu.memory_space<vmem>>, vector<16xf32>,
        %get3A_287 = arith.index_cast %add3A_249 : i32 to index
        %get3A_288 = arith.constant 80 : index
        %get3A_289 = tpu.vector_load %arg13[%get3A_287, %get3A_288] {strides = array<i32>} : memref<128x128xf32, #tpu.memory_space<vmem>>, vector<16xf32>,
        %mul3A_290 = arith.mulf %get3A_289, %gather3A_251 : vector<16xf32>
        %swap3A_291 = arith.index_cast %add3A_249 : i32 to index
        %swap3A_292 = arith.constant 80 : index
        %swap3A_293 = tpu.vector_load %arg13[%swap3A_291, %swap3A_292] {strides = array<i32>} : memref<128x128xf32, #tpu.memory_space<vmem>>, vector<16xf32>,
        tpu.vector_store %arg13[%swap3A_291, %swap3A_292], %mul3A_290 {strides = array<i32>} : memref<128x128xf32, #tpu.memory_space<vmem>>, vector<16xf32>,
        %get3A_294 = arith.index_cast %add3A_249 : i32 to index
        %get3A_295 = arith.constant 96 : index
        %get3A_296 = tpu.vector_load %arg13[%get3A_294, %get3A_295] {strides = array<i32>} : memref<128x128xf32, #tpu.memory_space<vmem>>, vector<16xf32>,
        %mul3A_297 = arith.mulf %get3A_296, %gather3A_251 : vector<16xf32>
        %swap3A_298 = arith.index_cast %add3A_249 : i32 to index
        %swap3A_299 = arith.constant 96 : index
        %swap3A_300 = tpu.vector_load %arg13[%swap3A_298, %swap3A_299] {strides = array<i32>} : memref<128x128xf32, #tpu.memory_space<vmem>>, vector<16xf32>,
        tpu.vector_store %arg13[%swap3A_298, %swap3A_299], %mul3A_297 {strides = array<i32>} : memref<128x128xf32, #tpu.memory_space<vmem>>, vector<16xf32>,
        %get3A_301 = arith.index_cast %add3A_249 : i32 to index
        %get3A_302 = arith.constant 112 : index
        %get3A_303 = tpu.vector_load %arg13[%get3A_301, %get3A_302] {strides = array<i32>} : memref<128x128xf32, #tpu.memory_space<vmem>>, vector<16xf32>,
        %mul3A_304 = arith.mulf %get3A_303, %gather3A_251 : vector<16xf32>
        %swap3A_305 = arith.index_cast %add3A_249 : i32 to index
        %swap3A_306 = arith.constant 112 : index
        %swap3A_307 = tpu.vector_load %arg13[%swap3A_305, %swap3A_306] {strides = array<i32>} : memref<128x128xf32, #tpu.memory_space<vmem>>, vector<16xf32>,
        tpu.vector_store %arg13[%swap3A_305, %swap3A_306], %mul3A_304 {strides = array<i32>} : memref<128x128xf32, #tpu.memory_space<vmem>>, vector<16xf32>,
        %mul3A_308 = arith.constant 2 : i32
        %mul3A_309 = arith.muli %mul3A_308, %scan3A_244 : i32
        %add3A_310 = arith.constant 1 : i32
        %add3A_311 = arith.addi %mul3A_309, %add3A_310 : i32
        %broadcast_in_dim3A_312 = vector.broadcast %add3A_311 : i32 to vector<16xi32>
        %gather3A_313 = tpu.vector_load_idx %arg14[%broadcast_in_dim3A_312] : memref<128xf32, #tpu.memory_space<vmem>>[vector<16xi32>], vector<16xf32>,
        %get3A_314 = arith.index_cast %add3A_311 : i32 to index
        %get3A_315 = arith.constant 0 : index
        %get3A_316 = tpu.vector_load %arg13[%get3A_314, %get3A_315] {strides = array<i32>} : memref<128x128xf32, #tpu.memory_space<vmem>>, vector<16xf32>,
        %mul3A_317 = arith.mulf %get3A_316, %gather3A_313 : vector<16xf32>
        %swap3A_318 = arith.index_cast %add3A_311 : i32 to index
        %swap3A_319 = arith.constant 0 : index
        %swap3A_320 = tpu.vector_load %arg13[%swap3A_318, %swap3A_319] {strides = array<i32>} : memref<128x128xf32, #tpu.memory_space<vmem>>, vector<16xf32>,
        tpu.vector_store %arg13[%swap3A_318, %swap3A_319], %mul3A_317 {strides = array<i32>} : memref<128x128xf32, #tpu.memory_space<vmem>>, vector<16xf32>,
        %get3A_321 = arith.index_cast %add3A_311 : i32 to index
        %get3A_322 = arith.constant 16 : index
        %get3A_323 = tpu.vector_load %arg13[%get3A_321, %get3A_322] {strides = array<i32>} : memref<128x128xf32, #tpu.memory_space<vmem>>, vector<16xf32>,
        %mul3A_324 = arith.mulf %get3A_323, %gather3A_313 : vector<16xf32>
        %swap3A_325 = arith.index_cast %add3A_311 : i32 to index
        %swap3A_326 = arith.constant 16 : index
        %swap3A_327 = tpu.vector_load %arg13[%swap3A_325, %swap3A_326] {strides = array<i32>} : memref<128x128xf32, #tpu.memory_space<vmem>>, vector<16xf32>,
        tpu.vector_store %arg13[%swap3A_325, %swap3A_326], %mul3A_324 {strides = array<i32>} : memref<128x128xf32, #tpu.memory_space<vmem>>, vector<16xf32>,
        %get3A_328 = arith.index_cast %add3A_311 : i32 to index
        %get3A_329 = arith.constant 32 : index
        %get3A_330 = tpu.vector_load %arg13[%get3A_328, %get3A_329] {strides = array<i32>} : memref<128x128xf32, #tpu.memory_space<vmem>>, vector<16xf32>,
        %mul3A_331 = arith.mulf %get3A_330, %gather3A_313 : vector<16xf32>
        %swap3A_332 = arith.index_cast %add3A_311 : i32 to index
        %swap3A_333 = arith.constant 32 : index
        %swap3A_334 = tpu.vector_load %arg13[%swap3A_332, %swap3A_333] {strides = array<i32>} : memref<128x128xf32, #tpu.memory_space<vmem>>, vector<16xf32>,
        tpu.vector_store %arg13[%swap3A_332, %swap3A_333], %mul3A_331 {strides = array<i32>} : memref<128x128xf32, #tpu.memory_space<vmem>>, vector<16xf32>,
        %get3A_335 = arith.index_cast %add3A_311 : i32 to index
        %get3A_336 = arith.constant 48 : index
        %get3A_337 = tpu.vector_load %arg13[%get3A_335, %get3A_336] {strides = array<i32>} : memref<128x128xf32, #tpu.memory_space<vmem>>, vector<16xf32>,
        %mul3A_338 = arith.mulf %get3A_337, %gather3A_313 : vector<16xf32>
        %swap3A_339 = arith.index_cast %add3A_311 : i32 to index
        %swap3A_340 = arith.constant 48 : index
        %swap3A_341 = tpu.vector_load %arg13[%swap3A_339, %swap3A_340] {strides = array<i32>} : memref<128x128xf32, #tpu.memory_space<vmem>>, vector<16xf32>,
        tpu.vector_store %arg13[%swap3A_339, %swap3A_340], %mul3A_338 {strides = array<i32>} : memref<128x128xf32, #tpu.memory_space<vmem>>, vector<16xf32>,
        %get3A_342 = arith.index_cast %add3A_311 : i32 to index
        %get3A_343 = arith.constant 64 : index
        %get3A_344 = tpu.vector_load %arg13[%get3A_342, %get3A_343] {strides = array<i32>} : memref<128x128xf32, #tpu.memory_space<vmem>>, vector<16xf32>,
        %mul3A_345 = arith.mulf %get3A_344, %gather3A_313 : vector<16xf32>
        %swap3A_346 = arith.index_cast %add3A_311 : i32 to index
        %swap3A_347 = arith.constant 64 : index
        %swap3A_348 = tpu.vector_load %arg13[%swap3A_346, %swap3A_347] {strides = array<i32>} : memref<128x128xf32, #tpu.memory_space<vmem>>, vector<16xf32>,
        tpu.vector_store %arg13[%swap3A_346, %swap3A_347], %mul3A_345 {strides = array<i32>} : memref<128x128xf32, #tpu.memory_space<vmem>>, vector<16xf32>,
        %get3A_349 = arith.index_cast %add3A_311 : i32 to index
        %get3A_350 = arith.constant 80 : index
        %get3A_351 = tpu.vector_load %arg13[%get3A_349, %get3A_350] {strides = array<i32>} : memref<128x128xf32, #tpu.memory_space<vmem>>, vector<16xf32>,
        %mul3A_352 = arith.mulf %get3A_351, %gather3A_313 : vector<16xf32>
        %swap3A_353 = arith.index_cast %add3A_311 : i32 to index
        %swap3A_354 = arith.constant 80 : index
        %swap3A_355 = tpu.vector_load %arg13[%swap3A_353, %swap3A_354] {strides = array<i32>} : memref<128x128xf32, #tpu.memory_space<vmem>>, vector<16xf32>,
        tpu.vector_store %arg13[%swap3A_353, %swap3A_354], %mul3A_352 {strides = array<i32>} : memref<128x128xf32, #tpu.memory_space<vmem>>, vector<16xf32>,
        %get3A_356 = arith.index_cast %add3A_311 : i32 to index
        %get3A_357 = arith.constant 96 : index
        %get3A_358 = tpu.vector_load %arg13[%get3A_356, %get3A_357] {strides = array<i32>} : memref<128x128xf32, #tpu.memory_space<vmem>>, vector<16xf32>,
        %mul3A_359 = arith.mulf %get3A_358, %gather3A_313 : vector<16xf32>
        %swap3A_360 = arith.index_cast %add3A_311 : i32 to index
        %swap3A_361 = arith.constant 96 : index
        %swap3A_362 = tpu.vector_load %arg13[%swap3A_360, %swap3A_361] {strides = array<i32>} : memref<128x128xf32, #tpu.memory_space<vmem>>, vector<16xf32>,
        tpu.vector_store %arg13[%swap3A_360, %swap3A_361], %mul3A_359 {strides = array<i32>} : memref<128x128xf32, #tpu.memory_space<vmem>>, vector<16xf32>,
        %get3A_363 = arith.index_cast %add3A_311 : i32 to index
        %get3A_364 = arith.constant 112 : index
        %get3A_365 = tpu.vector_load %arg13[%get3A_363, %get3A_364] {strides = array<i32>} : memref<128x128xf32, #tpu.memory_space<vmem>>, vector<16xf32>,
        %mul3A_366 = arith.mulf %get3A_365, %gather3A_313 : vector<16xf32>
        %swap3A_367 = arith.index_cast %add3A_311 : i32 to index
        %swap3A_368 = arith.constant 112 : index
        %swap3A_369 = tpu.vector_load %arg13[%swap3A_367, %swap3A_368] {strides = array<i32>} : memref<128x128xf32, #tpu.memory_space<vmem>>, vector<16xf32>,
        tpu.vector_store %arg13[%swap3A_367, %swap3A_368], %mul3A_366 {strides = array<i32>} : memref<128x128xf32, #tpu.memory_space<vmem>>, vector<16xf32>,
        %scan3A_370 = arith.constant 0 : i32
        scf.yield %scan3A_370 : i32
      }
      %scan3A_240 = arith.constant 64 : i32
      %run_scoped3A_241 = arith.constant 0 : i32
      "tpu.region"() ({
        %run_scoped3A_244 = tpu.sem_alloc : memref<!tpu.dma_semaphore, #tpu.memory_space<semaphore_mem>>
        %dma_start3A_245 = arith.constant 0 : i32
        %dma_start3A_246 = tpu.memref_slice %arg12[%run_scoped3A_241, %dma_start3A_245] : memref<1x128xi32, #tpu.memory_space<vmem>> -> memref<1x128xi32, #tpu.memory_space<vmem>>
        %dma_start3A_247 = tpu.memref_squeeze %dma_start3A_246 : memref<1x128xi32, #tpu.memory_space<vmem>> -> memref<128xi32, #tpu.memory_space<vmem>>
        %dma_start3A_248 = arith.constant 0 : i32
        %dma_start3A_249 = arith.constant 0 : i32
        %dma_start3A_250 = tpu.memref_slice %arg15[%dma_start3A_248, %dma_start3A_249] : memref<10240x128xf32, #tpu.memory_space<vmem_shared>> -> memref<10240x128xf32, #tpu.memory_space<vmem_shared>>
        tpu.enqueue_indirect_dma source(%arg13 : memref<128x128xf32, #tpu.memory_space<vmem>>) target(%dma_start3A_250 : memref<10240x128xf32, #tpu.memory_space<vmem_shared>>) offsets(%dma_start3A_247 : memref<128xi32, #tpu.memory_space<vmem>>) semaphore(%run_scoped3A_244 : memref<!tpu.dma_semaphore, #tpu.memory_space<semaphore_mem>>) {add = true}
        %dma_wait3A_251 = arith.constant 0 : i32
        %dma_wait3A_252 = tpu.memref_slice %arg12[%run_scoped3A_241, %dma_wait3A_251] : memref<1x128xi32, #tpu.memory_space<vmem>> -> memref<1x128xi32, #tpu.memory_space<vmem>>
        %dma_wait3A_253 = tpu.memref_squeeze %dma_wait3A_252 : memref<1x128xi32, #tpu.memory_space<vmem>> -> memref<128xi32, #tpu.memory_space<vmem>>
        %dma_wait3A_254 = arith.constant 0 : i32
        %dma_wait3A_255 = arith.constant 0 : i32
        %dma_wait3A_256 = tpu.memref_slice %arg15[%dma_wait3A_254, %dma_wait3A_255] : memref<10240x128xf32, #tpu.memory_space<vmem_shared>> -> memref<10240x128xf32, #tpu.memory_space<vmem_shared>>
        tpu.wait_indirect_dma semaphore(%run_scoped3A_244 : memref<!tpu.dma_semaphore, #tpu.memory_space<semaphore_mem>>) src(%arg13 : memref<128x128xf32, #tpu.memory_space<vmem>>) dst(%dma_wait3A_256 : memref<10240x128xf32, #tpu.memory_space<vmem_shared>>)
        tpu.yield
      }) : () -> ()
      %run_scoped3A_242 = arith.constant 0 : i32
      "tpu.region"() ({
        %run_scoped3A_244 = tpu.sem_alloc : memref<!tpu.dma_semaphore, #tpu.memory_space<semaphore_mem>>
        %dma_start3A_245 = arith.constant 0 : i32
        %dma_start3A_246 = tpu.memref_slice %arg12[%run_scoped3A_242, %dma_start3A_245] : memref<1x128xi32, #tpu.memory_space<vmem>> -> memref<1x128xi32, #tpu.memory_space<vmem>>
        %dma_start3A_247 = tpu.memref_squeeze %dma_start3A_246 : memref<1x128xi32, #tpu.memory_space<vmem>> -> memref<128xi32, #tpu.memory_space<vmem>>
        %dma_start3A_248 = arith.constant 0 : i32
        %dma_start3A_249 = tpu.memref_slice %arg16[%dma_start3A_248] : memref<10240xf32, #tpu.memory_space<vmem_shared>> -> memref<10240xf32, #tpu.memory_space<vmem_shared>>
        tpu.enqueue_indirect_dma source(%arg14 : memref<128xf32, #tpu.memory_space<vmem>>) target(%dma_start3A_249 : memref<10240xf32, #tpu.memory_space<vmem_shared>>) offsets(%dma_start3A_247 : memref<128xi32, #tpu.memory_space<vmem>>) semaphore(%run_scoped3A_244 : memref<!tpu.dma_semaphore, #tpu.memory_space<semaphore_mem>>) {add = true}
        %dma_wait3A_250 = arith.constant 0 : i32
        %dma_wait3A_251 = tpu.memref_slice %arg12[%run_scoped3A_242, %dma_wait3A_250] : memref<1x128xi32, #tpu.memory_space<vmem>> -> memref<1x128xi32, #tpu.memory_space<vmem>>
        %dma_wait3A_252 = tpu.memref_squeeze %dma_wait3A_251 : memref<1x128xi32, #tpu.memory_space<vmem>> -> memref<128xi32, #tpu.memory_space<vmem>>
        %dma_wait3A_253 = arith.constant 0 : i32
        %dma_wait3A_254 = tpu.memref_slice %arg16[%dma_wait3A_253] : memref<10240xf32, #tpu.memory_space<vmem_shared>> -> memref<10240xf32, #tpu.memory_space<vmem_shared>>
        tpu.wait_indirect_dma semaphore(%run_scoped3A_244 : memref<!tpu.dma_semaphore, #tpu.memory_space<semaphore_mem>>) src(%arg14 : memref<128xf32, #tpu.memory_space<vmem>>) dst(%dma_wait3A_254 : memref<10240xf32, #tpu.memory_space<vmem_shared>>)
        tpu.yield
      }) : () -> ()
      %scan3A_243 = arith.constant 0 : i32
      scf.yield %scan3A_243 : i32
    }
    %scan3A_69 = arith.constant 79 : i32
    %barrier3A_70 = arith.constant 0 : index
    tpu.barrier barrier_id(%barrier3A_70)
    %mul3A_71 = arith.constant 640 : i32
    %mul3A_72 = arith.muli %arg1, %mul3A_71 : i32
    %mul3A_73 = arith.constant 640 : i32
    %mul3A_74 = arith.muli %arg1, %mul3A_73 : i32
    "tpu.region"() ({
      %run_scoped3A = tpu.sem_alloc : memref<!tpu.dma_semaphore, #tpu.memory_space<semaphore_mem>>
      %dma_start3A = arith.constant 0 : i32
      %dma_start3A_79 = tpu.memref_slice %arg7[%arg0, %mul3A_74, %dma_start3A] : memref<2x10240x128xf32, #tpu.memory_space<hbm>> -> memref<1x640x128xf32, #tpu.memory_space<hbm>>
      %dma_start3A_80 = tpu.memref_squeeze %dma_start3A_79 : memref<1x640x128xf32, #tpu.memory_space<hbm>> -> memref<640x128xf32, #tpu.memory_space<hbm>>
      %dma_start3A_81 = arith.constant 0 : i32
      %dma_start3A_82 = tpu.memref_slice %arg15[%mul3A_72, %dma_start3A_81] : memref<10240x128xf32, #tpu.memory_space<vmem_shared>> -> memref<640x128xf32, #tpu.memory_space<vmem_shared>>
      tpu.enqueue_dma source(%dma_start3A_82 : memref<640x128xf32, #tpu.memory_space<vmem_shared>>) target(%dma_start3A_80 : memref<640x128xf32, #tpu.memory_space<hbm>>) target_semaphore(%run_scoped3A : memref<!tpu.dma_semaphore, #tpu.memory_space<semaphore_mem>>)
      %dma_wait3A = arith.constant 0 : i32
      %dma_wait3A_83 = tpu.memref_slice %arg7[%arg0, %mul3A_74, %dma_wait3A] : memref<2x10240x128xf32, #tpu.memory_space<hbm>> -> memref<1x640x128xf32, #tpu.memory_space<hbm>>
      %dma_wait3A_84 = tpu.memref_squeeze %dma_wait3A_83 : memref<1x640x128xf32, #tpu.memory_space<hbm>> -> memref<640x128xf32, #tpu.memory_space<hbm>>
      %dma_wait3A_85 = arith.constant 0 : i32
      %dma_wait3A_86 = tpu.memref_slice %arg15[%mul3A_72, %dma_wait3A_85] : memref<10240x128xf32, #tpu.memory_space<vmem_shared>> -> memref<640x128xf32, #tpu.memory_space<vmem_shared>>
      tpu.wait_dma2 semaphore(%run_scoped3A : memref<!tpu.dma_semaphore, #tpu.memory_space<semaphore_mem>>) src(%dma_wait3A_86 : memref<640x128xf32, #tpu.memory_space<vmem_shared>>) dst(%dma_wait3A_84 : memref<640x128xf32, #tpu.memory_space<hbm>>)
      tpu.yield
    }) : () -> ()
    %mul3A_75 = arith.constant 640 : i32
    %mul3A_76 = arith.muli %arg1, %mul3A_75 : i32
    %mul3A_77 = arith.constant 640 : i32
    %mul3A_78 = arith.muli %arg1, %mul3A_77 : i32
    "tpu.region"() ({
      %run_scoped3A = tpu.sem_alloc : memref<!tpu.dma_semaphore, #tpu.memory_space<semaphore_mem>>
      %dma_start3A = tpu.memref_slice %arg8[%arg0, %mul3A_78] : memref<2x10240xf32, #tpu.memory_space<hbm>> -> memref<1x640xf32, #tpu.memory_space<hbm>>
      %dma_start3A_79 = tpu.memref_squeeze %dma_start3A : memref<1x640xf32, #tpu.memory_space<hbm>> -> memref<640xf32, #tpu.memory_space<hbm>>
      %dma_start3A_80 = tpu.memref_slice %arg16[%mul3A_76] : memref<10240xf32, #tpu.memory_space<vmem_shared>> -> memref<640xf32, #tpu.memory_space<vmem_shared>>
      tpu.enqueue_dma source(%dma_start3A_80 : memref<640xf32, #tpu.memory_space<vmem_shared>>) target(%dma_start3A_79 : memref<640xf32, #tpu.memory_space<hbm>>) target_semaphore(%run_scoped3A : memref<!tpu.dma_semaphore, #tpu.memory_space<semaphore_mem>>)
      %dma_wait3A = tpu.memref_slice %arg8[%arg0, %mul3A_78] : memref<2x10240xf32, #tpu.memory_space<hbm>> -> memref<1x640xf32, #tpu.memory_space<hbm>>
      %dma_wait3A_81 = tpu.memref_squeeze %dma_wait3A : memref<1x640xf32, #tpu.memory_space<hbm>> -> memref<640xf32, #tpu.memory_space<hbm>>
      %dma_wait3A_82 = tpu.memref_slice %arg16[%mul3A_76] : memref<10240xf32, #tpu.memory_space<vmem_shared>> -> memref<640xf32, #tpu.memory_space<vmem_shared>>
      tpu.wait_dma2 semaphore(%run_scoped3A : memref<!tpu.dma_semaphore, #tpu.memory_space<semaphore_mem>>) src(%dma_wait3A_82 : memref<640xf32, #tpu.memory_space<vmem_shared>>) dst(%dma_wait3A_81 : memref<640xf32, #tpu.memory_space<hbm>>)
      tpu.yield
    }) : () -> ()
    return
  }
}

module attributes {stable_mosaic.version = 14 : i64} {
  func.func @body(%arg0: i32, %arg1: memref<512x128xf32, #tpu.memory_space<vmem>>, %arg2: memref<128x128xf32, #tpu.memory_space<vmem>>, %arg3: memref<128x1xf32, #tpu.memory_space<vmem>>, %arg4: memref<128x1xf32, #tpu.memory_space<vmem>>, %arg5: memref<512x128xf32, #tpu.memory_space<vmem>>, %arg6: memref<512x1xf32, #tpu.memory_space<vmem>>, %arg7: memref<512x1xf32, #tpu.memory_space<vmem>>) attributes {dimension_semantics = [#tpu.dimension_semantics<arbitrary>], iteration_bounds = array<i64: 20>, scalar_prefetch = 0 : i64, scratch_operands = 0 : i64, tpu.core_type = #tpu.core_type<tc>, window_params = [{transform_indices = @transform_0, window_bounds = array<i64: 512, 128>}, {pipeline_mode = #tpu.pipeline_mode<synchronous>, transform_indices = @transform_1, window_bounds = array<i64: 128, 128>}, {pipeline_mode = #tpu.pipeline_mode<synchronous>, transform_indices = @transform_2, window_bounds = array<i64: 128, 1>}, {pipeline_mode = #tpu.pipeline_mode<synchronous>, transform_indices = @transform_3, window_bounds = array<i64: 128, 1>}, {transform_indices = @transform_4, window_bounds = array<i64: 512, 128>}, {transform_indices = @transform_5, window_bounds = array<i64: 512, 1>}, {transform_indices = @transform_6, window_bounds = array<i64: 512, 1>}]} {
    %get3A = arith.constant 0 : index
    %get3A_0 = arith.constant 0 : index
    %get3A_1 = vector.load %arg1[%get3A, %get3A_0] : memref<512x128xf32, #tpu.memory_space<vmem>>, vector<512x128xf32>
    %get3A_2 = arith.constant 0 : index
    %get3A_3 = arith.constant 0 : index
    %get3A_4 = vector.load %arg2[%get3A_2, %get3A_3] : memref<128x128xf32, #tpu.memory_space<vmem>>, vector<128x128xf32>
    %dot_general3A = arith.constant dense<0.000000e+00> : vector<512x128xf32>
    %dot_general3A_5 = tpu.matmul %get3A_1, %get3A_4, %dot_general3A {dimension_numbers = #tpu.dot_dimension_numbers<[1], [0], [0], [1], [0, 0, 1, 1], [], []>, transpose_lhs_hint = false} : vector<512x128xf32>, vector<128x128xf32>, vector<512x128xf32> -> vector<512x128xf32>
    %swap3A = arith.constant 0 : index
    %swap3A_6 = arith.constant 0 : index
    %swap3A_7 = vector.load %arg5[%swap3A, %swap3A_6] : memref<512x128xf32, #tpu.memory_space<vmem>>, vector<512x128xf32>
    tpu.vector_store %arg5[%swap3A, %swap3A_6], %dot_general3A_5 {strides = array<i32>} : memref<512x128xf32, #tpu.memory_space<vmem>>, vector<512x128xf32>,
    %get3A_8 = arith.constant 0 : index
    %get3A_9 = arith.constant 0 : index
    %get3A_10 = vector.load %arg3[%get3A_8, %get3A_9] : memref<128x1xf32, #tpu.memory_space<vmem>>, vector<128x1xf32>
    %dot_general3A_11 = arith.constant dense<0.000000e+00> : vector<512x1xf32>
    %dot_general3A_12 = tpu.matmul %dot_general3A_5, %get3A_10, %dot_general3A_11 {dimension_numbers = #tpu.dot_dimension_numbers<[1], [0], [0], [1], [0, 0, 1, 1], [], []>, transpose_lhs_hint = false} : vector<512x128xf32>, vector<128x1xf32>, vector<512x1xf32> -> vector<512x1xf32>
    %swap3A_13 = arith.constant 0 : index
    %swap3A_14 = arith.constant 0 : index
    %swap3A_15 = vector.load %arg6[%swap3A_13, %swap3A_14] : memref<512x1xf32, #tpu.memory_space<vmem>>, vector<512x1xf32>
    tpu.vector_store %arg6[%swap3A_13, %swap3A_14], %dot_general3A_12 {strides = array<i32>} : memref<512x1xf32, #tpu.memory_space<vmem>>, vector<512x1xf32>,
    %get3A_16 = arith.constant 0 : index
    %get3A_17 = arith.constant 0 : index
    %get3A_18 = vector.load %arg4[%get3A_16, %get3A_17] : memref<128x1xf32, #tpu.memory_space<vmem>>, vector<128x1xf32>
    %dot_general3A_19 = arith.constant dense<0.000000e+00> : vector<512x1xf32>
    %dot_general3A_20 = tpu.matmul %dot_general3A_5, %get3A_18, %dot_general3A_19 {dimension_numbers = #tpu.dot_dimension_numbers<[1], [0], [0], [1], [0, 0, 1, 1], [], []>, transpose_lhs_hint = false} : vector<512x128xf32>, vector<128x1xf32>, vector<512x1xf32> -> vector<512x1xf32>
    %swap3A_21 = arith.constant 0 : index
    %swap3A_22 = arith.constant 0 : index
    %swap3A_23 = vector.load %arg7[%swap3A_21, %swap3A_22] : memref<512x1xf32, #tpu.memory_space<vmem>>, vector<512x1xf32>
    tpu.vector_store %arg7[%swap3A_21, %swap3A_22], %dot_general3A_20 {strides = array<i32>} : memref<512x1xf32, #tpu.memory_space<vmem>>, vector<512x1xf32>,
    return
  }
  func.func @transform_0(%arg0: i32) -> (i32, i32) {
    %c0_i32 = arith.constant 0 : i32
    %c0_i32_0 = arith.constant 0 : i32
    return %arg0, %c0_i32 : i32, i32
  }
  func.func @transform_1(%arg0: i32) -> (i32, i32) {
    %c0_i32 = arith.constant 0 : i32
    %c0_i32_0 = arith.constant 0 : i32
    %c0_i32_1 = arith.constant 0 : i32
    return %c0_i32, %c0_i32_0 : i32, i32
  }
  func.func @transform_2(%arg0: i32) -> (i32, i32) {
    %c0_i32 = arith.constant 0 : i32
    %c0_i32_0 = arith.constant 0 : i32
    %c0_i32_1 = arith.constant 0 : i32
    return %c0_i32, %c0_i32_0 : i32, i32
  }
  func.func @transform_3(%arg0: i32) -> (i32, i32) {
    %c0_i32 = arith.constant 0 : i32
    %c0_i32_0 = arith.constant 0 : i32
    %c0_i32_1 = arith.constant 0 : i32
    return %c0_i32, %c0_i32_0 : i32, i32
  }
  func.func @transform_4(%arg0: i32) -> (i32, i32) {
    %c0_i32 = arith.constant 0 : i32
    %c0_i32_0 = arith.constant 0 : i32
    return %arg0, %c0_i32 : i32, i32
  }
  func.func @transform_5(%arg0: i32) -> (i32, i32) {
    %c0_i32 = arith.constant 0 : i32
    %c0_i32_0 = arith.constant 0 : i32
    return %arg0, %c0_i32 : i32, i32
  }
  func.func @transform_6(%arg0: i32) -> (i32, i32) {
    %c0_i32 = arith.constant 0 : i32
    %c0_i32_0 = arith.constant 0 : i32
    return %arg0, %c0_i32 : i32, i32
  }
}

module attributes {stable_mosaic.version = 14 : i64} {
  func.func @body(%arg0: i32, %arg1: memref<2x512x128xf32, #tpu.memory_space<vmem>>, %arg2: memref<2x512x1xf32, #tpu.memory_space<vmem>>, %arg3: memref<1x128xf32, #tpu.memory_space<vmem>>, %arg4: memref<128x128xf32, #tpu.memory_space<vmem>>, %arg5: memref<1x128xf32, #tpu.memory_space<vmem>>, %arg6: memref<512x128xf32, #tpu.memory_space<vmem>>) attributes {dimension_semantics = [#tpu.dimension_semantics<arbitrary>], iteration_bounds = array<i64: 20>, scalar_prefetch = 0 : i64, scratch_operands = 0 : i64, tpu.core_type = #tpu.core_type<tc>, window_params = [{transform_indices = @transform_0, window_bounds = array<i64: 2, 512, 128>}, {transform_indices = @transform_1, window_bounds = array<i64: 2, 512, 1>}, {pipeline_mode = #tpu.pipeline_mode<synchronous>, transform_indices = @transform_2, window_bounds = array<i64: 1, 128>}, {pipeline_mode = #tpu.pipeline_mode<synchronous>, transform_indices = @transform_3, window_bounds = array<i64: 128, 128>}, {pipeline_mode = #tpu.pipeline_mode<synchronous>, transform_indices = @transform_4, window_bounds = array<i64: 1, 128>}, {transform_indices = @transform_5, window_bounds = array<i64: 512, 128>}]} {
    %get3A = arith.constant 0 : index
    %get3A_0 = arith.constant 0 : index
    %get3A_1 = arith.constant 0 : index
    %get3A_2 = vector.load %arg1[%get3A, %get3A_0, %get3A_1] : memref<2x512x128xf32, #tpu.memory_space<vmem>>, vector<1x512x128xf32>
    %get3A_3 = vector.shape_cast %get3A_2 : vector<1x512x128xf32> to vector<512x128xf32>
    %get3A_4 = arith.constant 1 : index
    %get3A_5 = arith.constant 0 : index
    %get3A_6 = arith.constant 0 : index
    %get3A_7 = vector.load %arg1[%get3A_4, %get3A_5, %get3A_6] : memref<2x512x128xf32, #tpu.memory_space<vmem>>, vector<1x512x128xf32>
    %get3A_8 = vector.shape_cast %get3A_7 : vector<1x512x128xf32> to vector<512x128xf32>
    %add3A = arith.addf %get3A_3, %get3A_8 : vector<512x128xf32>
    %get3A_9 = arith.constant 0 : index
    %get3A_10 = arith.constant 0 : index
    %get3A_11 = arith.constant 0 : index
    %get3A_12 = vector.load %arg2[%get3A_9, %get3A_10, %get3A_11] : memref<2x512x1xf32, #tpu.memory_space<vmem>>, vector<1x512x1xf32>
    %get3A_13 = vector.shape_cast %get3A_12 : vector<1x512x1xf32> to vector<512x1xf32>
    %get3A_14 = arith.constant 1 : index
    %get3A_15 = arith.constant 0 : index
    %get3A_16 = arith.constant 0 : index
    %get3A_17 = vector.load %arg2[%get3A_14, %get3A_15, %get3A_16] : memref<2x512x1xf32, #tpu.memory_space<vmem>>, vector<1x512x1xf32>
    %get3A_18 = vector.shape_cast %get3A_17 : vector<1x512x1xf32> to vector<512x1xf32>
    %add3A_19 = arith.addf %get3A_13, %get3A_18 : vector<512x1xf32>
    %max3A = arith.constant 1.000000e-16 : f32
    %max3A_20 = vector.broadcast %max3A : f32 to vector<512x1xf32>
    %max3A_21 = arith.maximumf %add3A_19, %max3A_20 : vector<512x1xf32>
    %div3A = vector.broadcast %max3A_21 : vector<512x1xf32> to vector<512x128xf32>
    %div3A_22 = arith.divf %add3A, %div3A : vector<512x128xf32>
    %get3A_23 = arith.constant 0 : index
    %get3A_24 = arith.constant 0 : index
    %get3A_25 = vector.load %arg3[%get3A_23, %get3A_24] : memref<1x128xf32, #tpu.memory_space<vmem>>, vector<1x128xf32>
    %add3A_26 = vector.broadcast %get3A_25 : vector<1x128xf32> to vector<512x128xf32>
    %add3A_27 = arith.addf %div3A_22, %add3A_26 : vector<512x128xf32>
    %max3A_28 = arith.constant 0.000000e+00 : f32
    %max3A_29 = vector.broadcast %max3A_28 : f32 to vector<512x128xf32>
    %max3A_30 = arith.maximumf %add3A_27, %max3A_29 : vector<512x128xf32>
    %get3A_31 = arith.constant 0 : index
    %get3A_32 = arith.constant 0 : index
    %get3A_33 = vector.load %arg4[%get3A_31, %get3A_32] : memref<128x128xf32, #tpu.memory_space<vmem>>, vector<128x128xf32>
    %dot_general3A = arith.constant dense<0.000000e+00> : vector<512x128xf32>
    %dot_general3A_34 = tpu.matmul %max3A_30, %get3A_33, %dot_general3A {dimension_numbers = #tpu.dot_dimension_numbers<[1], [0], [0], [1], [0, 0, 1, 1], [], []>, transpose_lhs_hint = false} : vector<512x128xf32>, vector<128x128xf32>, vector<512x128xf32> -> vector<512x128xf32>
    %get3A_35 = arith.constant 0 : index
    %get3A_36 = arith.constant 0 : index
    %get3A_37 = vector.load %arg5[%get3A_35, %get3A_36] : memref<1x128xf32, #tpu.memory_space<vmem>>, vector<1x128xf32>
    %add3A_38 = vector.broadcast %get3A_37 : vector<1x128xf32> to vector<512x128xf32>
    %add3A_39 = arith.addf %dot_general3A_34, %add3A_38 : vector<512x128xf32>
    %swap3A = arith.constant 0 : index
    %swap3A_40 = arith.constant 0 : index
    %swap3A_41 = vector.load %arg6[%swap3A, %swap3A_40] : memref<512x128xf32, #tpu.memory_space<vmem>>, vector<512x128xf32>
    tpu.vector_store %arg6[%swap3A, %swap3A_40], %add3A_39 {strides = array<i32>} : memref<512x128xf32, #tpu.memory_space<vmem>>, vector<512x128xf32>,
    return
  }
  func.func @transform_0(%arg0: i32) -> (i32, i32, i32) {
    %c0_i32 = arith.constant 0 : i32
    %c0_i32_0 = arith.constant 0 : i32
    %c0_i32_1 = arith.constant 0 : i32
    return %c0_i32, %arg0, %c0_i32_0 : i32, i32, i32
  }
  func.func @transform_1(%arg0: i32) -> (i32, i32, i32) {
    %c0_i32 = arith.constant 0 : i32
    %c0_i32_0 = arith.constant 0 : i32
    %c0_i32_1 = arith.constant 0 : i32
    return %c0_i32, %arg0, %c0_i32_0 : i32, i32, i32
  }
  func.func @transform_2(%arg0: i32) -> (i32, i32) {
    %c0_i32 = arith.constant 0 : i32
    %c0_i32_0 = arith.constant 0 : i32
    %c0_i32_1 = arith.constant 0 : i32
    return %c0_i32, %c0_i32_0 : i32, i32
  }
  func.func @transform_3(%arg0: i32) -> (i32, i32) {
    %c0_i32 = arith.constant 0 : i32
    %c0_i32_0 = arith.constant 0 : i32
    %c0_i32_1 = arith.constant 0 : i32
    return %c0_i32, %c0_i32_0 : i32, i32
  }
  func.func @transform_4(%arg0: i32) -> (i32, i32) {
    %c0_i32 = arith.constant 0 : i32
    %c0_i32_0 = arith.constant 0 : i32
    %c0_i32_1 = arith.constant 0 : i32
    return %c0_i32, %c0_i32_0 : i32, i32
  }
  func.func @transform_5(%arg0: i32) -> (i32, i32) {
    %c0_i32 = arith.constant 0 : i32
    %c0_i32_0 = arith.constant 0 : i32
    return %arg0, %c0_i32 : i32, i32
  }
}

module attributes {stable_mosaic.version = 14 : i64} {
  func.func @body(%arg0: i32, %arg1: memref<512x128xf32, #tpu.memory_space<vmem>>, %arg2: memref<512x1xi32, #tpu.memory_space<vmem>>, %arg3: memref<64x128xf32, #tpu.memory_space<vmem>>, %arg4: memref<64x1xf32, #tpu.memory_space<vmem>>) attributes {dimension_semantics = [#tpu.dimension_semantics<arbitrary>], iteration_bounds = array<i64: 20>, scalar_prefetch = 0 : i64, scratch_operands = 0 : i64, tpu.core_type = #tpu.core_type<tc>, window_params = [{transform_indices = @transform_0, window_bounds = array<i64: 512, 128>}, {transform_indices = @transform_1, window_bounds = array<i64: 512, 1>}, {pipeline_mode = #tpu.pipeline_mode<synchronous>, transform_indices = @transform_2, window_bounds = array<i64: 64, 128>}, {pipeline_mode = #tpu.pipeline_mode<synchronous>, transform_indices = @transform_3, window_bounds = array<i64: 64, 1>}]} {
    %get3A = arith.constant 0 : index
    %get3A_0 = arith.constant 0 : index
    %get3A_1 = vector.load %arg2[%get3A, %get3A_0] : memref<512x1xi32, #tpu.memory_space<vmem>>, vector<512x1xi32>
    %iota3A = tpu.iota {dimensions = array<i32: 1>} : vector<512x64xi32>
    %eq3A = vector.broadcast %get3A_1 : vector<512x1xi32> to vector<512x64xi32>
    %eq3A_2 = arith.cmpi eq, %eq3A, %iota3A : vector<512x64xi32>
    %convert_element_type3A = arith.extui %eq3A_2 : vector<512x64xi1> to vector<512x64xi32>
    %convert_element_type3A_3 = arith.sitofp %convert_element_type3A : vector<512x64xi32> to vector<512x64xf32>
    %get3A_4 = arith.constant 0 : index
    %get3A_5 = arith.constant 0 : index
    %get3A_6 = vector.load %arg1[%get3A_4, %get3A_5] : memref<512x128xf32, #tpu.memory_space<vmem>>, vector<512x128xf32>
    %dot_general3A = arith.constant dense<0.000000e+00> : vector<64x128xf32>
    %dot_general3A_7 = tpu.matmul %convert_element_type3A_3, %get3A_6, %dot_general3A {dimension_numbers = #tpu.dot_dimension_numbers<[0], [0], [1], [1], [0, 1, 1, 1], [], []>, transpose_lhs_hint = false} : vector<512x64xf32>, vector<512x128xf32>, vector<64x128xf32> -> vector<64x128xf32>
    %reduce_sum3A = arith.constant dense<0.000000e+00> : vector<64xf32>
    %reduce_sum3A_8 = vector.multi_reduction <add>, %convert_element_type3A_3, %reduce_sum3A [0] : vector<512x64xf32> to vector<64xf32>
    %reshape3A = vector.shape_cast %reduce_sum3A_8 : vector<64xf32> to vector<64x1xf32>
    %eq3A_9 = arith.constant 0 : i32
    %eq3A_10 = arith.cmpi eq, %arg0, %eq3A_9 : i32
    %convert_element_type3A_11 = arith.extui %eq3A_10 : i1 to i32
    %cond3A = arith.constant 0 : i32
    %cond3A_12 = arith.cmpi ne, %convert_element_type3A_11, %cond3A : i32
    scf.if %cond3A_12 {
      %broadcast_in_dim3A = arith.constant 0.000000e+00 : f32
      %broadcast_in_dim3A_25 = vector.broadcast %broadcast_in_dim3A : f32 to vector<64x128xf32>
      %swap3A_26 = arith.constant 0 : index
      %swap3A_27 = arith.constant 0 : index
      %swap3A_28 = vector.load %arg3[%swap3A_26, %swap3A_27] : memref<64x128xf32, #tpu.memory_space<vmem>>, vector<64x128xf32>
      tpu.vector_store %arg3[%swap3A_26, %swap3A_27], %broadcast_in_dim3A_25 {strides = array<i32>} : memref<64x128xf32, #tpu.memory_space<vmem>>, vector<64x128xf32>,
      %broadcast_in_dim3A_29 = arith.constant 0.000000e+00 : f32
      %broadcast_in_dim3A_30 = vector.broadcast %broadcast_in_dim3A_29 : f32 to vector<64x1xf32>
      %swap3A_31 = arith.constant 0 : index
      %swap3A_32 = arith.constant 0 : index
      %swap3A_33 = vector.load %arg4[%swap3A_31, %swap3A_32] : memref<64x1xf32, #tpu.memory_space<vmem>>, vector<64x1xf32>
      tpu.vector_store %arg4[%swap3A_31, %swap3A_32], %broadcast_in_dim3A_30 {strides = array<i32>} : memref<64x1xf32, #tpu.memory_space<vmem>>, vector<64x1xf32>,
    } else {
    }
    %get3A_13 = arith.constant 0 : index
    %get3A_14 = arith.constant 0 : index
    %get3A_15 = vector.load %arg3[%get3A_13, %get3A_14] : memref<64x128xf32, #tpu.memory_space<vmem>>, vector<64x128xf32>
    %add3A = arith.addf %get3A_15, %dot_general3A_7 : vector<64x128xf32>
    %swap3A = arith.constant 0 : index
    %swap3A_16 = arith.constant 0 : index
    %swap3A_17 = vector.load %arg3[%swap3A, %swap3A_16] : memref<64x128xf32, #tpu.memory_space<vmem>>, vector<64x128xf32>
    tpu.vector_store %arg3[%swap3A, %swap3A_16], %add3A {strides = array<i32>} : memref<64x128xf32, #tpu.memory_space<vmem>>, vector<64x128xf32>,
    %get3A_18 = arith.constant 0 : index
    %get3A_19 = arith.constant 0 : index
    %get3A_20 = vector.load %arg4[%get3A_18, %get3A_19] : memref<64x1xf32, #tpu.memory_space<vmem>>, vector<64x1xf32>
    %add3A_21 = arith.addf %get3A_20, %reshape3A : vector<64x1xf32>
    %swap3A_22 = arith.constant 0 : index
    %swap3A_23 = arith.constant 0 : index
    %swap3A_24 = vector.load %arg4[%swap3A_22, %swap3A_23] : memref<64x1xf32, #tpu.memory_space<vmem>>, vector<64x1xf32>
    tpu.vector_store %arg4[%swap3A_22, %swap3A_23], %add3A_21 {strides = array<i32>} : memref<64x1xf32, #tpu.memory_space<vmem>>, vector<64x1xf32>,
    return
  }
  func.func @transform_0(%arg0: i32) -> (i32, i32) {
    %c0_i32 = arith.constant 0 : i32
    %c0_i32_0 = arith.constant 0 : i32
    return %arg0, %c0_i32 : i32, i32
  }
  func.func @transform_1(%arg0: i32) -> (i32, i32) {
    %c0_i32 = arith.constant 0 : i32
    %c0_i32_0 = arith.constant 0 : i32
    return %arg0, %c0_i32 : i32, i32
  }
  func.func @transform_2(%arg0: i32) -> (i32, i32) {
    %c0_i32 = arith.constant 0 : i32
    %c0_i32_0 = arith.constant 0 : i32
    %c0_i32_1 = arith.constant 0 : i32
    return %c0_i32, %c0_i32_0 : i32, i32
  }
  func.func @transform_3(%arg0: i32) -> (i32, i32) {
    %c0_i32 = arith.constant 0 : i32
    %c0_i32_0 = arith.constant 0 : i32
    %c0_i32_1 = arith.constant 0 : i32
    return %c0_i32, %c0_i32_0 : i32, i32
  }
}

module attributes {stable_mosaic.version = 14 : i64} {
  func.func @body(%arg0: i32, %arg1: memref<64x128xf32, #tpu.memory_space<vmem>>, %arg2: memref<64x1xf32, #tpu.memory_space<vmem>>, %arg3: memref<128x640xf32, #tpu.memory_space<vmem>>, %arg4: memref<1x640xf32, #tpu.memory_space<vmem>>, %arg5: memref<64x640xf32, #tpu.memory_space<vmem>>) attributes {dimension_semantics = [#tpu.dimension_semantics<arbitrary>], iteration_bounds = array<i64: 50>, scalar_prefetch = 0 : i64, scratch_operands = 0 : i64, tpu.core_type = #tpu.core_type<tc>, window_params = [{pipeline_mode = #tpu.pipeline_mode<synchronous>, transform_indices = @transform_0, window_bounds = array<i64: 64, 128>}, {pipeline_mode = #tpu.pipeline_mode<synchronous>, transform_indices = @transform_1, window_bounds = array<i64: 64, 1>}, {transform_indices = @transform_2, window_bounds = array<i64: 128, 640>}, {transform_indices = @transform_3, window_bounds = array<i64: 1, 640>}, {transform_indices = @transform_4, window_bounds = array<i64: 64, 640>}]} {
    %get3A = arith.constant 0 : index
    %get3A_0 = arith.constant 0 : index
    %get3A_1 = vector.load %arg1[%get3A, %get3A_0] : memref<64x128xf32, #tpu.memory_space<vmem>>, vector<64x128xf32>
    %get3A_2 = arith.constant 0 : index
    %get3A_3 = arith.constant 0 : index
    %get3A_4 = vector.load %arg2[%get3A_2, %get3A_3] : memref<64x1xf32, #tpu.memory_space<vmem>>, vector<64x1xf32>
    %max3A = arith.constant 1.000000e+00 : f32
    %max3A_5 = vector.broadcast %max3A : f32 to vector<64x1xf32>
    %max3A_6 = arith.maximumf %get3A_4, %max3A_5 : vector<64x1xf32>
    %div3A = vector.broadcast %max3A_6 : vector<64x1xf32> to vector<64x128xf32>
    %div3A_7 = arith.divf %get3A_1, %div3A : vector<64x128xf32>
    %get3A_8 = arith.constant 0 : index
    %get3A_9 = arith.constant 0 : index
    %get3A_10 = vector.load %arg3[%get3A_8, %get3A_9] : memref<128x640xf32, #tpu.memory_space<vmem>>, vector<128x640xf32>
    %dot_general3A = arith.constant dense<0.000000e+00> : vector<64x640xf32>
    %dot_general3A_11 = tpu.matmul %div3A_7, %get3A_10, %dot_general3A {dimension_numbers = #tpu.dot_dimension_numbers<[1], [0], [0], [1], [0, 0, 1, 1], [], []>, transpose_lhs_hint = false} : vector<64x128xf32>, vector<128x640xf32>, vector<64x640xf32> -> vector<64x640xf32>
    %get3A_12 = arith.constant 0 : index
    %get3A_13 = arith.constant 0 : index
    %get3A_14 = vector.load %arg4[%get3A_12, %get3A_13] : memref<1x640xf32, #tpu.memory_space<vmem>>, vector<1x640xf32>
    %add3A = vector.broadcast %get3A_14 : vector<1x640xf32> to vector<64x640xf32>
    %add3A_15 = arith.addf %dot_general3A_11, %add3A : vector<64x640xf32>
    %swap3A = arith.constant 0 : index
    %swap3A_16 = arith.constant 0 : index
    %swap3A_17 = vector.load %arg5[%swap3A, %swap3A_16] : memref<64x640xf32, #tpu.memory_space<vmem>>, vector<64x640xf32>
    tpu.vector_store %arg5[%swap3A, %swap3A_16], %add3A_15 {strides = array<i32>} : memref<64x640xf32, #tpu.memory_space<vmem>>, vector<64x640xf32>,
    return
  }
  func.func @transform_0(%arg0: i32) -> (i32, i32) {
    %c0_i32 = arith.constant 0 : i32
    %c0_i32_0 = arith.constant 0 : i32
    %c0_i32_1 = arith.constant 0 : i32
    return %c0_i32, %c0_i32_0 : i32, i32
  }
  func.func @transform_1(%arg0: i32) -> (i32, i32) {
    %c0_i32 = arith.constant 0 : i32
    %c0_i32_0 = arith.constant 0 : i32
    %c0_i32_1 = arith.constant 0 : i32
    return %c0_i32, %c0_i32_0 : i32, i32
  }
  func.func @transform_2(%arg0: i32) -> (i32, i32) {
    %c0_i32 = arith.constant 0 : i32
    %c0_i32_0 = arith.constant 0 : i32
    return %c0_i32, %arg0 : i32, i32
  }
  func.func @transform_3(%arg0: i32) -> (i32, i32) {
    %c0_i32 = arith.constant 0 : i32
    %c0_i32_0 = arith.constant 0 : i32
    return %c0_i32, %arg0 : i32, i32
  }
  func.func @transform_4(%arg0: i32) -> (i32, i32) {
    %c0_i32 = arith.constant 0 : i32
    %c0_i32_0 = arith.constant 0 : i32
    return %c0_i32, %arg0 : i32, i32
  }
}

</mosaic_0001>

<sc_bundles>
// kernel: kernel.11.cloned.1.call-start
scs
__scs_entry_jumppad:
0x0: {  	(pc) =	sbr.rel $0x88, $3  }
0x1: {  	(tag) =	ssettag $0x0;
	lr =	simm.s32 $0x1  }
0x2: {  	[smem:$0x3F95] =	sst lr;
	_ =	strace $0xD0000000  }
0x3: {  	_ = 	snop  }
0x4: {  	_ = 	snop  }
0x5: {  	_ = 	snop  }
0x6: {  	_ = 	snop  }
0x7: {  	_ = 	snop  }
__scs_overlays_trampoline_lowered:
0x8: {  	[smem:$0x3FA4] =	sst s0  }
0x9: {  	[smem:$0x3FA5] =	sst s1  }
0xa: {  	[smem:$0x3FA6] =	sst s2  }
0xb: {  	[smem:$0x3FA7] =	sst s3  }
0xc: {  	[smem:$0x3FA8] =	sst s4  }
0xd: {  	[smem:$0x3FA9] =	sst s5  }
0xe: {  	[smem:$0x3FAA] =	sst s6  }
0xf: {  	[smem:$0x3FAB] =	sst s7  }
0x10: {  	[smem:$0x3FAC] =	sst s8  }
0x11: {  	[smem:$0x3FAD] =	sst s9;
	s0 =	simm.s32 @!p0 $0x0  }
0x12: {  	s1 =	sld [smem:$0x3F93];
	s0 =	simm.s32 @p0 $0x1  }
0x13: {  	[smem:$0x3FAE] =	sst s0;
	s0 =	simm.s32 @!p1 $0x0  }
0x14: {  	s2 =	sld [smem:$0x3F92];
	s0 =	simm.s32 @p1 $0x1  }
0x15: {  	[smem:$0x3FAF] =	sst s0;
	s0 =	simm.s32 @!p2 $0x0  }
0x16: {  	s3 =	sld [smem:$0x3FDB];
	s0 =	simm.s32 @p2 $0x1  }
0x17: {  	s4 =	simm.s32 $0x1BF5;
	[smem:$0x3FB1] =	sst s0  }
0x18: {  	s0 =	sld [smem:$0x3F94];
	_ =	swait.ge [sflag:s4], $0x0  }
0x19: {  	s7 =	sld [smem:$0x3F95]  }
0x1a: {  	s8 =	sadd.s32 $0xFFFFE003, lr  }
0x1b: {  	s9 =	sadd.s32 $0xFFFFFEF7, lr;
	s5 =	simm.s32 $0xFFFFFFFF;
	p2 =	slt.u32 s8, $0xFFFFF086  }
0x1c: {  	p1 =	slt.u32 s9, $0xF7A;
	s5 =	simm.s32 @!p2 $0x0  }
0x1d: {  	s5 =	simm.s32 @p1 $0x1;
	p0 =	seq.s32 s7, s2  }
0x1e: {  	s7 =	smul.u32 @!p0 $0xF7A, s2;
	p2 =	seq.s32 @!p0 s5, $0x0  }
0x1f: {  	s9 =	smul.u32 $0xF7A, s1;
	s8 =	simm.s32 @!p0 $0x1BF5;
	p2 =	por !p2, p0  }
0x20: {  	[sflag:s8] =	ssyncset.s32 @!p0 $0xFFFFF086;
	s6 =	sadd.s32 @!p0 s3, s7;
	s7 =	simm.s32 @!p0 $0x108  }
0x21: {  	s3 =	sadd.s32 s3, s9;
	s6 =	sadd.s32 @!p0 $0x88, s6;
	s7 =	simm.s32 @p2 $0x1082  }
0x22: {  	[simem:s7], [sflag:s8] =	dma.local @!p0 [hbm:s6], $0xF7A  }
0x23: {  	s9 =	sor.u32 $0xD0000000, s2;
	s6 =	simm.s32 $0x108;
	_ =	swait.ge @!p0 [sflag:s8], $0x0  }
0x24: {  	s3 =	sadd.s32 $0x88, s3;
	s6 =	simm.s32 @!p1 $0x1082;
	[sflag:s4] =	ssyncset.s32 $0xFFFFF086  }
0x25: {  	[simem:s6], [sflag:s4] =	dma.local [hbm:s3], $0xF7A  }
0x26: {  	[smem:$0x3F95] =	sst s1;
	(tag) =	ssettag s2;
	_ =	strace s9  }
0x27: {  	s1 =	sld [smem:$0x3FA5]  }
0x28: {  	s2 =	sld [smem:$0x3FA6]  }
0x29: {  	s4 =	sld [smem:$0x3FA8]  }
0x2a: {  	p0 =	seq.s32 s5, $0x0;
	s5 =	sld [smem:$0x3FA9]  }
0x2b: {  	s6 =	sld [smem:$0x3FAA]  }
0x2c: {  	s7 =	sld [smem:$0x3FAB]  }
0x2d: {  	s3 =	simm.s32 $0x108;
	s8 =	sld [smem:$0x3FAC]  }
0x2e: {  	s3 =	simm.s32 @!p0 $0x1082;
	s9 =	sld [smem:$0x3FAD]  }
0x2f: {  	lr =	sadd.s32 s0, s3;
	s0 =	sld [smem:$0x3FA4]  }
0x30: {  	s3 =	sld [smem:$0x3FA7]  }
0x31: {  	[smem:$0x3FB0] =	sst s10  }
0x32: {  	s10 =	sld [smem:$0x3FAE];
	_ =	sdelay $0x3  }
0x33: {  	p0 =	seq.s32 s10, $0x1;
	s10 =	sld [smem:$0x3FB0];
	_ =	sdelay $0x3  }
0x34: {  	[smem:$0x3FB0] =	sst s10  }
0x35: {  	s10 =	sld [smem:$0x3FAF];
	_ =	sdelay $0x3  }
0x36: {  	p1 =	seq.s32 s10, $0x1;
	s10 =	sld [smem:$0x3FB0];
	_ =	sdelay $0x3  }
0x37: {  	[smem:$0x3FB0] =	sst s10  }
0x38: {  	s10 =	sld [smem:$0x3FB1]  }
0x39: {  	_ = 	snop;
	(pc) =	sbr.ind lr, $3  }
0x3a: {  	_ = 	snop  }
0x3b: {  	_ = 	snop  }
0x3c: {  	p2 =	seq.s32 s10, $0x1;
	s10 =	sld [smem:$0x3FB0]  }
0x3d: {  	_ =	shalt  }
0x3e: {  	_ =	shalt  }
0x3f: {  	_ =	shalt  }
0x40: {  	_ =	shalt  }
0x41: {  	_ =	shalt  }
0x42: {  	_ =	shalt  }
0x43: {  	_ =	shalt  }
0x44: {  	_ =	shalt  }
0x45: {  	_ =	shalt  }
0x46: {  	_ =	shalt  }
0x47: {  	_ =	shalt  }
0x48: {  	_ =	shalt  }
0x49: {  	_ =	shalt  }
0x4a: {  	_ =	shalt  }
0x4b: {  	_ =	shalt  }
0x4c: {  	_ =	shalt  }
0x4d: {  	_ =	shalt  }
0x4e: {  	_ =	shalt  }
0x4f: {  	_ =	shalt  }
0x50: {  	_ =	shalt  }
0x51: {  	_ =	shalt  }
0x52: {  	_ =	shalt  }
0x53: {  	_ =	shalt  }
0x54: {  	_ =	shalt  }
0x55: {  	_ =	shalt  }
0x56: {  	_ =	shalt  }
0x57: {  	_ =	shalt  }
0x58: {  	_ =	shalt  }
0x59: {  	_ =	shalt  }
0x5a: {  	_ =	shalt  }
0x5b: {  	_ =	shalt  }
0x5c: {  	_ =	shalt  }
0x5d: {  	_ =	shalt  }
0x5e: {  	_ =	shalt  }
0x5f: {  	_ =	shalt  }
0x60: {  	_ =	shalt  }
0x61: {  	_ =	shalt  }
0x62: {  	_ =	shalt  }
0x63: {  	_ =	shalt  }
0x64: {  	_ =	shalt  }
0x65: {  	_ =	shalt  }
0x66: {  	_ =	shalt  }
0x67: {  	_ =	shalt  }
0x68: {  	_ =	shalt  }
0x69: {  	_ =	shalt  }
0x6a: {  	_ =	shalt  }
0x6b: {  	_ =	shalt  }
0x6c: {  	_ =	shalt  }
0x6d: {  	_ =	shalt  }
0x6e: {  	_ =	shalt  }
0x6f: {  	_ =	shalt  }
0x70: {  	_ =	shalt  }
0x71: {  	_ =	shalt  }
0x72: {  	_ =	shalt  }
0x73: {  	_ =	shalt  }
0x74: {  	_ =	shalt  }
0x75: {  	_ =	shalt  }
0x76: {  	_ =	shalt  }
0x77: {  	_ =	shalt  }
0x78: {  	_ =	shalt  }
0x79: {  	_ =	shalt  }
0x7a: {  	_ =	shalt  }
0x7b: {  	_ =	shalt  }
0x7c: {  	_ =	shalt  }
0x7d: {  	_ =	shalt  }
0x7e: {  	_ =	shalt  }
0x7f: {  	_ =	shalt  }
0x80: {  	_ =	shalt  }
0x81: {  	_ =	shalt  }
0x82: {  	_ =	shalt  }
0x83: {  	_ =	shalt  }
0x84: {  	_ =	shalt  }
0x85: {  	_ =	shalt  }
0x86: {  	_ =	shalt  }
0x87: {  	_ =	shalt  }
.Lfunc_end0:
.L_simem_size_0:
called_computation_lowered:
.L_overlay_start_0:
0x88: {  	s2 =	sld [smem:$0x3FD9]  }
0x89: {  	s3 =	sld [smem:$0x3FFE];
	_ =	sdelay $0x1  }
0x8a: {  	s1 =	srdreg.scid  }
0x8b: {  	s0 =	sand.u32 $0x1, s1  }
0x8c: {  	s17 =	sshll.u32 s0, $0xA;
	s2 =	sadd.s32 s3, s2  }
0x8d: {  	s2 =	sadd.s32 s2, s17  }
0x8e: {  	[smem:$0x3FBC] =	sst s2  }
0x8f: {  	_ = 	snop  }
0x90: {  	s2 =	sld [smem:$0x3FC6]  }
0x91: {  	s18 =	sld [smem:$0x3FD0];
	(tm) =	ssettm $0x1  }
0x92: {  	s4 =	sld [smem:$0x3FFB];
	_ =	sdelay $0x3  }
0x93: {  	_ =	strace s4  }
0x94: {  	s4 =	sld [smem:$0x3FFC];
	_ =	sdelay $0x3  }
0x95: {  	_ =	strace s4  }
0x96: {  	s4 =	sld [smem:$0x3FFD];
	_ =	sdelay $0x3  }
0x97: {  	_ =	strace s4  }
0x98: {  	_ =	strace $0x8FFFFFFF  }
0x99: {  	s19 =	sld [smem:$0x3FDB];
	_ =	sdelay $0x1  }
0x9a: {  	s5 =	simm.s32 $_scs_section_size  }
0x9b: {  	s6 =	simm.s32 $_size__tile_overlayer_lowered;
	s7 =	simm.s32 $_tile_overlayer_lowered  }
0x9c: {  	s22 =	simm.s32 $0x1BFF;
	s21 =	sshll.u32 s7, $0x1;
	s4 =	sadd.s32 s5, s19  }
0x9d: {  	s8 =	simm.s32 $0x0;
	s20 =	sshll.u32 s6, $0x1;
	s6 =	sadd.s32 s21, s4  }
0x9e: {  	[timem:s8], [sflag:s22] =	dma.local [hbm:s6], s20  }
0x9f: {  	_ =	swait.ge [sflag:s22], s20  }
0xa0: {  	s5 =	ssub.s32 $0x0, s20;
	[sflag:s22] =	ssyncset.done $0x0  }
0xa1: {  	[sflag:s22] =	ssyncadd.s32 s5;
	_ =	sdelay $0x1  }
0xa2: {  	s23 =	simm.s32 $0x1B8B  }
0xa3: {  	_ =	swait.ge [sflag:s23], $0x1  }
0xa4: {  	[sflag:s23] =	ssyncset.done $0x0  }
0xa5: {  	s25 =	simm.s32 $0x1B8E;
	s24 =	sld [smem:$0x3FFE];
	[sflag:s23] =	ssyncadd.s32 $0xFFFFFFFF  }
0xa6: {  	s26 =	simm.s32 $execute0_lowered;
	[smem:$0x3FD2] =	sst s25  }
0xa7: {  	s6 =	sshll.u32 s26, $0x1;
	_ =	strace $0x80000046;
	[dreg:$0x1] =	wrdreg $0xFFFFFFFF  }
0xa8: {  	s28 =	simm.s32 $_size_execute0_lowered;
	s4 =	sadd.s32 s4, s6;
	[dreg:$0x0] =	wrdreg $0x0  }
0xa9: {  	s6 =	sshll.u32 s28, $0x1;
	[dreg:$0x2] =	wrdreg s4  }
0xaa: {  	[dreg:$0x3] =	wrdreg s6  }
0xab: {  	[dreg:$0x4] =	wrdreg $0xC0  }
0xac: {  	_ =	task [dreg:s8], $0x5FFFF  }
0xad: {  	[dreg:$0x1] =	wrdreg $0xFFFFFFFF  }
0xae: {  	[dreg:$0x0] =	wrdreg $0x60  }
0xaf: {  	[dreg:$0x2] =	wrdreg s24  }
0xb0: {  	[dreg:$0x3] =	wrdreg s2  }
0xb1: {  	[dreg:$0x4] =	wrdreg s18  }
0xb2: {  	[dreg:$0x5] =	wrdreg $0x9  }
0xb3: {  	_ =	task.clear_ibuf [dreg:s8], $0x6FFFF;
	_ =	strace $0x90000046  }
0xb4: {  	s29 =	simm.s32 $0x9;
	_ =	strace $0x80000048  }
0xb5: {  	_ =	swait.ge [sflag:s29], $0x1  }
0xb6: {  	[sflag:s29] =	ssyncadd.s32 $0xFFFFFFFF  }
0xb7: {  	_ =	strace $0x90000048  }
0xb8: {  	_ =	sfence  }
0xb9: {  	s30 =	sld [smem:$0x0];
	_ =	sdelay $0x2  }
0xba: {  	s31 =	sshll.u32 s1, $0xD;
	s1 =	sshrl.u32 s1, $0x2  }
0xbb: {  	s3 =	sand.u32 $0x4000, s31;
	s1 =	sadd.s32 s1, s30  }
0xbc: {  	s0 =	sor.u32 s3, s0;
	s1 =	sshll.u32 s1, $0x11  }
0xbd: {  	s0 =	sor.u32 s1, s0  }
0xbe: {  	s0 =	sadd.s32 $0x8F2B, s0  }
0xbf: {  	[sflag:s0] =	ssyncadd.remote.s32 $0x1  }
0xc0: {  	_ =	sfence.sel $0xFFFF  }
0xc1: {  	[dreg:$0x0] =	wrdreg $0xFFFFFFFF;
	(pc) =	sbr.abs _section_cstart, $3  }
0xc2: {  	[dreg:$0x1] =	wrdreg $0xFFFFFFFF  }
0xc3: {  	_ =	task.clear_ibuf [dreg:s8], $0x2FFFF;
	_ =	strace $0x9FFFFFFF  }
0xc4: {  	(tm) =	ssettm $0x7FFFFFFF  }
0xc5: {  	_ =	shalt  }
tec
execute0_lowered:
.L_overlay_start_1:
0x0: {  	(tag) =	ssettag $0x1  }
0x1: {  	s1 =	srdreg.scid;
	s0 =	stileid.u32  }
0x2: {  	s4 =	rddreg [dreg:$0x0];
	s18 =	sand.u32 $0x1, s1;
	s29 =	sshll.u32 s0, $0x1  }
0x3: {  	s2 =	rddreg [dreg:$0x1];
	s9 =	sor.u32 s18, s29  }
0x4: {  	s17 =	rddreg [dreg:$0x2];
	s19 =	smul.u32 $0x140, s9  }
0x5: {  	s3 =	simm.s32 $0x0;
	s1 =	rddreg [dreg:$0x3]  }
0x6: {  	[smem:$0x7FF] =	sst s3;
	s16 =	sadd.s32 $0x2200, s4;
	s30 =	sshrl.u32 s19, $0x3  }
0x7: {  	s4 =	simm.s32 $0x2;
	_ =	strace $0x80000047;
	s5 =	sadd.s32 s16, s30  }
0x8: {  	[tilespmem:s3], [sflag:$0x2] =	stream.linear.gather [hbm4b:s5+s3], $0x40, $0x38;
	[tilespmem:$0x2080] =	vst v63  }
0x9: {  	_ =	swait.ge [sflag:s4], $0x40  }
0xa: {  	s6 =	simm.s32 $0x40;
	[sflag:s4] =	ssyncset.done $0x0  }
0xb: {  	s7 =	simm.s32 $0x80;
	s8 =	simm.s32 $0x1;
	[sflag:s4] =	ssyncadd.s32 $0xFFFFFFC0  }
0xc: {  	[tilespmem:s7], [sflag:$0x1] =	stream.indirect.gather [hbm4b:s2+s6], $0x80, s3, s6, $0xb8;
	[tilespmem:$0x2080] =	vst v63  }
0xd: {  	s9 =	smul.u32 $0x1400, s9;
	_ =	swait.ge [sflag:s8], $0x2000  }
0xe: {  	[sflag:s8] =	ssyncset.done $0x0  }
0xf: {  	s9 =	sadd.s32 s17, s9;
	[sflag:s8] =	ssyncadd.s32 $0xFFFFE000  }
0x10: {  	[hbm4b:s9+s3] =	stream.linear.scatter [tilespmem:s7], [sflag:$0x2], $0x2000, $0x38;
	[tilespmem:$0x2080] =	vst v63  }
0x11: {  	s11 =	sadd.s32 $0x40, s19;
	_ =	swait.ge [sflag:s4], $0x2000  }
0x12: {  	s10 =	sshrl.u32 s11, $0x3;
	[sflag:s4] =	ssyncset.done $0x0  }
0x13: {  	s10 =	sadd.s32 s16, s10;
	[sflag:s4] =	ssyncadd.s32 $0xFFFFE000  }
0x14: {  	[tilespmem:s3], [sflag:$0x2] =	stream.linear.gather [hbm4b:s10+s3], $0x40, $0x38;
	[tilespmem:$0x2080] =	vst v63  }
0x15: {  	_ =	swait.ge [sflag:s4], $0x40  }
0x16: {  	[sflag:s4] =	ssyncset.done $0x0  }
0x17: {  	[sflag:s4] =	ssyncadd.s32 $0xFFFFFFC0  }
0x18: {  	[tilespmem:s7], [sflag:$0x1] =	stream.indirect.gather [hbm4b:s2+s6], $0x80, s3, s6, $0xb8;
	[tilespmem:$0x2080] =	vst v63  }
0x19: {  	_ =	swait.ge [sflag:s8], $0x2000  }
0x1a: {  	s11 =	sshll.u32 s11, $0x4;
	[sflag:s8] =	ssyncset.done $0x0  }
0x1b: {  	s11 =	sadd.s32 s17, s11;
	[sflag:s8] =	ssyncadd.s32 $0xFFFFE000  }
0x1c: {  	[hbm4b:s11+s3] =	stream.linear.scatter [tilespmem:s7], [sflag:$0x2], $0x2000, $0x38;
	[tilespmem:$0x2080] =	vst v63  }
0x1d: {  	s13 =	sadd.s32 $0x80, s19;
	_ =	swait.ge [sflag:s4], $0x2000  }
0x1e: {  	s12 =	sshrl.u32 s13, $0x3;
	[sflag:s4] =	ssyncset.done $0x0  }
0x1f: {  	s12 =	sadd.s32 s16, s12;
	[sflag:s4] =	ssyncadd.s32 $0xFFFFE000  }
0x20: {  	[tilespmem:s3], [sflag:$0x2] =	stream.linear.gather [hbm4b:s12+s3], $0x40, $0x38;
	[tilespmem:$0x2080] =	vst v63  }
0x21: {  	_ =	swait.ge [sflag:s4], $0x40  }
0x22: {  	[sflag:s4] =	ssyncset.done $0x0  }
0x23: {  	[sflag:s4] =	ssyncadd.s32 $0xFFFFFFC0  }
0x24: {  	[tilespmem:s7], [sflag:$0x1] =	stream.indirect.gather [hbm4b:s2+s6], $0x80, s3, s6, $0xb8;
	[tilespmem:$0x2080] =	vst v63  }
0x25: {  	_ =	swait.ge [sflag:s8], $0x2000  }
0x26: {  	s13 =	sshll.u32 s13, $0x4;
	[sflag:s8] =	ssyncset.done $0x0  }
0x27: {  	s13 =	sadd.s32 s17, s13;
	[sflag:s8] =	ssyncadd.s32 $0xFFFFE000  }
0x28: {  	[hbm4b:s13+s3] =	stream.linear.scatter [tilespmem:s7], [sflag:$0x2], $0x2000, $0x38;
	[tilespmem:$0x2080] =	vst v63  }
0x29: {  	s15 =	sadd.s32 $0xC0, s19;
	_ =	swait.ge [sflag:s4], $0x2000  }
0x2a: {  	s14 =	sshrl.u32 s15, $0x3;
	[sflag:s4] =	ssyncset.done $0x0  }
0x2b: {  	s14 =	sadd.s32 s16, s14;
	[sflag:s4] =	ssyncadd.s32 $0xFFFFE000  }
0x2c: {  	[tilespmem:s3], [sflag:$0x2] =	stream.linear.gather [hbm4b:s14+s3], $0x40, $0x38;
	[tilespmem:$0x2080] =	vst v63  }
0x2d: {  	_ =	swait.ge [sflag:s4], $0x40  }
0x2e: {  	[sflag:s4] =	ssyncset.done $0x0  }
0x2f: {  	[sflag:s4] =	ssyncadd.s32 $0xFFFFFFC0  }
0x30: {  	[tilespmem:s7], [sflag:$0x1] =	stream.indirect.gather [hbm4b:s2+s6], $0x80, s3, s6, $0xb8;
	[tilespmem:$0x2080] =	vst v63  }
0x31: {  	_ =	swait.ge [sflag:s8], $0x2000  }
0x32: {  	s15 =	sshll.u32 s15, $0x4;
	[sflag:s8] =	ssyncset.done $0x0  }
0x33: {  	s15 =	sadd.s32 s17, s15;
	[sflag:s8] =	ssyncadd.s32 $0xFFFFE000  }
0x34: {  	[hbm4b:s15+s3] =	stream.linear.scatter [tilespmem:s7], [sflag:$0x2], $0x2000, $0x38;
	[tilespmem:$0x2080] =	vst v63  }
0x35: {  	s19 =	sadd.s32 $0x100, s19;
	_ =	swait.ge [sflag:s4], $0x2000  }
0x36: {  	s20 =	sshrl.u32 s19, $0x3;
	[sflag:s4] =	ssyncset.done $0x0  }
0x37: {  	s18 =	ssub.s32 $0x2, s18;
	s16 =	sadd.s32 s16, s20;
	[sflag:s4] =	ssyncadd.s32 $0xFFFFE000  }
0x38: {  	[tilespmem:s3], [sflag:$0x2] =	stream.linear.gather [hbm4b:s16+s3], $0x40, $0x38;
	[tilespmem:$0x2080] =	vst v63  }
0x39: {  	s31 =	sshrl.u32 s18, $0x1;
	_ =	swait.ge [sflag:s4], $0x40  }
0x3a: {  	s18 =	ssub.s32 s18, s31;
	[sflag:s4] =	ssyncset.done $0x0  }
0x3b: {  	s18 =	smax.u32 s18, $0x1;
	[sflag:s4] =	ssyncadd.s32 $0xFFFFFFC0  }
0x3c: {  	[tilespmem:s7], [sflag:$0x1] =	stream.indirect.gather [hbm4b:s2+s6], $0x80, s3, s6, $0xb8;
	[tilespmem:$0x2080] =	vst v63  }
0x3d: {  	p0 =	sne.s32 s18, $0x1;
	_ =	swait.ge [sflag:s8], $0x2000  }
.Ltmp0:
0x3e: {  	s19 =	sshll.u32 s19, $0x4;
	[sflag:s8] =	ssyncset.done $0x0;
	(pc) =	sbr.rel @!p0 .LBB2_2-.Ltmp0, $4  }
0x3f: {  	s17 =	sadd.s32 s17, s19;
	[sflag:s8] =	ssyncadd.s32 $0xFFFFE000  }
0x40: {  	[hbm4b:s17+s3] =	stream.linear.scatter [tilespmem:s7], [sflag:$0x2], $0x2000, $0x38;
	[tilespmem:$0x2080] =	vst v63  }
0x41: {  	_ =	swait.ge [sflag:s4], $0x2000  }
0x42: {  	s18 =	sadd.s32 $0xFFFFFFFF, s18;
	[sflag:s4] =	ssyncset.done $0x0  }
.LBB2_1:
0x43: {  	p0 =	sne.s32 s18, $0x1;
	s18 =	sadd.s32 $0xFFFFFFFF, s18;
	[sflag:s4] =	ssyncadd.s32 $0xFFFFE000  }
0x44: {  	[tilespmem:s3], [sflag:$0x2] =	stream.linear.gather [hbm4b:s5+s3], $0x40, $0x38;
	[tilespmem:$0x2080] =	vst v63  }
0x45: {  	_ =	swait.ge [sflag:s4], $0x40  }
0x46: {  	[sflag:s4] =	ssyncset.done $0x0  }
0x47: {  	[sflag:s4] =	ssyncadd.s32 $0xFFFFFFC0  }
0x48: {  	[tilespmem:s7], [sflag:$0x1] =	stream.indirect.gather [hbm4b:s2+s6], $0x80, s3, s6, $0xb8;
	[tilespmem:$0x2080] =	vst v63  }
0x49: {  	_ =	swait.ge [sflag:s8], $0x2000  }
0x4a: {  	[sflag:s8] =	ssyncset.done $0x0  }
0x4b: {  	[sflag:s8] =	ssyncadd.s32 $0xFFFFE000  }
0x4c: {  	[hbm4b:s9+s3] =	stream.linear.scatter [tilespmem:s7], [sflag:$0x2], $0x2000, $0x38;
	[tilespmem:$0x2080] =	vst v63  }
0x4d: {  	_ =	swait.ge [sflag:s4], $0x2000  }
0x4e: {  	[sflag:s4] =	ssyncset.done $0x0  }
0x4f: {  	[sflag:s4] =	ssyncadd.s32 $0xFFFFE000  }
0x50: {  	[tilespmem:s3], [sflag:$0x2] =	stream.linear.gather [hbm4b:s10+s3], $0x40, $0x38;
	[tilespmem:$0x2080] =	vst v63  }
0x51: {  	_ =	swait.ge [sflag:s4], $0x40  }
0x52: {  	[sflag:s4] =	ssyncset.done $0x0  }
0x53: {  	[sflag:s4] =	ssyncadd.s32 $0xFFFFFFC0  }
0x54: {  	[tilespmem:s7], [sflag:$0x1] =	stream.indirect.gather [hbm4b:s2+s6], $0x80, s3, s6, $0xb8;
	[tilespmem:$0x2080] =	vst v63  }
0x55: {  	_ =	swait.ge [sflag:s8], $0x2000  }
0x56: {  	[sflag:s8] =	ssyncset.done $0x0  }
0x57: {  	[sflag:s8] =	ssyncadd.s32 $0xFFFFE000  }
0x58: {  	[hbm4b:s11+s3] =	stream.linear.scatter [tilespmem:s7], [sflag:$0x2], $0x2000, $0x38;
	[tilespmem:$0x2080] =	vst v63  }
0x59: {  	_ =	swait.ge [sflag:s4], $0x2000  }
0x5a: {  	[sflag:s4] =	ssyncset.done $0x0  }
0x5b: {  	[sflag:s4] =	ssyncadd.s32 $0xFFFFE000  }
0x5c: {  	[tilespmem:s3], [sflag:$0x2] =	stream.linear.gather [hbm4b:s12+s3], $0x40, $0x38;
	[tilespmem:$0x2080] =	vst v63  }
0x5d: {  	_ =	swait.ge [sflag:s4], $0x40  }
0x5e: {  	[sflag:s4] =	ssyncset.done $0x0  }
0x5f: {  	[sflag:s4] =	ssyncadd.s32 $0xFFFFFFC0  }
0x60: {  	[tilespmem:s7], [sflag:$0x1] =	stream.indirect.gather [hbm4b:s2+s6], $0x80, s3, s6, $0xb8;
	[tilespmem:$0x2080] =	vst v63  }
0x61: {  	_ =	swait.ge [sflag:s8], $0x2000  }
0x62: {  	[sflag:s8] =	ssyncset.done $0x0  }
0x63: {  	[sflag:s8] =	ssyncadd.s32 $0xFFFFE000  }
0x64: {  	[hbm4b:s13+s3] =	stream.linear.scatter [tilespmem:s7], [sflag:$0x2], $0x2000, $0x38;
	[tilespmem:$0x2080] =	vst v63  }
0x65: {  	_ =	swait.ge [sflag:s4], $0x2000  }
0x66: {  	[sflag:s4] =	ssyncset.done $0x0  }
0x67: {  	[sflag:s4] =	ssyncadd.s32 $0xFFFFE000  }
0x68: {  	[tilespmem:s3], [sflag:$0x2] =	stream.linear.gather [hbm4b:s14+s3], $0x40, $0x38;
	[tilespmem:$0x2080] =	vst v63  }
0x69: {  	_ =	swait.ge [sflag:s4], $0x40  }
0x6a: {  	[sflag:s4] =	ssyncset.done $0x0  }
0x6b: {  	[sflag:s4] =	ssyncadd.s32 $0xFFFFFFC0  }
0x6c: {  	[tilespmem:s7], [sflag:$0x1] =	stream.indirect.gather [hbm4b:s2+s6], $0x80, s3, s6, $0xb8;
	[tilespmem:$0x2080] =	vst v63  }
0x6d: {  	_ =	swait.ge [sflag:s8], $0x2000  }
0x6e: {  	[sflag:s8] =	ssyncset.done $0x0  }
0x6f: {  	[sflag:s8] =	ssyncadd.s32 $0xFFFFE000  }
0x70: {  	[hbm4b:s15+s3] =	stream.linear.scatter [tilespmem:s7], [sflag:$0x2], $0x2000, $0x38;
	[tilespmem:$0x2080] =	vst v63  }
0x71: {  	_ =	swait.ge [sflag:s4], $0x2000  }
0x72: {  	[sflag:s4] =	ssyncset.done $0x0  }
0x73: {  	[sflag:s4] =	ssyncadd.s32 $0xFFFFE000  }
0x74: {  	[tilespmem:s3], [sflag:$0x2] =	stream.linear.gather [hbm4b:s16+s3], $0x40, $0x38;
	[tilespmem:$0x2080] =	vst v63  }
0x75: {  	_ =	swait.ge [sflag:s4], $0x40  }
0x76: {  	[sflag:s4] =	ssyncset.done $0x0  }
0x77: {  	[sflag:s4] =	ssyncadd.s32 $0xFFFFFFC0  }
0x78: {  	[tilespmem:s7], [sflag:$0x1] =	stream.indirect.gather [hbm4b:s2+s6], $0x80, s3, s6, $0xb8;
	[tilespmem:$0x2080] =	vst v63  }
0x79: {  	_ =	swait.ge [sflag:s8], $0x2000  }
.Ltmp1:
0x7a: {  	[sflag:s8] =	ssyncset.done $0x0;
	(pc) =	sbr.rel @p0 .LBB2_1-.Ltmp1, $4  }
0x7b: {  	[sflag:s8] =	ssyncadd.s32 $0xFFFFE000  }
0x7c: {  	[hbm4b:s17+s3] =	stream.linear.scatter [tilespmem:s7], [sflag:$0x2], $0x2000, $0x38;
	[tilespmem:$0x2080] =	vst v63  }
0x7d: {  	_ =	swait.ge [sflag:s4], $0x2000  }
0x7e: {  	[sflag:s4] =	ssyncset.done $0x0  }
.LBB2_2:
0x7f: {  	[sflag:s4] =	ssyncadd.s32 $0xFFFFE000  }
0x80: {  	_ =	sfence.sel $0x180000  }
0x81: {  	[bflag:$0x0] =	sbarrier.arrive $0xFFFF  }
0x82: {  	p0 =	sne.s32 s0, $0x0;
	_ =	strace $0x90000047  }
0x83: {  	s0 =	sadd.s32 @!p0 $0x100000, s1;
	[bflag:$0x2] =	sbarrier.arrive $0xFFFF  }
0x84: {  	[sflag:s0] =	ssyncadd.tile.s32 @!p0 $0x1;
	_ =	shalt  }
.Lfunc_end2:
_tile_overlayer_lowered:
.L_overlay_start_2:
0x85: {  	(tag) =	ssettag $0x2  }
0x86: {  	s0 =	rddreg [dreg:$0x0];
	s2 =	stileid.u32  }
0x87: {  	s1 =	rddreg [dreg:$0x1];
	p0 =	sne.s32 s2, $0x0  }
0x88: {  	s3 =	rddreg [dreg:$0x2];
	[bflag:$0x3] =	sbarrier.arrive $0xFFFF;
	s2 =	simm.s32 @!p0 $0x1C02  }
0x89: {  	[timem:s3], [sflag:s2] =	dma.local @!p0 [hbm:s0], s1  }
0x8a: {  	s0 =	simm.s32 @!p0 $0x2  }
0x8b: {  	_ =	swait.ge @!p0 [sflag:s0], s1  }
0x8c: {  	s1 =	ssub.s32 @!p0 $0x0, s1;
	[sflag:s0] =	ssyncset.done @!p0 $0x0  }
0x8d: {  	[sflag:s0] =	ssyncadd.s32 @!p0 s1  }
0x8e: {  	[bflag:$0x3] =	sbarrier.arrive $0xFFFF  }
0x8f: {  	_ =	shalt  }

// kernel: kernel.14.cloned.1.call-start
scs
__scs_entry_jumppad:
0x0: {  	(pc) =	sbr.rel $0x88, $3  }
0x1: {  	(tag) =	ssettag $0x0;
	lr =	simm.s32 $0x1  }
0x2: {  	[smem:$0x3F95] =	sst lr;
	_ =	strace $0xD0000000  }
0x3: {  	_ = 	snop  }
0x4: {  	_ = 	snop  }
0x5: {  	_ = 	snop  }
0x6: {  	_ = 	snop  }
0x7: {  	_ = 	snop  }
__scs_overlays_trampoline_lowered:
0x8: {  	[smem:$0x3FA4] =	sst s0  }
0x9: {  	[smem:$0x3FA5] =	sst s1  }
0xa: {  	[smem:$0x3FA6] =	sst s2  }
0xb: {  	[smem:$0x3FA7] =	sst s3  }
0xc: {  	[smem:$0x3FA8] =	sst s4  }
0xd: {  	[smem:$0x3FA9] =	sst s5  }
0xe: {  	[smem:$0x3FAA] =	sst s6  }
0xf: {  	[smem:$0x3FAB] =	sst s7  }
0x10: {  	[smem:$0x3FAC] =	sst s8  }
0x11: {  	[smem:$0x3FAD] =	sst s9;
	s0 =	simm.s32 @!p0 $0x0  }
0x12: {  	s1 =	sld [smem:$0x3F93];
	s0 =	simm.s32 @p0 $0x1  }
0x13: {  	[smem:$0x3FAE] =	sst s0;
	s0 =	simm.s32 @!p1 $0x0  }
0x14: {  	s2 =	sld [smem:$0x3F92];
	s0 =	simm.s32 @p1 $0x1  }
0x15: {  	[smem:$0x3FAF] =	sst s0;
	s0 =	simm.s32 @!p2 $0x0  }
0x16: {  	s3 =	sld [smem:$0x3FDB];
	s0 =	simm.s32 @p2 $0x1  }
0x17: {  	s4 =	simm.s32 $0x1BF5;
	[smem:$0x3FB1] =	sst s0  }
0x18: {  	s0 =	sld [smem:$0x3F94];
	_ =	swait.ge [sflag:s4], $0x0  }
0x19: {  	s7 =	sld [smem:$0x3F95]  }
0x1a: {  	s8 =	sadd.s32 $0xFFFFE003, lr  }
0x1b: {  	s9 =	sadd.s32 $0xFFFFFEF7, lr;
	s5 =	simm.s32 $0xFFFFFFFF;
	p2 =	slt.u32 s8, $0xFFFFF086  }
0x1c: {  	p1 =	slt.u32 s9, $0xF7A;
	s5 =	simm.s32 @!p2 $0x0  }
0x1d: {  	s5 =	simm.s32 @p1 $0x1;
	p0 =	seq.s32 s7, s2  }
0x1e: {  	s7 =	smul.u32 @!p0 $0xF7A, s2;
	p2 =	seq.s32 @!p0 s5, $0x0  }
0x1f: {  	s9 =	smul.u32 $0xF7A, s1;
	s8 =	simm.s32 @!p0 $0x1BF5;
	p2 =	por !p2, p0  }
0x20: {  	[sflag:s8] =	ssyncset.s32 @!p0 $0xFFFFF086;
	s6 =	sadd.s32 @!p0 s3, s7;
	s7 =	simm.s32 @!p0 $0x108  }
0x21: {  	s3 =	sadd.s32 s3, s9;
	s6 =	sadd.s32 @!p0 $0x88, s6;
	s7 =	simm.s32 @p2 $0x1082  }
0x22: {  	[simem:s7], [sflag:s8] =	dma.local @!p0 [hbm:s6], $0xF7A  }
0x23: {  	s9 =	sor.u32 $0xD0000000, s2;
	s6 =	simm.s32 $0x108;
	_ =	swait.ge @!p0 [sflag:s8], $0x0  }
0x24: {  	s3 =	sadd.s32 $0x88, s3;
	s6 =	simm.s32 @!p1 $0x1082;
	[sflag:s4] =	ssyncset.s32 $0xFFFFF086  }
0x25: {  	[simem:s6], [sflag:s4] =	dma.local [hbm:s3], $0xF7A  }
0x26: {  	[smem:$0x3F95] =	sst s1;
	(tag) =	ssettag s2;
	_ =	strace s9  }
0x27: {  	s1 =	sld [smem:$0x3FA5]  }
0x28: {  	s2 =	sld [smem:$0x3FA6]  }
0x29: {  	s4 =	sld [smem:$0x3FA8]  }
0x2a: {  	p0 =	seq.s32 s5, $0x0;
	s5 =	sld [smem:$0x3FA9]  }
0x2b: {  	s6 =	sld [smem:$0x3FAA]  }
0x2c: {  	s7 =	sld [smem:$0x3FAB]  }
0x2d: {  	s3 =	simm.s32 $0x108;
	s8 =	sld [smem:$0x3FAC]  }
0x2e: {  	s3 =	simm.s32 @!p0 $0x1082;
	s9 =	sld [smem:$0x3FAD]  }
0x2f: {  	lr =	sadd.s32 s0, s3;
	s0 =	sld [smem:$0x3FA4]  }
0x30: {  	s3 =	sld [smem:$0x3FA7]  }
0x31: {  	[smem:$0x3FB0] =	sst s10  }
0x32: {  	s10 =	sld [smem:$0x3FAE];
	_ =	sdelay $0x3  }
0x33: {  	p0 =	seq.s32 s10, $0x1;
	s10 =	sld [smem:$0x3FB0];
	_ =	sdelay $0x3  }
0x34: {  	[smem:$0x3FB0] =	sst s10  }
0x35: {  	s10 =	sld [smem:$0x3FAF];
	_ =	sdelay $0x3  }
0x36: {  	p1 =	seq.s32 s10, $0x1;
	s10 =	sld [smem:$0x3FB0];
	_ =	sdelay $0x3  }
0x37: {  	[smem:$0x3FB0] =	sst s10  }
0x38: {  	s10 =	sld [smem:$0x3FB1]  }
0x39: {  	_ = 	snop;
	(pc) =	sbr.ind lr, $3  }
0x3a: {  	_ = 	snop  }
0x3b: {  	_ = 	snop  }
0x3c: {  	p2 =	seq.s32 s10, $0x1;
	s10 =	sld [smem:$0x3FB0]  }
0x3d: {  	_ =	shalt  }
0x3e: {  	_ =	shalt  }
0x3f: {  	_ =	shalt  }
0x40: {  	_ =	shalt  }
0x41: {  	_ =	shalt  }
0x42: {  	_ =	shalt  }
0x43: {  	_ =	shalt  }
0x44: {  	_ =	shalt  }
0x45: {  	_ =	shalt  }
0x46: {  	_ =	shalt  }
0x47: {  	_ =	shalt  }
0x48: {  	_ =	shalt  }
0x49: {  	_ =	shalt  }
0x4a: {  	_ =	shalt  }
0x4b: {  	_ =	shalt  }
0x4c: {  	_ =	shalt  }
0x4d: {  	_ =	shalt  }
0x4e: {  	_ =	shalt  }
0x4f: {  	_ =	shalt  }
0x50: {  	_ =	shalt  }
0x51: {  	_ =	shalt  }
0x52: {  	_ =	shalt  }
0x53: {  	_ =	shalt  }
0x54: {  	_ =	shalt  }
0x55: {  	_ =	shalt  }
0x56: {  	_ =	shalt  }
0x57: {  	_ =	shalt  }
0x58: {  	_ =	shalt  }
0x59: {  	_ =	shalt  }
0x5a: {  	_ =	shalt  }
0x5b: {  	_ =	shalt  }
0x5c: {  	_ =	shalt  }
0x5d: {  	_ =	shalt  }
0x5e: {  	_ =	shalt  }
0x5f: {  	_ =	shalt  }
0x60: {  	_ =	shalt  }
0x61: {  	_ =	shalt  }
0x62: {  	_ =	shalt  }
0x63: {  	_ =	shalt  }
0x64: {  	_ =	shalt  }
0x65: {  	_ =	shalt  }
0x66: {  	_ =	shalt  }
0x67: {  	_ =	shalt  }
0x68: {  	_ =	shalt  }
0x69: {  	_ =	shalt  }
0x6a: {  	_ =	shalt  }
0x6b: {  	_ =	shalt  }
0x6c: {  	_ =	shalt  }
0x6d: {  	_ =	shalt  }
0x6e: {  	_ =	shalt  }
0x6f: {  	_ =	shalt  }
0x70: {  	_ =	shalt  }
0x71: {  	_ =	shalt  }
0x72: {  	_ =	shalt  }
0x73: {  	_ =	shalt  }
0x74: {  	_ =	shalt  }
0x75: {  	_ =	shalt  }
0x76: {  	_ =	shalt  }
0x77: {  	_ =	shalt  }
0x78: {  	_ =	shalt  }
0x79: {  	_ =	shalt  }
0x7a: {  	_ =	shalt  }
0x7b: {  	_ =	shalt  }
0x7c: {  	_ =	shalt  }
0x7d: {  	_ =	shalt  }
0x7e: {  	_ =	shalt  }
0x7f: {  	_ =	shalt  }
0x80: {  	_ =	shalt  }
0x81: {  	_ =	shalt  }
0x82: {  	_ =	shalt  }
0x83: {  	_ =	shalt  }
0x84: {  	_ =	shalt  }
0x85: {  	_ =	shalt  }
0x86: {  	_ =	shalt  }
0x87: {  	_ =	shalt  }
.Lfunc_end0:
.L_simem_size_0:
called_computation.1_lowered:
.L_overlay_start_0:
0x88: {  	s2 =	sld [smem:$0x3FD9]  }
0x89: {  	s3 =	sld [smem:$0x3FFE];
	_ =	sdelay $0x1  }
0x8a: {  	s1 =	srdreg.scid  }
0x8b: {  	s0 =	sand.u32 $0x1, s1  }
0x8c: {  	s17 =	sshll.u32 s0, $0xA;
	s2 =	sadd.s32 s3, s2  }
0x8d: {  	s2 =	sadd.s32 s2, s17  }
0x8e: {  	[smem:$0x3FBC] =	sst s2  }
0x8f: {  	_ = 	snop  }
0x90: {  	s2 =	sld [smem:$0x3FD0];
	(tm) =	ssettm $0x1  }
0x91: {  	s18 =	sld [smem:$0x3FFB];
	_ =	sdelay $0x3  }
0x92: {  	_ =	strace s18  }
0x93: {  	s3 =	sld [smem:$0x3FFC];
	_ =	sdelay $0x3  }
0x94: {  	_ =	strace s3  }
0x95: {  	s3 =	sld [smem:$0x3FFD];
	_ =	sdelay $0x3  }
0x96: {  	_ =	strace s3  }
0x97: {  	_ =	strace $0x8FFFFFFF  }
0x98: {  	s19 =	sld [smem:$0x3FDB];
	_ =	sdelay $0x1  }
0x99: {  	s4 =	simm.s32 $_scs_section_size  }
0x9a: {  	s5 =	simm.s32 $_size__tile_overlayer_lowered;
	s6 =	simm.s32 $_tile_overlayer_lowered  }
0x9b: {  	s22 =	simm.s32 $0x1BFF;
	s21 =	sshll.u32 s6, $0x1;
	s3 =	sadd.s32 s4, s19  }
0x9c: {  	s7 =	simm.s32 $0x0;
	s20 =	sshll.u32 s5, $0x1;
	s5 =	sadd.s32 s21, s3  }
0x9d: {  	[timem:s7], [sflag:s22] =	dma.local [hbm:s5], s20  }
0x9e: {  	_ =	swait.ge [sflag:s22], s20  }
0x9f: {  	s4 =	ssub.s32 $0x0, s20;
	[sflag:s22] =	ssyncset.done $0x0  }
0xa0: {  	[sflag:s22] =	ssyncadd.s32 s4;
	_ =	sdelay $0x1  }
0xa1: {  	s23 =	simm.s32 $0x1B8B  }
0xa2: {  	_ =	swait.ge [sflag:s23], $0x1  }
0xa3: {  	[sflag:s23] =	ssyncset.done $0x0  }
0xa4: {  	s25 =	simm.s32 $0x1B8E;
	s24 =	sld [smem:$0x3FFE];
	[sflag:s23] =	ssyncadd.s32 $0xFFFFFFFF  }
0xa5: {  	s26 =	simm.s32 $execute0_lowered;
	[smem:$0x3FD2] =	sst s25  }
0xa6: {  	s5 =	sshll.u32 s26, $0x1;
	_ =	strace $0x80000049;
	[dreg:$0x1] =	wrdreg $0xFFFFFFFF  }
0xa7: {  	s28 =	simm.s32 $_size_execute0_lowered;
	s3 =	sadd.s32 s3, s5;
	[dreg:$0x0] =	wrdreg $0x0  }
0xa8: {  	s5 =	sshll.u32 s28, $0x1;
	[dreg:$0x2] =	wrdreg s3  }
0xa9: {  	[dreg:$0x3] =	wrdreg s5  }
0xaa: {  	[dreg:$0x4] =	wrdreg $0xC0  }
0xab: {  	_ =	task [dreg:s7], $0x5FFFF  }
0xac: {  	[dreg:$0x1] =	wrdreg $0xFFFFFFFF  }
0xad: {  	[dreg:$0x0] =	wrdreg $0x60  }
0xae: {  	[dreg:$0x2] =	wrdreg s2  }
0xaf: {  	[dreg:$0x3] =	wrdreg s24  }
0xb0: {  	[dreg:$0x4] =	wrdreg $0x91800  }
0xb1: {  	[dreg:$0x5] =	wrdreg $0x1D1800  }
0xb2: {  	[dreg:$0x6] =	wrdreg $0x9  }
0xb3: {  	_ =	task.clear_ibuf [dreg:s7], $0x7FFFF;
	_ =	strace $0x90000049  }
0xb4: {  	s29 =	simm.s32 $0x9;
	_ =	strace $0x8000004B  }
0xb5: {  	_ =	swait.ge [sflag:s29], $0x1  }
0xb6: {  	[sflag:s29] =	ssyncadd.s32 $0xFFFFFFFF  }
0xb7: {  	_ =	strace $0x9000004B  }
0xb8: {  	_ =	sfence  }
0xb9: {  	s30 =	sld [smem:$0x0];
	_ =	sdelay $0x2  }
0xba: {  	s31 =	sshll.u32 s1, $0xD;
	s1 =	sshrl.u32 s1, $0x2  }
0xbb: {  	s3 =	sand.u32 $0x4000, s31;
	s1 =	sadd.s32 s1, s30  }
0xbc: {  	s0 =	sor.u32 s3, s0;
	s1 =	sshll.u32 s1, $0x11  }
0xbd: {  	s0 =	sor.u32 s1, s0  }
0xbe: {  	s0 =	sadd.s32 $0x8F2B, s0  }
0xbf: {  	[sflag:s0] =	ssyncadd.remote.s32 $0x1  }
0xc0: {  	_ =	sfence.sel $0xFFFF  }
0xc1: {  	[dreg:$0x0] =	wrdreg $0xFFFFFFFF;
	(pc) =	sbr.abs _section_cstart, $3  }
0xc2: {  	[dreg:$0x1] =	wrdreg $0xFFFFFFFF  }
0xc3: {  	_ =	task.clear_ibuf [dreg:s7], $0x2FFFF;
	_ =	strace $0x9FFFFFFF  }
0xc4: {  	(tm) =	ssettm $0x7FFFFFFF  }
0xc5: {  	_ =	shalt  }
tec
execute0_lowered:
.L_overlay_start_1:
0x0: {  	(tag) =	ssettag $0x1  }
0x1: {  	s1 =	rddreg [dreg:$0x0]  }
0x2: {  	s0 =	rddreg [dreg:$0x1]  }
0x3: {  	s2 =	rddreg [dreg:$0x2]  }
0x4: {  	s3 =	rddreg [dreg:$0x3]  }
0x5: {  	s4 =	srdreg.scid;
	s5 =	simm.s32 $0x0;
	s13 =	stileid.u32  }
0x6: {  	s28 =	simm.s32 $0x2800;
	s29 =	simm.s32 $0x5000;
	s30 =	simm.s32 $0x5080  }
0x7: {  	s31 =	simm.s32 $0x80;
	s4 =	sand.u32 $0x1, s4;
	s7 =	smul.u32 $0x14000, s13  }
0x8: {  	[smem:$0x7FF] =	sst s5;
	s8 =	sadd.s32 $0x2200, s0;
	s19 =	smul.u32 $0x500, s13  }
0x9: {  	s18 =	sadd.s32 $0x16800, s0;
	s9 =	sadd.s32 $0xC800, s0;
	s11 =	smul.u32 $0x50000, s13  }
0xa: {  	s12 =	smul.u32 $0x280, s13;
	_ =	strace $0x8000004A;
	[dreg:$0x5] =	wrdreg s8  }
0xb: {  	s22 =	sshll.u32 s13, $0x1;
	s6 =	smul.u32 $0x140000, s4;
	[dreg:$0x6] =	wrdreg s18  }
0xc: {  	s8 =	sadd.s32 $0x2800, s0;
	s10 =	sshll.u32 s4, $0x7;
	s20 =	ssub.s32 $0x2, s4  }
0xd: {  	s4 =	sor.u32 s4, s22;
	s21 =	sshrl.u32 s20, $0x1;
	s11 =	sshrl.u32 s11, $0x2  }
0xe: {  	s23 =	sadd.s32 $0x80, s12;
	s15 =	sadd.s32 $0x100, s12;
	s25 =	sadd.s32 $0x180, s12  }
0xf: {  	s6 =	sadd.s32 s7, s6;
	s7 =	sor.u32 s10, s19;
	s10 =	sadd.s32 s11, s2  }
0x10: {  	s11 =	sadd.s32 s12, s3;
	s14 =	sshll.u32 s23, $0x7;
	s13 =	sadd.s32 s23, s3  }
0x11: {  	s24 =	sshll.u32 s15, $0x7;
	s12 =	sadd.s32 $0x200, s12;
	s15 =	sadd.s32 s15, s3  }
0x12: {  	s26 =	sshll.u32 s25, $0x7;
	s17 =	sadd.s32 s25, s3;
	s25 =	simm.s32 $0x2  }
0x13: {  	s6 =	sshrl.u32 s6, $0x3;
	s7 =	sshrl.u32 s7, $0x3;
	s14 =	sadd.s32 s14, s2  }
0x14: {  	[dreg:$0x8] =	wrdreg s13;
	s13 =	sadd.s32 s24, s2;
	s18 =	sshll.u32 s12, $0x7  }
0x15: {  	s16 =	sadd.s32 s26, s2;
	s19 =	sadd.s32 s12, s3;
	s24 =	simm.s32 $0x5100  }
0x16: {  	s26 =	simm.s32 $0x9100;
	s6 =	sadd.s32 s6, s0;
	[dreg:$0x7] =	wrdreg s14  }
0x17: {  	s0 =	sadd.s32 s7, s0;
	s7 =	ssub.s32 s20, s21;
	[dreg:$0x9] =	wrdreg s13  }
0x18: {  	s18 =	sadd.s32 s18, s2;
	s20 =	smul.u32 $0x2800, s4;
	s21 =	sadd.s32 $0x17800, s6  }
0x19: {  	v0 =	vimm.f32 $0.0e+00;
	s22 =	sadd.s32 $0x16E00, s0;
	s23 =	smax.u32 s7, $0x1;
	s0 =	simm.s32 $0x1  }
.LBB2_1:
0x1a: {  	s4 =	simm.s32 $0x0;
	s6 =	simm.s32 $0x200  }
.LBB2_2:
0x1b: {  	p0 =	sne.s32 s6, $0xFE00;
	[tilespmem:s4+$0x5170] =	vst v0  }
0x1c: {  	[tilespmem:s4+$0x5100] =	vst v0  }
0x1d: {  	[tilespmem:s4+$0x5110] =	vst v0  }
.Ltmp0:
0x1e: {  	[tilespmem:s4+$0x5120] =	vst v0;
	(pc) =	sbr.rel @p0 .LBB2_2-.Ltmp0, $4  }
0x1f: {  	[tilespmem:s4+$0x5130] =	vst v0  }
0x20: {  	[tilespmem:s4+$0x5140] =	vst v0  }
0x21: {  	[tilespmem:s4+$0x5150] =	vst v0  }
0x22: {  	[tilespmem:s4+$0x5160] =	vst v0;
	s4 =	sshra.s32 s6, $0x2;
	s6 =	sadd.s32 $0x200, s6  }
0x23: {  	[tilespmem:s4+$0x5170] =	vst v0  }
0x24: {  	[tilespmem:s4+$0x5100] =	vst v0  }
0x25: {  	[tilespmem:s4+$0x5110] =	vst v0  }
0x26: {  	[tilespmem:s4+$0x5120] =	vst v0  }
0x27: {  	[tilespmem:s4+$0x5130] =	vst v0  }
0x28: {  	[tilespmem:s4+$0x5140] =	vst v0  }
0x29: {  	[tilespmem:s4+$0x5150] =	vst v0  }
0x2a: {  	[tilespmem:s4+$0x5160] =	vst v0  }
0x2b: {  	[tilespmem:$0x9100] =	vst v0  }
0x2c: {  	[tilespmem:$0x9110] =	vst v0  }
0x2d: {  	[tilespmem:$0x9120] =	vst v0  }
0x2e: {  	[tilespmem:$0x9130] =	vst v0  }
0x2f: {  	[tilespmem:$0x9140] =	vst v0  }
0x30: {  	[tilespmem:$0x9150] =	vst v0  }
0x31: {  	[tilespmem:$0x9160] =	vst v0  }
0x32: {  	[tilespmem:$0x9170] =	vst v0  }
0x33: {  	[spmem:s10] =	stream.linear.scatter [tilespmem:s24], [sflag:$0x2], $0x4000, $0x38;
	[tilespmem:$0x1D400] =	vst v63  }
0x34: {  	_ =	swait.ge [sflag:s25], $0x4000  }
0x35: {  	[sflag:s25] =	ssyncset.done $0x0  }
0x36: {  	[sflag:s25] =	ssyncadd.s32 $0xFFFFC000  }
0x37: {  	[spmem:s11] =	stream.linear.scatter [tilespmem:s26], [sflag:$0x2], $0x80, $0x38;
	[tilespmem:$0x1D400] =	vst v63  }
0x38: {  	_ =	swait.ge [sflag:s25], $0x80  }
0x39: {  	[sflag:s25] =	ssyncset.done $0x0  }
0x3a: {  	s7 =	rddreg [dreg:$0x7];
	[sflag:s25] =	ssyncadd.s32 $0xFFFFFF80  }
0x3b: {  	[spmem:s7] =	stream.linear.scatter [tilespmem:s24], [sflag:$0x2], $0x4000, $0x38;
	[tilespmem:$0x1D400] =	vst v63  }
0x3c: {  	_ =	swait.ge [sflag:s25], $0x4000  }
0x3d: {  	[sflag:s25] =	ssyncset.done $0x0  }
0x3e: {  	s12 =	rddreg [dreg:$0x8];
	[sflag:s25] =	ssyncadd.s32 $0xFFFFC000  }
0x3f: {  	[spmem:s12] =	stream.linear.scatter [tilespmem:s26], [sflag:$0x2], $0x80, $0x38;
	[tilespmem:$0x1D400] =	vst v63  }
0x40: {  	_ =	swait.ge [sflag:s25], $0x80  }
0x41: {  	[sflag:s25] =	ssyncset.done $0x0  }
0x42: {  	s13 =	rddreg [dreg:$0x9];
	[sflag:s25] =	ssyncadd.s32 $0xFFFFFF80  }
0x43: {  	[spmem:s13] =	stream.linear.scatter [tilespmem:s24], [sflag:$0x2], $0x4000, $0x38;
	[tilespmem:$0x1D400] =	vst v63  }
0x44: {  	_ =	swait.ge [sflag:s25], $0x4000  }
0x45: {  	[sflag:s25] =	ssyncset.done $0x0  }
0x46: {  	[sflag:s25] =	ssyncadd.s32 $0xFFFFC000  }
0x47: {  	[spmem:s15] =	stream.linear.scatter [tilespmem:s26], [sflag:$0x2], $0x80, $0x38;
	[tilespmem:$0x1D400] =	vst v63  }
0x48: {  	_ =	swait.ge [sflag:s25], $0x80  }
0x49: {  	[sflag:s25] =	ssyncset.done $0x0  }
0x4a: {  	[sflag:s25] =	ssyncadd.s32 $0xFFFFFF80  }
0x4b: {  	[spmem:s16] =	stream.linear.scatter [tilespmem:s24], [sflag:$0x2], $0x4000, $0x38;
	[tilespmem:$0x1D400] =	vst v63  }
0x4c: {  	_ =	swait.ge [sflag:s25], $0x4000  }
0x4d: {  	[sflag:s25] =	ssyncset.done $0x0  }
0x4e: {  	[sflag:s25] =	ssyncadd.s32 $0xFFFFC000  }
0x4f: {  	[spmem:s17] =	stream.linear.scatter [tilespmem:s26], [sflag:$0x2], $0x80, $0x38;
	[tilespmem:$0x1D400] =	vst v63  }
0x50: {  	_ =	swait.ge [sflag:s25], $0x80  }
0x51: {  	[sflag:s25] =	ssyncset.done $0x0  }
0x52: {  	[sflag:s25] =	ssyncadd.s32 $0xFFFFFF80  }
0x53: {  	[spmem:s18] =	stream.linear.scatter [tilespmem:s24], [sflag:$0x2], $0x4000, $0x38;
	[tilespmem:$0x1D400] =	vst v63  }
0x54: {  	_ =	swait.ge [sflag:s25], $0x4000  }
0x55: {  	[sflag:s25] =	ssyncset.done $0x0  }
0x56: {  	[sflag:s25] =	ssyncadd.s32 $0xFFFFC000  }
0x57: {  	[spmem:s19] =	stream.linear.scatter [tilespmem:s26], [sflag:$0x2], $0x80, $0x38;
	[tilespmem:$0x1D400] =	vst v63  }
0x58: {  	_ =	swait.ge [sflag:s25], $0x80  }
0x59: {  	[sflag:s25] =	ssyncset.done $0x0  }
0x5a: {  	s4 =	simm.s32 $0x0;
	s6 =	rddreg [dreg:$0x5];
	[sflag:s25] =	ssyncadd.s32 $0xFFFFFF80  }
0x5b: {  	[tilespmem:s4], [sflag:$0x2] =	stream.linear.gather [hbm4b:s6+s4], $0x2800, $0x38;
	[tilespmem:$0x1D400] =	vst v63  }
0x5c: {  	_ =	swait.ge [sflag:s25], $0x2800  }
0x5d: {  	[sflag:s25] =	ssyncset.done $0x0  }
0x5e: {  	s14 =	rddreg [dreg:$0x6];
	[sflag:s25] =	ssyncadd.s32 $0xFFFFD800  }
0x5f: {  	[tilespmem:s28], [sflag:$0x2] =	stream.linear.gather [hbm4b:s14+s4], $0x2800, $0x38;
	[tilespmem:$0x1D400] =	vst v63  }
0x60: {  	_ =	swait.ge [sflag:s25], $0x2800  }
0x61: {  	[sflag:s25] =	ssyncset.done $0x0  }
0x62: {  	[sflag:s25] =	ssyncadd.s32 $0xFFFFD800  }
0x63: {  	s6 =	simm.s32 $0x0;
	[bflag:$0x0] =	sbarrier.arrive $0xFFFF  }
.LBB2_4:
0x64: {  	s7 =	sshll.u32 s6, $0x7  }
0x65: {  	s12 =	sand.u32 $0x3C00, s7  }
0x66: {  	s7 =	sand.u32 $0x380, s7;
	s12 =	sadd.s32 s20, s12  }
0x67: {  	s7 =	sor.u32 s7, s12  }
0x68: {  	s7 =	sshrl.u32 s7, $0x3  }
0x69: {  	s13 =	sadd.s32 s8, s7  }
0x6a: {  	[tilespmem:s29], [sflag:$0x2] =	stream.linear.gather [hbm4b:s13+s4], $0x80, $0x38;
	[tilespmem:$0x1D400] =	vst v63  }
0x6b: {  	_ =	swait.ge [sflag:s25], $0x80  }
0x6c: {  	[sflag:s25] =	ssyncset.done $0x0  }
0x6d: {  	s7 =	sadd.s32 s9, s7;
	[sflag:s25] =	ssyncadd.s32 $0xFFFFFF80  }
0x6e: {  	[tilespmem:s30], [sflag:$0x2] =	stream.linear.gather [hbm4b:s7+s4], $0x80, $0x38;
	[tilespmem:$0x1D400] =	vst v63  }
0x6f: {  	_ =	swait.ge [sflag:s25], $0x80  }
0x70: {  	[sflag:s25] =	ssyncset.done $0x0  }
0x71: {  	[sflag:s25] =	ssyncadd.s32 $0xFFFFFF80  }
0x72: {  	[tilespmem:s24], [sflag:$0x1] =	stream.indirect.gather [hbm4b:s1+s31], $0x80, s29, s31, $0xb8;
	[tilespmem:$0x1D400] =	vst v63  }
0x73: {  	v1 =	vld [tilespmem:$0x5000]  }
0x74: {  	v2 =	vld [tilespmem:$0x5080];
	_ =	sdelay $0x6  }
0x75: {  	v1 =	vld.idx.msk [tilespmem:v1+s4+$0x0], $0xffff  }
0x76: {  	v2 =	vld.idx.msk [tilespmem:v2+s28+$0x0], $0xffff;
	_ =	sdelay $0x4  }
0x77: {  	v1 =	vadd.f32 v2, v1;
	_ =	sdelay $0x1  }
0x78: {  	v2 =	vmul.f32 $2.000000030e-01, v1;
	_ =	sdelay $0x1  }
0x79: {  	v1 =	vmax.f32 v1, v2  }
0x7a: {  	v1 =	vmul.f32 $1.442695020e+00, v1;
	_ =	sdelay $0x1  }
0x7b: {  	(erf) = vpow2.f32 v1;
	_ =	sdelay $0x2  }
0x7c: {  	v1 =	vld [tilespmem:$0x5010]  }
0x7d: {  	v2 =	vld [tilespmem:$0x5090];
	_ =	sdelay $0x4  }
0x7e: {  	v3 =	vpop (erf)  }
0x7f: {  	[tilespmem:$0x9100] =	vst v3  }
0x80: {  	v1 =	vld.idx.msk [tilespmem:v1+s4+$0x0], $0xffff  }
0x81: {  	v2 =	vld.idx.msk [tilespmem:v2+s28+$0x0], $0xffff;
	_ =	sdelay $0x4  }
0x82: {  	v1 =	vadd.f32 v2, v1;
	_ =	sdelay $0x1  }
0x83: {  	v2 =	vmul.f32 $2.000000030e-01, v1;
	_ =	sdelay $0x1  }
0x84: {  	v1 =	vmax.f32 v1, v2  }
0x85: {  	v1 =	vmul.f32 $1.442695020e+00, v1;
	_ =	sdelay $0x1  }
0x86: {  	(erf) = vpow2.f32 v1;
	_ =	sdelay $0x2  }
0x87: {  	v1 =	vld [tilespmem:$0x5020]  }
0x88: {  	v2 =	vld [tilespmem:$0x50A0];
	_ =	sdelay $0x4  }
0x89: {  	v3 =	vpop (erf)  }
0x8a: {  	[tilespmem:$0x9110] =	vst v3  }
0x8b: {  	v1 =	vld.idx.msk [tilespmem:v1+s4+$0x0], $0xffff  }
0x8c: {  	v2 =	vld.idx.msk [tilespmem:v2+s28+$0x0], $0xffff;
	_ =	sdelay $0x4  }
0x8d: {  	v1 =	vadd.f32 v2, v1;
	_ =	sdelay $0x1  }
0x8e: {  	v2 =	vmul.f32 $2.000000030e-01, v1;
	_ =	sdelay $0x1  }
0x8f: {  	v1 =	vmax.f32 v1, v2  }
0x90: {  	v1 =	vmul.f32 $1.442695020e+00, v1;
	_ =	sdelay $0x1  }
0x91: {  	(erf) = vpow2.f32 v1;
	_ =	sdelay $0x2  }
0x92: {  	v1 =	vld [tilespmem:$0x5030]  }
0x93: {  	v2 =	vld [tilespmem:$0x50B0];
	_ =	sdelay $0x4  }
0x94: {  	v3 =	vpop (erf)  }
0x95: {  	[tilespmem:$0x9120] =	vst v3  }
0x96: {  	v1 =	vld.idx.msk [tilespmem:v1+s4+$0x0], $0xffff  }
0x97: {  	v2 =	vld.idx.msk [tilespmem:v2+s28+$0x0], $0xffff;
	_ =	sdelay $0x4  }
0x98: {  	v1 =	vadd.f32 v2, v1;
	_ =	sdelay $0x1  }
0x99: {  	v2 =	vmul.f32 $2.000000030e-01, v1;
	_ =	sdelay $0x1  }
0x9a: {  	v1 =	vmax.f32 v1, v2  }
0x9b: {  	v1 =	vmul.f32 $1.442695020e+00, v1;
	_ =	sdelay $0x1  }
0x9c: {  	(erf) = vpow2.f32 v1;
	_ =	sdelay $0x2  }
0x9d: {  	v1 =	vld [tilespmem:$0x5040]  }
0x9e: {  	v2 =	vld [tilespmem:$0x50C0];
	_ =	sdelay $0x4  }
0x9f: {  	v3 =	vpop (erf)  }
0xa0: {  	[tilespmem:$0x9130] =	vst v3  }
0xa1: {  	v1 =	vld.idx.msk [tilespmem:v1+s4+$0x0], $0xffff  }
0xa2: {  	v2 =	vld.idx.msk [tilespmem:v2+s28+$0x0], $0xffff;
	_ =	sdelay $0x4  }
0xa3: {  	v1 =	vadd.f32 v2, v1;
	_ =	sdelay $0x1  }
0xa4: {  	v2 =	vmul.f32 $2.000000030e-01, v1;
	_ =	sdelay $0x1  }
0xa5: {  	v1 =	vmax.f32 v1, v2  }
0xa6: {  	v1 =	vmul.f32 $1.442695020e+00, v1;
	_ =	sdelay $0x1  }
0xa7: {  	(erf) = vpow2.f32 v1;
	_ =	sdelay $0x2  }
0xa8: {  	v1 =	vld [tilespmem:$0x5050]  }
0xa9: {  	v2 =	vld [tilespmem:$0x50D0];
	_ =	sdelay $0x4  }
0xaa: {  	v3 =	vpop (erf)  }
0xab: {  	[tilespmem:$0x9140] =	vst v3  }
0xac: {  	v1 =	vld.idx.msk [tilespmem:v1+s4+$0x0], $0xffff  }
0xad: {  	v2 =	vld.idx.msk [tilespmem:v2+s28+$0x0], $0xffff;
	_ =	sdelay $0x4  }
0xae: {  	v1 =	vadd.f32 v2, v1;
	_ =	sdelay $0x1  }
0xaf: {  	v2 =	vmul.f32 $2.000000030e-01, v1;
	_ =	sdelay $0x1  }
0xb0: {  	v1 =	vmax.f32 v1, v2  }
0xb1: {  	v1 =	vmul.f32 $1.442695020e+00, v1;
	_ =	sdelay $0x1  }
0xb2: {  	(erf) = vpow2.f32 v1;
	_ =	sdelay $0x2  }
0xb3: {  	v1 =	vld [tilespmem:$0x5060]  }
0xb4: {  	v2 =	vld [tilespmem:$0x50E0];
	_ =	sdelay $0x4  }
0xb5: {  	v3 =	vpop (erf)  }
0xb6: {  	[tilespmem:$0x9150] =	vst v3  }
0xb7: {  	v1 =	vld.idx.msk [tilespmem:v1+s4+$0x0], $0xffff  }
0xb8: {  	v2 =	vld.idx.msk [tilespmem:v2+s28+$0x0], $0xffff;
	_ =	sdelay $0x4  }
0xb9: {  	v1 =	vadd.f32 v2, v1;
	_ =	sdelay $0x1  }
0xba: {  	v2 =	vmul.f32 $2.000000030e-01, v1;
	_ =	sdelay $0x1  }
0xbb: {  	v1 =	vmax.f32 v1, v2  }
0xbc: {  	v1 =	vmul.f32 $1.442695020e+00, v1;
	_ =	sdelay $0x1  }
0xbd: {  	(erf) = vpow2.f32 v1;
	_ =	sdelay $0x2  }
0xbe: {  	v1 =	vld [tilespmem:$0x5070]  }
0xbf: {  	v2 =	vld [tilespmem:$0x50F0];
	_ =	sdelay $0x4  }
0xc0: {  	v3 =	vpop (erf)  }
0xc1: {  	[tilespmem:$0x9160] =	vst v3  }
0xc2: {  	v1 =	vld.idx.msk [tilespmem:v1+s4+$0x0], $0xffff  }
0xc3: {  	v2 =	vld.idx.msk [tilespmem:v2+s28+$0x0], $0xffff;
	_ =	sdelay $0x4  }
0xc4: {  	v1 =	vadd.f32 v2, v1;
	_ =	sdelay $0x1  }
0xc5: {  	v2 =	vmul.f32 $2.000000030e-01, v1;
	_ =	sdelay $0x1  }
0xc6: {  	v1 =	vmax.f32 v1, v2  }
0xc7: {  	v1 =	vmul.f32 $1.442695020e+00, v1;
	_ =	sdelay $0x1  }
0xc8: {  	(erf) = vpow2.f32 v1;
	_ =	sdelay $0x8  }
0xc9: {  	v1 =	vpop (erf)  }
0xca: {  	[tilespmem:$0x9170] =	vst v1;
	v1 =	vmov s4  }
0xcb: {  	v1 =	vand.u32 $0xFFFFFFFE, v1  }
0xcc: {  	v2 =	vbroadcast v1, $0x0;
	_ =	sdelay $0x1  }
0xcd: {  	_ =	swait.ge [sflag:s0], $0x4000  }
0xce: {  	[sflag:s0] =	ssyncset.done $0x0  }
0xcf: {  	s7 =	simm.s32 $0x5180;
	[sflag:s0] =	ssyncadd.s32 $0xFFFFC000  }
0xd0: {  	v5 =	vld [tilespmem:s7+$0xFFFFFFF0]  }
0xd1: {  	v6 =	vld.idx.msk [tilespmem:v2+s26+$0x0], $0xffff  }
0xd2: {  	v7 =	vld [tilespmem:s7+$0xFFFFFF80]  }
0xd3: {  	v8 =	vld [tilespmem:s7+$0xFFFFFFA0]  }
0xd4: {  	v4 =	vld [tilespmem:s7+$0xFFFFFFB0]  }
0xd5: {  	v3 =	vld [tilespmem:s7+$0xFFFFFFD0]  }
0xd6: {  	v10 =	vld [tilespmem:s7+$0xFFFFFF90];
	v5 =	vmul.f32 v5, v6  }
0xd7: {  	v9 =	vld [tilespmem:s7+$0xFFFFFFE0];
	v7 =	vmul.f32 v7, v6  }
0xd8: {  	v11 =	vld [tilespmem:s7+$0xFFFFFFC0];
	v8 =	vmul.f32 v8, v6;
	[tilespmem:s7+$0xFFFFFFF0] =	vst v5  }
0xd9: {  	v4 =	vmul.f32 v4, v6;
	[tilespmem:s7+$0xFFFFFF80] =	vst v7  }
0xda: {  	s14 =	simm.s32 $0x1;
	v3 =	vmul.f32 v3, v6;
	[tilespmem:s7+$0xFFFFFFA0] =	vst v8  }
0xdb: {  	v5 =	vmul.f32 v10, v6;
	[tilespmem:s7+$0xFFFFFFB0] =	vst v4;
	v7 =	vmov s14  }
0xdc: {  	v1 =	vld [tilespmem:s7+$0x0];
	v4 =	vmul.f32 v9, v6;
	[tilespmem:s7+$0xFFFFFFD0] =	vst v3  }
0xdd: {  	v2 =	vld [tilespmem:s7+$0x10];
	v3 =	vmul.f32 v11, v6;
	[tilespmem:s7+$0xFFFFFF90] =	vst v5  }
0xde: {  	[tilespmem:s7+$0xFFFFFFE0] =	vst v4;
	v5 =	vld [tilespmem:s7+$0x30]  }
0xdf: {  	[tilespmem:s7+$0xFFFFFFC0] =	vst v3;
	v4 =	vld [tilespmem:s7+$0x70]  }
0xe0: {  	s12 =	simm.s32 $0x2;
	s13 =	simm.s32 $0x5180;
	v3 =	vld.idx.msk [tilespmem:v7+s26+$0x0], $0xffff  }
.LBB2_5:
0xe1: {  	p0 =	sne.s32 s12, $0x7E  }
0xe2: {  	v6 =	vld [tilespmem:s7+$0x20];
	s13 =	sadd.s32 $0x100, s13;
	s14 =	smov.u32 s12;
	s12 =	sadd.s32 $0x2, s12  }
0xe3: {  	v7 =	vld [tilespmem:s7+$0x40]  }
0xe4: {  	v8 =	vld [tilespmem:s7+$0x50]  }
0xe5: {  	v9 =	vld [tilespmem:s7+$0x60];
	_ =	sdelay $0x1  }
0xe6: {  	v1 =	vmul.f32 v1, v3;
	v2 =	vmul.f32 v2, v3  }
0xe7: {  	v5 =	vmul.f32 v5, v3;
	v6 =	vmul.f32 v6, v3  }
0xe8: {  	v10 =	vmov s14;
	v7 =	vmul.f32 v7, v3;
	[tilespmem:s7+$0x0] =	vst v1;
	v8 =	vmul.f32 v8, v3  }
0xe9: {  	v10 =	vand.u32 $0xFFFFFFFE, v10;
	v1 =	vld [tilespmem:s13+$0x0];
	[tilespmem:s7+$0x30] =	vst v5;
	v5 =	vmul.f32 v9, v3;
	v3 =	vmul.f32 v4, v3  }
0xea: {  	v4 =	vbroadcast v10, $0x0;
	[tilespmem:s7+$0x10] =	vst v2  }
0xeb: {  	[tilespmem:s7+$0x70] =	vst v3  }
0xec: {  	v3 =	vld [tilespmem:s13+$0xFFFFFFD0];
	[tilespmem:s7+$0x20] =	vst v6  }
0xed: {  	v6 =	vld [tilespmem:s13+$0xFFFFFFB0];
	[tilespmem:s7+$0x60] =	vst v5  }
0xee: {  	v5 =	vld [tilespmem:s13+$0xFFFFFFE0];
	[tilespmem:s7+$0x40] =	vst v7  }
0xef: {  	v7 =	vld [tilespmem:s13+$0xFFFFFFF0];
	[tilespmem:s7+$0x50] =	vst v8;
	s7 =	smov.u32 s13  }
0xf0: {  	v4 =	vld.idx.msk [tilespmem:v4+s26+$0x0], $0xffff  }
0xf1: {  	v8 =	vld [tilespmem:s13+$0xFFFFFF80]  }
0xf2: {  	v9 =	vld [tilespmem:s13+$0xFFFFFFA0]  }
0xf3: {  	v10 =	vld [tilespmem:s13+$0xFFFFFF90]  }
0xf4: {  	v11 =	vld [tilespmem:s13+$0xFFFFFFC0]  }
0xf5: {  	v2 =	vld [tilespmem:s13+$0x10]  }
0xf6: {  	v7 =	vmul.f32 v7, v4;
	v8 =	vmul.f32 v8, v4  }
0xf7: {  	v5 =	vmul.f32 v5, v4;
	v9 =	vmul.f32 v9, v4  }
0xf8: {  	v6 =	vmul.f32 v6, v4;
	v10 =	vmul.f32 v10, v4;
	[tilespmem:s13+$0xFFFFFFF0] =	vst v7  }
0xf9: {  	v3 =	vmul.f32 v3, v4;
	[tilespmem:s13+$0xFFFFFF80] =	vst v8;
	v7 =	vmul.f32 v11, v4  }
0xfa: {  	s14 =	sadd.s32 $0x1, s14;
	[tilespmem:s13+$0xFFFFFFA0] =	vst v9  }
0xfb: {  	[tilespmem:s13+$0xFFFFFFB0] =	vst v6;
	v6 =	vmov s14  }
.Ltmp1:
0xfc: {  	[tilespmem:s13+$0xFFFFFFD0] =	vst v3;
	(pc) =	sbr.rel @p0 .LBB2_5-.Ltmp1, $4  }
0xfd: {  	[tilespmem:s13+$0xFFFFFF90] =	vst v10  }
0xfe: {  	[tilespmem:s13+$0xFFFFFFE0] =	vst v5;
	v5 =	vld [tilespmem:s13+$0x30]  }
0xff: {  	[tilespmem:s13+$0xFFFFFFC0] =	vst v7;
	v4 =	vld [tilespmem:s13+$0x70]  }
0x100: {  	v3 =	vld.idx.msk [tilespmem:v6+s26+$0x0], $0xffff  }
0x101: {  	_ =	sdelay $0x1  }
0x102: {  	v6 =	vld [tilespmem:s7+$0x20];
	_ =	sdelay $0x1  }
0x103: {  	v7 =	vld [tilespmem:s7+$0x60];
	v1 =	vmul.f32 v1, v3  }
0x104: {  	v8 =	vld [tilespmem:s7+$0x40];
	v5 =	vmul.f32 v5, v3  }
0x105: {  	v9 =	vld [tilespmem:s7+$0x50];
	v2 =	vmul.f32 v2, v3;
	[tilespmem:s7+$0x0] =	vst v1  }
0x106: {  	v63 =	vmul.f32 v6, v3;
	[tilespmem:s7+$0x30] =	vst v5  }
0x107: {  	v1 =	vmul.f32 v4, v3;
	[tilespmem:s7+$0x10] =	vst v2  }
0x108: {  	v2 =	vmul.f32 v7, v3;
	[tilespmem:s7+$0x20] =	vst v63  }
0x109: {  	[tilespmem:s7+$0x70] =	vst v1;
	v1 =	vmul.f32 v8, v3  }
0x10a: {  	v3 =	vmul.f32 v9, v3;
	[tilespmem:s7+$0x60] =	vst v2  }
0x10b: {  	[tilespmem:s7+$0x40] =	vst v1  }
0x10c: {  	[tilespmem:s7+$0x50] =	vst v3  }
0x10d: {  	[spmem:s2] =	stream.indirect.scatter.add.f32 [tilespmem:s24], [sflag:$0x2], $0x80, s30, s31, $0xb8;
	[tilespmem:$0x1D400] =	vst v63  }
0x10e: {  	s6 =	sadd.s32 $0x1, s6;
	_ =	swait.ge [sflag:s25], $0x4000  }
0x10f: {  	p0 =	sne.s32 s6, $0x4F;
	[sflag:s25] =	ssyncset.done $0x0  }
.Ltmp2:
0x110: {  	[sflag:s25] =	ssyncadd.s32 $0xFFFFC000;
	(pc) =	sbr.rel @p0 .LBB2_4-.Ltmp2, $4  }
0x111: {  	[spmem:s3] =	stream.indirect.scatter.add.f32 [tilespmem:s26], [sflag:$0x2], $0x1, s30, s31, $0xb8;
	[tilespmem:$0x1D400] =	vst v63  }
0x112: {  	_ =	swait.ge [sflag:s25], $0x80  }
0x113: {  	[sflag:s25] =	ssyncset.done $0x0  }
0x114: {  	[sflag:s25] =	ssyncadd.s32 $0xFFFFFF80  }
0x115: {  	s4 =	stileid.u32  }
0x116: {  	s4 =	sshll.u32 s4, $0x6  }
0x117: {  	[bflag:$0x0] =	sbarrier.arrive $0xFFFF;
	s6 =	sshrl.u32 s10, $0x3;
	s4 =	sor.u32 $0x1C02, s4  }
0x118: {  	[hbm:s21], [sflag:s4] =	dma.local [spmem:s6], $0x2800  }
0x119: {  	s14 =	sshrl.u32 s11, $0x3;
	s5 =	sadd.s32 $0x1, s5;
	_ =	swait.ge [sflag:s25], $0x2800  }
0x11a: {  	s7 =	simm.s32 $0x20;
	p0 =	sne.s32 s5, s23;
	[sflag:s25] =	ssyncset.done $0x0  }
.Ltmp3:
0x11b: {  	s12 =	simm.s32 $0x10;
	[sflag:s25] =	ssyncadd.s32 $0xFFFFD800;
	(pc) =	sbr.rel @p0 .LBB2_1-.Ltmp3, $4  }
0x11c: {  	[hbm:s22@s7], [sflag:s4] =	dma.strided [spmem:s14@s12], $0x50, s0, $0x10   }
0x11d: {  	_ =	swait.ge [sflag:s25], $0x50  }
0x11e: {  	[sflag:s25] =	ssyncset.done $0x0  }
0x11f: {  	[sflag:s25] =	ssyncadd.s32 $0xFFFFFFB0  }
0x120: {  	_ =	sfence.sel $0x180000  }
0x121: {  	[bflag:$0x0] =	sbarrier.arrive $0xFFFF  }
0x122: {  	_ =	strace $0x9000004A  }
0x123: {  	s0 =	stileid.u32;
	[bflag:$0x2] =	sbarrier.arrive $0xFFFF  }
0x124: {  	p0 =	sne.s32 s0, $0x0;
	s0 =	rddreg [dreg:$0x4]  }
0x125: {  	s0 =	sadd.s32 @!p0 $0x100000, s0  }
0x126: {  	[sflag:s0] =	ssyncadd.tile.s32 @!p0 $0x1;
	_ =	shalt  }
.Lfunc_end2:
_tile_overlayer_lowered:
.L_overlay_start_2:
0x127: {  	(tag) =	ssettag $0x2  }
0x128: {  	s0 =	rddreg [dreg:$0x0];
	s2 =	stileid.u32  }
0x129: {  	s1 =	rddreg [dreg:$0x1];
	p0 =	sne.s32 s2, $0x0  }
0x12a: {  	s3 =	rddreg [dreg:$0x2];
	[bflag:$0x3] =	sbarrier.arrive $0xFFFF;
	s2 =	simm.s32 @!p0 $0x1C02  }
0x12b: {  	[timem:s3], [sflag:s2] =	dma.local @!p0 [hbm:s0], s1  }
0x12c: {  	s0 =	simm.s32 @!p0 $0x2  }
0x12d: {  	_ =	swait.ge @!p0 [sflag:s0], s1  }
0x12e: {  	s1 =	ssub.s32 @!p0 $0x0, s1;
	[sflag:s0] =	ssyncset.done @!p0 $0x0  }
0x12f: {  	[sflag:s0] =	ssyncadd.s32 @!p0 s1  }
0x130: {  	[bflag:$0x3] =	sbarrier.arrive $0xFFFF  }
0x131: {  	_ =	shalt  }

// kernel: kernel.17.cloned.1.call-start
scs
__scs_entry_jumppad:
0x0: {  	(pc) =	sbr.rel $0x88, $3  }
0x1: {  	(tag) =	ssettag $0x0;
	lr =	simm.s32 $0x1  }
0x2: {  	[smem:$0x3F95] =	sst lr;
	_ =	strace $0xD0000000  }
0x3: {  	_ = 	snop  }
0x4: {  	_ = 	snop  }
0x5: {  	_ = 	snop  }
0x6: {  	_ = 	snop  }
0x7: {  	_ = 	snop  }
__scs_overlays_trampoline_lowered:
0x8: {  	[smem:$0x3FA4] =	sst s0  }
0x9: {  	[smem:$0x3FA5] =	sst s1  }
0xa: {  	[smem:$0x3FA6] =	sst s2  }
0xb: {  	[smem:$0x3FA7] =	sst s3  }
0xc: {  	[smem:$0x3FA8] =	sst s4  }
0xd: {  	[smem:$0x3FA9] =	sst s5  }
0xe: {  	[smem:$0x3FAA] =	sst s6  }
0xf: {  	[smem:$0x3FAB] =	sst s7  }
0x10: {  	[smem:$0x3FAC] =	sst s8  }
0x11: {  	[smem:$0x3FAD] =	sst s9;
	s0 =	simm.s32 @!p0 $0x0  }
0x12: {  	s1 =	sld [smem:$0x3F93];
	s0 =	simm.s32 @p0 $0x1  }
0x13: {  	[smem:$0x3FAE] =	sst s0;
	s0 =	simm.s32 @!p1 $0x0  }
0x14: {  	s2 =	sld [smem:$0x3F92];
	s0 =	simm.s32 @p1 $0x1  }
0x15: {  	[smem:$0x3FAF] =	sst s0;
	s0 =	simm.s32 @!p2 $0x0  }
0x16: {  	s3 =	sld [smem:$0x3FDB];
	s0 =	simm.s32 @p2 $0x1  }
0x17: {  	s4 =	simm.s32 $0x1BF5;
	[smem:$0x3FB1] =	sst s0  }
0x18: {  	s0 =	sld [smem:$0x3F94];
	_ =	swait.ge [sflag:s4], $0x0  }
0x19: {  	s7 =	sld [smem:$0x3F95]  }
0x1a: {  	s8 =	sadd.s32 $0xFFFFE003, lr  }
0x1b: {  	s9 =	sadd.s32 $0xFFFFFEF7, lr;
	s5 =	simm.s32 $0xFFFFFFFF;
	p2 =	slt.u32 s8, $0xFFFFF086  }
0x1c: {  	p1 =	slt.u32 s9, $0xF7A;
	s5 =	simm.s32 @!p2 $0x0  }
0x1d: {  	s5 =	simm.s32 @p1 $0x1;
	p0 =	seq.s32 s7, s2  }
0x1e: {  	s7 =	smul.u32 @!p0 $0xF7A, s2;
	p2 =	seq.s32 @!p0 s5, $0x0  }
0x1f: {  	s9 =	smul.u32 $0xF7A, s1;
	s8 =	simm.s32 @!p0 $0x1BF5;
	p2 =	por !p2, p0  }
0x20: {  	[sflag:s8] =	ssyncset.s32 @!p0 $0xFFFFF086;
	s6 =	sadd.s32 @!p0 s3, s7;
	s7 =	simm.s32 @!p0 $0x108  }
0x21: {  	s3 =	sadd.s32 s3, s9;
	s6 =	sadd.s32 @!p0 $0x88, s6;
	s7 =	simm.s32 @p2 $0x1082  }
0x22: {  	[simem:s7], [sflag:s8] =	dma.local @!p0 [hbm:s6], $0xF7A  }
0x23: {  	s9 =	sor.u32 $0xD0000000, s2;
	s6 =	simm.s32 $0x108;
	_ =	swait.ge @!p0 [sflag:s8], $0x0  }
0x24: {  	s3 =	sadd.s32 $0x88, s3;
	s6 =	simm.s32 @!p1 $0x1082;
	[sflag:s4] =	ssyncset.s32 $0xFFFFF086  }
0x25: {  	[simem:s6], [sflag:s4] =	dma.local [hbm:s3], $0xF7A  }
0x26: {  	[smem:$0x3F95] =	sst s1;
	(tag) =	ssettag s2;
	_ =	strace s9  }
0x27: {  	s1 =	sld [smem:$0x3FA5]  }
0x28: {  	s2 =	sld [smem:$0x3FA6]  }
0x29: {  	s4 =	sld [smem:$0x3FA8]  }
0x2a: {  	p0 =	seq.s32 s5, $0x0;
	s5 =	sld [smem:$0x3FA9]  }
0x2b: {  	s6 =	sld [smem:$0x3FAA]  }
0x2c: {  	s7 =	sld [smem:$0x3FAB]  }
0x2d: {  	s3 =	simm.s32 $0x108;
	s8 =	sld [smem:$0x3FAC]  }
0x2e: {  	s3 =	simm.s32 @!p0 $0x1082;
	s9 =	sld [smem:$0x3FAD]  }
0x2f: {  	lr =	sadd.s32 s0, s3;
	s0 =	sld [smem:$0x3FA4]  }
0x30: {  	s3 =	sld [smem:$0x3FA7]  }
0x31: {  	[smem:$0x3FB0] =	sst s10  }
0x32: {  	s10 =	sld [smem:$0x3FAE];
	_ =	sdelay $0x3  }
0x33: {  	p0 =	seq.s32 s10, $0x1;
	s10 =	sld [smem:$0x3FB0];
	_ =	sdelay $0x3  }
0x34: {  	[smem:$0x3FB0] =	sst s10  }
0x35: {  	s10 =	sld [smem:$0x3FAF];
	_ =	sdelay $0x3  }
0x36: {  	p1 =	seq.s32 s10, $0x1;
	s10 =	sld [smem:$0x3FB0];
	_ =	sdelay $0x3  }
0x37: {  	[smem:$0x3FB0] =	sst s10  }
0x38: {  	s10 =	sld [smem:$0x3FB1]  }
0x39: {  	_ = 	snop;
	(pc) =	sbr.ind lr, $3  }
0x3a: {  	_ = 	snop  }
0x3b: {  	_ = 	snop  }
0x3c: {  	p2 =	seq.s32 s10, $0x1;
	s10 =	sld [smem:$0x3FB0]  }
0x3d: {  	_ =	shalt  }
0x3e: {  	_ =	shalt  }
0x3f: {  	_ =	shalt  }
0x40: {  	_ =	shalt  }
0x41: {  	_ =	shalt  }
0x42: {  	_ =	shalt  }
0x43: {  	_ =	shalt  }
0x44: {  	_ =	shalt  }
0x45: {  	_ =	shalt  }
0x46: {  	_ =	shalt  }
0x47: {  	_ =	shalt  }
0x48: {  	_ =	shalt  }
0x49: {  	_ =	shalt  }
0x4a: {  	_ =	shalt  }
0x4b: {  	_ =	shalt  }
0x4c: {  	_ =	shalt  }
0x4d: {  	_ =	shalt  }
0x4e: {  	_ =	shalt  }
0x4f: {  	_ =	shalt  }
0x50: {  	_ =	shalt  }
0x51: {  	_ =	shalt  }
0x52: {  	_ =	shalt  }
0x53: {  	_ =	shalt  }
0x54: {  	_ =	shalt  }
0x55: {  	_ =	shalt  }
0x56: {  	_ =	shalt  }
0x57: {  	_ =	shalt  }
0x58: {  	_ =	shalt  }
0x59: {  	_ =	shalt  }
0x5a: {  	_ =	shalt  }
0x5b: {  	_ =	shalt  }
0x5c: {  	_ =	shalt  }
0x5d: {  	_ =	shalt  }
0x5e: {  	_ =	shalt  }
0x5f: {  	_ =	shalt  }
0x60: {  	_ =	shalt  }
0x61: {  	_ =	shalt  }
0x62: {  	_ =	shalt  }
0x63: {  	_ =	shalt  }
0x64: {  	_ =	shalt  }
0x65: {  	_ =	shalt  }
0x66: {  	_ =	shalt  }
0x67: {  	_ =	shalt  }
0x68: {  	_ =	shalt  }
0x69: {  	_ =	shalt  }
0x6a: {  	_ =	shalt  }
0x6b: {  	_ =	shalt  }
0x6c: {  	_ =	shalt  }
0x6d: {  	_ =	shalt  }
0x6e: {  	_ =	shalt  }
0x6f: {  	_ =	shalt  }
0x70: {  	_ =	shalt  }
0x71: {  	_ =	shalt  }
0x72: {  	_ =	shalt  }
0x73: {  	_ =	shalt  }
0x74: {  	_ =	shalt  }
0x75: {  	_ =	shalt  }
0x76: {  	_ =	shalt  }
0x77: {  	_ =	shalt  }
0x78: {  	_ =	shalt  }
0x79: {  	_ =	shalt  }
0x7a: {  	_ =	shalt  }
0x7b: {  	_ =	shalt  }
0x7c: {  	_ =	shalt  }
0x7d: {  	_ =	shalt  }
0x7e: {  	_ =	shalt  }
0x7f: {  	_ =	shalt  }
0x80: {  	_ =	shalt  }
0x81: {  	_ =	shalt  }
0x82: {  	_ =	shalt  }
0x83: {  	_ =	shalt  }
0x84: {  	_ =	shalt  }
0x85: {  	_ =	shalt  }
0x86: {  	_ =	shalt  }
0x87: {  	_ =	shalt  }
.Lfunc_end0:
.L_simem_size_0:
called_computation.2_lowered:
.L_overlay_start_0:
0x88: {  	s2 =	sld [smem:$0x3FD9]  }
0x89: {  	s3 =	sld [smem:$0x3FFE];
	_ =	sdelay $0x1  }
0x8a: {  	s1 =	srdreg.scid  }
0x8b: {  	s0 =	sand.u32 $0x1, s1  }
0x8c: {  	s17 =	sshll.u32 s0, $0xA;
	s2 =	sadd.s32 s3, s2  }
0x8d: {  	s2 =	sadd.s32 s2, s17  }
0x8e: {  	[smem:$0x3FBC] =	sst s2  }
0x8f: {  	_ = 	snop  }
0x90: {  	s2 =	sld [smem:$0x3FD0];
	(tm) =	ssettm $0x1  }
0x91: {  	s18 =	sld [smem:$0x3FFB];
	_ =	sdelay $0x3  }
0x92: {  	_ =	strace s18  }
0x93: {  	s3 =	sld [smem:$0x3FFC];
	_ =	sdelay $0x3  }
0x94: {  	_ =	strace s3  }
0x95: {  	s3 =	sld [smem:$0x3FFD];
	_ =	sdelay $0x3  }
0x96: {  	_ =	strace s3  }
0x97: {  	_ =	strace $0x8FFFFFFF  }
0x98: {  	s19 =	sld [smem:$0x3FDB];
	_ =	sdelay $0x1  }
0x99: {  	s4 =	simm.s32 $_scs_section_size  }
0x9a: {  	s5 =	simm.s32 $_size__tile_overlayer_lowered;
	s6 =	simm.s32 $_tile_overlayer_lowered  }
0x9b: {  	s22 =	simm.s32 $0x1BFF;
	s21 =	sshll.u32 s6, $0x1;
	s3 =	sadd.s32 s4, s19  }
0x9c: {  	s7 =	simm.s32 $0x0;
	s20 =	sshll.u32 s5, $0x1;
	s5 =	sadd.s32 s21, s3  }
0x9d: {  	[timem:s7], [sflag:s22] =	dma.local [hbm:s5], s20  }
0x9e: {  	_ =	swait.ge [sflag:s22], s20  }
0x9f: {  	s4 =	ssub.s32 $0x0, s20;
	[sflag:s22] =	ssyncset.done $0x0  }
0xa0: {  	[sflag:s22] =	ssyncadd.s32 s4;
	_ =	sdelay $0x1  }
0xa1: {  	s23 =	simm.s32 $0x1B8B  }
0xa2: {  	_ =	swait.ge [sflag:s23], $0x1  }
0xa3: {  	[sflag:s23] =	ssyncset.done $0x0  }
0xa4: {  	s25 =	simm.s32 $0x1B8E;
	s24 =	sld [smem:$0x3FFE];
	[sflag:s23] =	ssyncadd.s32 $0xFFFFFFFF  }
0xa5: {  	s26 =	simm.s32 $execute0_lowered;
	[smem:$0x3FD2] =	sst s25  }
0xa6: {  	s5 =	sshll.u32 s26, $0x1;
	_ =	strace $0x8000004C;
	[dreg:$0x1] =	wrdreg $0xFFFFFFFF  }
0xa7: {  	s28 =	simm.s32 $_size_execute0_lowered;
	s3 =	sadd.s32 s3, s5;
	[dreg:$0x0] =	wrdreg $0x0  }
0xa8: {  	s5 =	sshll.u32 s28, $0x1;
	[dreg:$0x2] =	wrdreg s3  }
0xa9: {  	[dreg:$0x3] =	wrdreg s5  }
0xaa: {  	[dreg:$0x4] =	wrdreg $0xC0  }
0xab: {  	_ =	task [dreg:s7], $0x5FFFF  }
0xac: {  	[dreg:$0x1] =	wrdreg $0xFFFFFFFF  }
0xad: {  	[dreg:$0x0] =	wrdreg $0x60  }
0xae: {  	[dreg:$0x2] =	wrdreg s2  }
0xaf: {  	[dreg:$0x3] =	wrdreg s24  }
0xb0: {  	[dreg:$0x4] =	wrdreg $0x91800  }
0xb1: {  	[dreg:$0x5] =	wrdreg $0x1D1800  }
0xb2: {  	[dreg:$0x6] =	wrdreg $0x9  }
0xb3: {  	_ =	task.clear_ibuf [dreg:s7], $0x7FFFF;
	_ =	strace $0x9000004C  }
0xb4: {  	s29 =	simm.s32 $0x9;
	_ =	strace $0x8000004E  }
0xb5: {  	_ =	swait.ge [sflag:s29], $0x1  }
0xb6: {  	[sflag:s29] =	ssyncadd.s32 $0xFFFFFFFF  }
0xb7: {  	_ =	strace $0x9000004E  }
0xb8: {  	_ =	sfence  }
0xb9: {  	s30 =	sld [smem:$0x0];
	_ =	sdelay $0x2  }
0xba: {  	s31 =	sshll.u32 s1, $0xD;
	s1 =	sshrl.u32 s1, $0x2  }
0xbb: {  	s3 =	sand.u32 $0x4000, s31;
	s1 =	sadd.s32 s1, s30  }
0xbc: {  	s0 =	sor.u32 s3, s0;
	s1 =	sshll.u32 s1, $0x11  }
0xbd: {  	s0 =	sor.u32 s1, s0  }
0xbe: {  	s0 =	sadd.s32 $0x8F2B, s0  }
0xbf: {  	[sflag:s0] =	ssyncadd.remote.s32 $0x1  }
0xc0: {  	_ =	sfence.sel $0xFFFF  }
0xc1: {  	[dreg:$0x0] =	wrdreg $0xFFFFFFFF;
	(pc) =	sbr.abs _section_cstart, $3  }
0xc2: {  	[dreg:$0x1] =	wrdreg $0xFFFFFFFF  }
0xc3: {  	_ =	task.clear_ibuf [dreg:s7], $0x2FFFF;
	_ =	strace $0x9FFFFFFF  }
0xc4: {  	(tm) =	ssettm $0x7FFFFFFF  }
0xc5: {  	_ =	shalt  }
tec
execute0_lowered:
.L_overlay_start_1:
0x0: {  	(tag) =	ssettag $0x1  }
0x1: {  	s1 =	rddreg [dreg:$0x0]  }
0x2: {  	s0 =	rddreg [dreg:$0x1]  }
0x3: {  	s2 =	rddreg [dreg:$0x2]  }
0x4: {  	s3 =	rddreg [dreg:$0x3]  }
0x5: {  	s4 =	srdreg.scid;
	s5 =	simm.s32 $0x0;
	s13 =	stileid.u32  }
0x6: {  	s28 =	simm.s32 $0x2800;
	s29 =	simm.s32 $0x5000;
	s30 =	simm.s32 $0x5080  }
0x7: {  	s31 =	simm.s32 $0x80;
	s4 =	sand.u32 $0x1, s4;
	s7 =	smul.u32 $0x14000, s13  }
0x8: {  	[smem:$0x7FF] =	sst s5;
	s8 =	sadd.s32 $0x2200, s0;
	s19 =	smul.u32 $0x500, s13  }
0x9: {  	s18 =	sadd.s32 $0x16800, s0;
	s9 =	sadd.s32 $0xC800, s0;
	s11 =	smul.u32 $0x50000, s13  }
0xa: {  	s12 =	smul.u32 $0x280, s13;
	_ =	strace $0x8000004D;
	[dreg:$0x5] =	wrdreg s8  }
0xb: {  	s22 =	sshll.u32 s13, $0x1;
	s6 =	smul.u32 $0x140000, s4;
	[dreg:$0x6] =	wrdreg s18  }
0xc: {  	s8 =	sadd.s32 $0x2800, s0;
	s10 =	sshll.u32 s4, $0x7;
	s20 =	ssub.s32 $0x2, s4  }
0xd: {  	s4 =	sor.u32 s4, s22;
	s21 =	sshrl.u32 s20, $0x1;
	s11 =	sshrl.u32 s11, $0x2  }
0xe: {  	s23 =	sadd.s32 $0x80, s12;
	s15 =	sadd.s32 $0x100, s12;
	s25 =	sadd.s32 $0x180, s12  }
0xf: {  	s6 =	sadd.s32 s7, s6;
	s7 =	sor.u32 s10, s19;
	s10 =	sadd.s32 s11, s2  }
0x10: {  	s11 =	sadd.s32 s12, s3;
	s14 =	sshll.u32 s23, $0x7;
	s13 =	sadd.s32 s23, s3  }
0x11: {  	s24 =	sshll.u32 s15, $0x7;
	s12 =	sadd.s32 $0x200, s12;
	s15 =	sadd.s32 s15, s3  }
0x12: {  	s26 =	sshll.u32 s25, $0x7;
	s17 =	sadd.s32 s25, s3;
	s25 =	simm.s32 $0x2  }
0x13: {  	s6 =	sshrl.u32 s6, $0x3;
	s7 =	sshrl.u32 s7, $0x3;
	s14 =	sadd.s32 s14, s2  }
0x14: {  	[dreg:$0x8] =	wrdreg s13;
	s13 =	sadd.s32 s24, s2;
	s18 =	sshll.u32 s12, $0x7  }
0x15: {  	s16 =	sadd.s32 s26, s2;
	s19 =	sadd.s32 s12, s3;
	s24 =	simm.s32 $0x5100  }
0x16: {  	s26 =	simm.s32 $0x9100;
	s6 =	sadd.s32 s6, s0;
	[dreg:$0x7] =	wrdreg s14  }
0x17: {  	s0 =	sadd.s32 s7, s0;
	s7 =	ssub.s32 s20, s21;
	[dreg:$0x9] =	wrdreg s13  }
0x18: {  	s18 =	sadd.s32 s18, s2;
	s20 =	smul.u32 $0x2800, s4;
	s21 =	sadd.s32 $0x17800, s6  }
0x19: {  	v0 =	vimm.f32 $0.0e+00;
	s22 =	sadd.s32 $0x16E00, s0;
	s23 =	smax.u32 s7, $0x1;
	s0 =	simm.s32 $0x1  }
.LBB2_1:
0x1a: {  	s4 =	simm.s32 $0x0;
	s6 =	simm.s32 $0x200  }
.LBB2_2:
0x1b: {  	p0 =	sne.s32 s6, $0xFE00;
	[tilespmem:s4+$0x5170] =	vst v0  }
0x1c: {  	[tilespmem:s4+$0x5100] =	vst v0  }
0x1d: {  	[tilespmem:s4+$0x5110] =	vst v0  }
.Ltmp0:
0x1e: {  	[tilespmem:s4+$0x5120] =	vst v0;
	(pc) =	sbr.rel @p0 .LBB2_2-.Ltmp0, $4  }
0x1f: {  	[tilespmem:s4+$0x5130] =	vst v0  }
0x20: {  	[tilespmem:s4+$0x5140] =	vst v0  }
0x21: {  	[tilespmem:s4+$0x5150] =	vst v0  }
0x22: {  	[tilespmem:s4+$0x5160] =	vst v0;
	s4 =	sshra.s32 s6, $0x2;
	s6 =	sadd.s32 $0x200, s6  }
0x23: {  	[tilespmem:s4+$0x5170] =	vst v0  }
0x24: {  	[tilespmem:s4+$0x5100] =	vst v0  }
0x25: {  	[tilespmem:s4+$0x5110] =	vst v0  }
0x26: {  	[tilespmem:s4+$0x5120] =	vst v0  }
0x27: {  	[tilespmem:s4+$0x5130] =	vst v0  }
0x28: {  	[tilespmem:s4+$0x5140] =	vst v0  }
0x29: {  	[tilespmem:s4+$0x5150] =	vst v0  }
0x2a: {  	[tilespmem:s4+$0x5160] =	vst v0  }
0x2b: {  	[tilespmem:$0x9100] =	vst v0  }
0x2c: {  	[tilespmem:$0x9110] =	vst v0  }
0x2d: {  	[tilespmem:$0x9120] =	vst v0  }
0x2e: {  	[tilespmem:$0x9130] =	vst v0  }
0x2f: {  	[tilespmem:$0x9140] =	vst v0  }
0x30: {  	[tilespmem:$0x9150] =	vst v0  }
0x31: {  	[tilespmem:$0x9160] =	vst v0  }
0x32: {  	[tilespmem:$0x9170] =	vst v0  }
0x33: {  	[spmem:s10] =	stream.linear.scatter [tilespmem:s24], [sflag:$0x2], $0x4000, $0x38;
	[tilespmem:$0x1D400] =	vst v63  }
0x34: {  	_ =	swait.ge [sflag:s25], $0x4000  }
0x35: {  	[sflag:s25] =	ssyncset.done $0x0  }
0x36: {  	[sflag:s25] =	ssyncadd.s32 $0xFFFFC000  }
0x37: {  	[spmem:s11] =	stream.linear.scatter [tilespmem:s26], [sflag:$0x2], $0x80, $0x38;
	[tilespmem:$0x1D400] =	vst v63  }
0x38: {  	_ =	swait.ge [sflag:s25], $0x80  }
0x39: {  	[sflag:s25] =	ssyncset.done $0x0  }
0x3a: {  	s7 =	rddreg [dreg:$0x7];
	[sflag:s25] =	ssyncadd.s32 $0xFFFFFF80  }
0x3b: {  	[spmem:s7] =	stream.linear.scatter [tilespmem:s24], [sflag:$0x2], $0x4000, $0x38;
	[tilespmem:$0x1D400] =	vst v63  }
0x3c: {  	_ =	swait.ge [sflag:s25], $0x4000  }
0x3d: {  	[sflag:s25] =	ssyncset.done $0x0  }
0x3e: {  	s12 =	rddreg [dreg:$0x8];
	[sflag:s25] =	ssyncadd.s32 $0xFFFFC000  }
0x3f: {  	[spmem:s12] =	stream.linear.scatter [tilespmem:s26], [sflag:$0x2], $0x80, $0x38;
	[tilespmem:$0x1D400] =	vst v63  }
0x40: {  	_ =	swait.ge [sflag:s25], $0x80  }
0x41: {  	[sflag:s25] =	ssyncset.done $0x0  }
0x42: {  	s13 =	rddreg [dreg:$0x9];
	[sflag:s25] =	ssyncadd.s32 $0xFFFFFF80  }
0x43: {  	[spmem:s13] =	stream.linear.scatter [tilespmem:s24], [sflag:$0x2], $0x4000, $0x38;
	[tilespmem:$0x1D400] =	vst v63  }
0x44: {  	_ =	swait.ge [sflag:s25], $0x4000  }
0x45: {  	[sflag:s25] =	ssyncset.done $0x0  }
0x46: {  	[sflag:s25] =	ssyncadd.s32 $0xFFFFC000  }
0x47: {  	[spmem:s15] =	stream.linear.scatter [tilespmem:s26], [sflag:$0x2], $0x80, $0x38;
	[tilespmem:$0x1D400] =	vst v63  }
0x48: {  	_ =	swait.ge [sflag:s25], $0x80  }
0x49: {  	[sflag:s25] =	ssyncset.done $0x0  }
0x4a: {  	[sflag:s25] =	ssyncadd.s32 $0xFFFFFF80  }
0x4b: {  	[spmem:s16] =	stream.linear.scatter [tilespmem:s24], [sflag:$0x2], $0x4000, $0x38;
	[tilespmem:$0x1D400] =	vst v63  }
0x4c: {  	_ =	swait.ge [sflag:s25], $0x4000  }
0x4d: {  	[sflag:s25] =	ssyncset.done $0x0  }
0x4e: {  	[sflag:s25] =	ssyncadd.s32 $0xFFFFC000  }
0x4f: {  	[spmem:s17] =	stream.linear.scatter [tilespmem:s26], [sflag:$0x2], $0x80, $0x38;
	[tilespmem:$0x1D400] =	vst v63  }
0x50: {  	_ =	swait.ge [sflag:s25], $0x80  }
0x51: {  	[sflag:s25] =	ssyncset.done $0x0  }
0x52: {  	[sflag:s25] =	ssyncadd.s32 $0xFFFFFF80  }
0x53: {  	[spmem:s18] =	stream.linear.scatter [tilespmem:s24], [sflag:$0x2], $0x4000, $0x38;
	[tilespmem:$0x1D400] =	vst v63  }
0x54: {  	_ =	swait.ge [sflag:s25], $0x4000  }
0x55: {  	[sflag:s25] =	ssyncset.done $0x0  }
0x56: {  	[sflag:s25] =	ssyncadd.s32 $0xFFFFC000  }
0x57: {  	[spmem:s19] =	stream.linear.scatter [tilespmem:s26], [sflag:$0x2], $0x80, $0x38;
	[tilespmem:$0x1D400] =	vst v63  }
0x58: {  	_ =	swait.ge [sflag:s25], $0x80  }
0x59: {  	[sflag:s25] =	ssyncset.done $0x0  }
0x5a: {  	s4 =	simm.s32 $0x0;
	s6 =	rddreg [dreg:$0x5];
	[sflag:s25] =	ssyncadd.s32 $0xFFFFFF80  }
0x5b: {  	[tilespmem:s4], [sflag:$0x2] =	stream.linear.gather [hbm4b:s6+s4], $0x2800, $0x38;
	[tilespmem:$0x1D400] =	vst v63  }
0x5c: {  	_ =	swait.ge [sflag:s25], $0x2800  }
0x5d: {  	[sflag:s25] =	ssyncset.done $0x0  }
0x5e: {  	s14 =	rddreg [dreg:$0x6];
	[sflag:s25] =	ssyncadd.s32 $0xFFFFD800  }
0x5f: {  	[tilespmem:s28], [sflag:$0x2] =	stream.linear.gather [hbm4b:s14+s4], $0x2800, $0x38;
	[tilespmem:$0x1D400] =	vst v63  }
0x60: {  	_ =	swait.ge [sflag:s25], $0x2800  }
0x61: {  	[sflag:s25] =	ssyncset.done $0x0  }
0x62: {  	[sflag:s25] =	ssyncadd.s32 $0xFFFFD800  }
0x63: {  	s6 =	simm.s32 $0x0;
	[bflag:$0x0] =	sbarrier.arrive $0xFFFF  }
.LBB2_4:
0x64: {  	s7 =	sshll.u32 s6, $0x7  }
0x65: {  	s12 =	sand.u32 $0x3C00, s7  }
0x66: {  	s7 =	sand.u32 $0x380, s7;
	s12 =	sadd.s32 s20, s12  }
0x67: {  	s7 =	sor.u32 s7, s12  }
0x68: {  	s7 =	sshrl.u32 s7, $0x3  }
0x69: {  	s13 =	sadd.s32 s8, s7  }
0x6a: {  	[tilespmem:s29], [sflag:$0x2] =	stream.linear.gather [hbm4b:s13+s4], $0x80, $0x38;
	[tilespmem:$0x1D400] =	vst v63  }
0x6b: {  	_ =	swait.ge [sflag:s25], $0x80  }
0x6c: {  	[sflag:s25] =	ssyncset.done $0x0  }
0x6d: {  	s7 =	sadd.s32 s9, s7;
	[sflag:s25] =	ssyncadd.s32 $0xFFFFFF80  }
0x6e: {  	[tilespmem:s30], [sflag:$0x2] =	stream.linear.gather [hbm4b:s7+s4], $0x80, $0x38;
	[tilespmem:$0x1D400] =	vst v63  }
0x6f: {  	_ =	swait.ge [sflag:s25], $0x80  }
0x70: {  	[sflag:s25] =	ssyncset.done $0x0  }
0x71: {  	[sflag:s25] =	ssyncadd.s32 $0xFFFFFF80  }
0x72: {  	[tilespmem:s24], [sflag:$0x1] =	stream.indirect.gather [hbm4b:s1+s31], $0x80, s29, s31, $0xb8;
	[tilespmem:$0x1D400] =	vst v63  }
0x73: {  	v1 =	vld [tilespmem:$0x5000]  }
0x74: {  	v2 =	vld [tilespmem:$0x5080];
	_ =	sdelay $0x6  }
0x75: {  	v1 =	vld.idx.msk [tilespmem:v1+s4+$0x0], $0xffff  }
0x76: {  	v2 =	vld.idx.msk [tilespmem:v2+s28+$0x0], $0xffff;
	_ =	sdelay $0x4  }
0x77: {  	v1 =	vadd.f32 v2, v1;
	_ =	sdelay $0x1  }
0x78: {  	v2 =	vmul.f32 $2.000000030e-01, v1;
	_ =	sdelay $0x1  }
0x79: {  	v1 =	vmax.f32 v1, v2  }
0x7a: {  	v1 =	vmul.f32 $1.442695020e+00, v1;
	_ =	sdelay $0x1  }
0x7b: {  	(erf) = vpow2.f32 v1;
	_ =	sdelay $0x2  }
0x7c: {  	v1 =	vld [tilespmem:$0x5010]  }
0x7d: {  	v2 =	vld [tilespmem:$0x5090];
	_ =	sdelay $0x4  }
0x7e: {  	v3 =	vpop (erf)  }
0x7f: {  	[tilespmem:$0x9100] =	vst v3  }
0x80: {  	v1 =	vld.idx.msk [tilespmem:v1+s4+$0x0], $0xffff  }
0x81: {  	v2 =	vld.idx.msk [tilespmem:v2+s28+$0x0], $0xffff;
	_ =	sdelay $0x4  }
0x82: {  	v1 =	vadd.f32 v2, v1;
	_ =	sdelay $0x1  }
0x83: {  	v2 =	vmul.f32 $2.000000030e-01, v1;
	_ =	sdelay $0x1  }
0x84: {  	v1 =	vmax.f32 v1, v2  }
0x85: {  	v1 =	vmul.f32 $1.442695020e+00, v1;
	_ =	sdelay $0x1  }
0x86: {  	(erf) = vpow2.f32 v1;
	_ =	sdelay $0x2  }
0x87: {  	v1 =	vld [tilespmem:$0x5020]  }
0x88: {  	v2 =	vld [tilespmem:$0x50A0];
	_ =	sdelay $0x4  }
0x89: {  	v3 =	vpop (erf)  }
0x8a: {  	[tilespmem:$0x9110] =	vst v3  }
0x8b: {  	v1 =	vld.idx.msk [tilespmem:v1+s4+$0x0], $0xffff  }
0x8c: {  	v2 =	vld.idx.msk [tilespmem:v2+s28+$0x0], $0xffff;
	_ =	sdelay $0x4  }
0x8d: {  	v1 =	vadd.f32 v2, v1;
	_ =	sdelay $0x1  }
0x8e: {  	v2 =	vmul.f32 $2.000000030e-01, v1;
	_ =	sdelay $0x1  }
0x8f: {  	v1 =	vmax.f32 v1, v2  }
0x90: {  	v1 =	vmul.f32 $1.442695020e+00, v1;
	_ =	sdelay $0x1  }
0x91: {  	(erf) = vpow2.f32 v1;
	_ =	sdelay $0x2  }
0x92: {  	v1 =	vld [tilespmem:$0x5030]  }
0x93: {  	v2 =	vld [tilespmem:$0x50B0];
	_ =	sdelay $0x4  }
0x94: {  	v3 =	vpop (erf)  }
0x95: {  	[tilespmem:$0x9120] =	vst v3  }
0x96: {  	v1 =	vld.idx.msk [tilespmem:v1+s4+$0x0], $0xffff  }
0x97: {  	v2 =	vld.idx.msk [tilespmem:v2+s28+$0x0], $0xffff;
	_ =	sdelay $0x4  }
0x98: {  	v1 =	vadd.f32 v2, v1;
	_ =	sdelay $0x1  }
0x99: {  	v2 =	vmul.f32 $2.000000030e-01, v1;
	_ =	sdelay $0x1  }
0x9a: {  	v1 =	vmax.f32 v1, v2  }
0x9b: {  	v1 =	vmul.f32 $1.442695020e+00, v1;
	_ =	sdelay $0x1  }
0x9c: {  	(erf) = vpow2.f32 v1;
	_ =	sdelay $0x2  }
0x9d: {  	v1 =	vld [tilespmem:$0x5040]  }
0x9e: {  	v2 =	vld [tilespmem:$0x50C0];
	_ =	sdelay $0x4  }
0x9f: {  	v3 =	vpop (erf)  }
0xa0: {  	[tilespmem:$0x9130] =	vst v3  }
0xa1: {  	v1 =	vld.idx.msk [tilespmem:v1+s4+$0x0], $0xffff  }
0xa2: {  	v2 =	vld.idx.msk [tilespmem:v2+s28+$0x0], $0xffff;
	_ =	sdelay $0x4  }
0xa3: {  	v1 =	vadd.f32 v2, v1;
	_ =	sdelay $0x1  }
0xa4: {  	v2 =	vmul.f32 $2.000000030e-01, v1;
	_ =	sdelay $0x1  }
0xa5: {  	v1 =	vmax.f32 v1, v2  }
0xa6: {  	v1 =	vmul.f32 $1.442695020e+00, v1;
	_ =	sdelay $0x1  }
0xa7: {  	(erf) = vpow2.f32 v1;
	_ =	sdelay $0x2  }
0xa8: {  	v1 =	vld [tilespmem:$0x5050]  }
0xa9: {  	v2 =	vld [tilespmem:$0x50D0];
	_ =	sdelay $0x4  }
0xaa: {  	v3 =	vpop (erf)  }
0xab: {  	[tilespmem:$0x9140] =	vst v3  }
0xac: {  	v1 =	vld.idx.msk [tilespmem:v1+s4+$0x0], $0xffff  }
0xad: {  	v2 =	vld.idx.msk [tilespmem:v2+s28+$0x0], $0xffff;
	_ =	sdelay $0x4  }
0xae: {  	v1 =	vadd.f32 v2, v1;
	_ =	sdelay $0x1  }
0xaf: {  	v2 =	vmul.f32 $2.000000030e-01, v1;
	_ =	sdelay $0x1  }
0xb0: {  	v1 =	vmax.f32 v1, v2  }
0xb1: {  	v1 =	vmul.f32 $1.442695020e+00, v1;
	_ =	sdelay $0x1  }
0xb2: {  	(erf) = vpow2.f32 v1;
	_ =	sdelay $0x2  }
0xb3: {  	v1 =	vld [tilespmem:$0x5060]  }
0xb4: {  	v2 =	vld [tilespmem:$0x50E0];
	_ =	sdelay $0x4  }
0xb5: {  	v3 =	vpop (erf)  }
0xb6: {  	[tilespmem:$0x9150] =	vst v3  }
0xb7: {  	v1 =	vld.idx.msk [tilespmem:v1+s4+$0x0], $0xffff  }
0xb8: {  	v2 =	vld.idx.msk [tilespmem:v2+s28+$0x0], $0xffff;
	_ =	sdelay $0x4  }
0xb9: {  	v1 =	vadd.f32 v2, v1;
	_ =	sdelay $0x1  }
0xba: {  	v2 =	vmul.f32 $2.000000030e-01, v1;
	_ =	sdelay $0x1  }
0xbb: {  	v1 =	vmax.f32 v1, v2  }
0xbc: {  	v1 =	vmul.f32 $1.442695020e+00, v1;
	_ =	sdelay $0x1  }
0xbd: {  	(erf) = vpow2.f32 v1;
	_ =	sdelay $0x2  }
0xbe: {  	v1 =	vld [tilespmem:$0x5070]  }
0xbf: {  	v2 =	vld [tilespmem:$0x50F0];
	_ =	sdelay $0x4  }
0xc0: {  	v3 =	vpop (erf)  }
0xc1: {  	[tilespmem:$0x9160] =	vst v3  }
0xc2: {  	v1 =	vld.idx.msk [tilespmem:v1+s4+$0x0], $0xffff  }
0xc3: {  	v2 =	vld.idx.msk [tilespmem:v2+s28+$0x0], $0xffff;
	_ =	sdelay $0x4  }
0xc4: {  	v1 =	vadd.f32 v2, v1;
	_ =	sdelay $0x1  }
0xc5: {  	v2 =	vmul.f32 $2.000000030e-01, v1;
	_ =	sdelay $0x1  }
0xc6: {  	v1 =	vmax.f32 v1, v2  }
0xc7: {  	v1 =	vmul.f32 $1.442695020e+00, v1;
	_ =	sdelay $0x1  }
0xc8: {  	(erf) = vpow2.f32 v1;
	_ =	sdelay $0x8  }
0xc9: {  	v1 =	vpop (erf)  }
0xca: {  	[tilespmem:$0x9170] =	vst v1;
	v1 =	vmov s4  }
0xcb: {  	v1 =	vand.u32 $0xFFFFFFFE, v1  }
0xcc: {  	v2 =	vbroadcast v1, $0x0;
	_ =	sdelay $0x1  }
0xcd: {  	_ =	swait.ge [sflag:s0], $0x4000  }
0xce: {  	[sflag:s0] =	ssyncset.done $0x0  }
0xcf: {  	s7 =	simm.s32 $0x5180;
	[sflag:s0] =	ssyncadd.s32 $0xFFFFC000  }
0xd0: {  	v5 =	vld [tilespmem:s7+$0xFFFFFFF0]  }
0xd1: {  	v6 =	vld.idx.msk [tilespmem:v2+s26+$0x0], $0xffff  }
0xd2: {  	v7 =	vld [tilespmem:s7+$0xFFFFFF80]  }
0xd3: {  	v8 =	vld [tilespmem:s7+$0xFFFFFFA0]  }
0xd4: {  	v4 =	vld [tilespmem:s7+$0xFFFFFFB0]  }
0xd5: {  	v3 =	vld [tilespmem:s7+$0xFFFFFFD0]  }
0xd6: {  	v10 =	vld [tilespmem:s7+$0xFFFFFF90];
	v5 =	vmul.f32 v5, v6  }
0xd7: {  	v9 =	vld [tilespmem:s7+$0xFFFFFFE0];
	v7 =	vmul.f32 v7, v6  }
0xd8: {  	v11 =	vld [tilespmem:s7+$0xFFFFFFC0];
	v8 =	vmul.f32 v8, v6;
	[tilespmem:s7+$0xFFFFFFF0] =	vst v5  }
0xd9: {  	v4 =	vmul.f32 v4, v6;
	[tilespmem:s7+$0xFFFFFF80] =	vst v7  }
0xda: {  	s14 =	simm.s32 $0x1;
	v3 =	vmul.f32 v3, v6;
	[tilespmem:s7+$0xFFFFFFA0] =	vst v8  }
0xdb: {  	v5 =	vmul.f32 v10, v6;
	[tilespmem:s7+$0xFFFFFFB0] =	vst v4;
	v7 =	vmov s14  }
0xdc: {  	v1 =	vld [tilespmem:s7+$0x0];
	v4 =	vmul.f32 v9, v6;
	[tilespmem:s7+$0xFFFFFFD0] =	vst v3  }
0xdd: {  	v2 =	vld [tilespmem:s7+$0x10];
	v3 =	vmul.f32 v11, v6;
	[tilespmem:s7+$0xFFFFFF90] =	vst v5  }
0xde: {  	[tilespmem:s7+$0xFFFFFFE0] =	vst v4;
	v5 =	vld [tilespmem:s7+$0x30]  }
0xdf: {  	[tilespmem:s7+$0xFFFFFFC0] =	vst v3;
	v4 =	vld [tilespmem:s7+$0x70]  }
0xe0: {  	s12 =	simm.s32 $0x2;
	s13 =	simm.s32 $0x5180;
	v3 =	vld.idx.msk [tilespmem:v7+s26+$0x0], $0xffff  }
.LBB2_5:
0xe1: {  	p0 =	sne.s32 s12, $0x7E  }
0xe2: {  	v6 =	vld [tilespmem:s7+$0x20];
	s13 =	sadd.s32 $0x100, s13;
	s14 =	smov.u32 s12;
	s12 =	sadd.s32 $0x2, s12  }
0xe3: {  	v7 =	vld [tilespmem:s7+$0x40]  }
0xe4: {  	v8 =	vld [tilespmem:s7+$0x50]  }
0xe5: {  	v9 =	vld [tilespmem:s7+$0x60];
	_ =	sdelay $0x1  }
0xe6: {  	v1 =	vmul.f32 v1, v3;
	v2 =	vmul.f32 v2, v3  }
0xe7: {  	v5 =	vmul.f32 v5, v3;
	v6 =	vmul.f32 v6, v3  }
0xe8: {  	v10 =	vmov s14;
	v7 =	vmul.f32 v7, v3;
	[tilespmem:s7+$0x0] =	vst v1;
	v8 =	vmul.f32 v8, v3  }
0xe9: {  	v10 =	vand.u32 $0xFFFFFFFE, v10;
	v1 =	vld [tilespmem:s13+$0x0];
	[tilespmem:s7+$0x30] =	vst v5;
	v5 =	vmul.f32 v9, v3;
	v3 =	vmul.f32 v4, v3  }
0xea: {  	v4 =	vbroadcast v10, $0x0;
	[tilespmem:s7+$0x10] =	vst v2  }
0xeb: {  	[tilespmem:s7+$0x70] =	vst v3  }
0xec: {  	v3 =	vld [tilespmem:s13+$0xFFFFFFD0];
	[tilespmem:s7+$0x20] =	vst v6  }
0xed: {  	v6 =	vld [tilespmem:s13+$0xFFFFFFB0];
	[tilespmem:s7+$0x60] =	vst v5  }
0xee: {  	v5 =	vld [tilespmem:s13+$0xFFFFFFE0];
	[tilespmem:s7+$0x40] =	vst v7  }
0xef: {  	v7 =	vld [tilespmem:s13+$0xFFFFFFF0];
	[tilespmem:s7+$0x50] =	vst v8;
	s7 =	smov.u32 s13  }
0xf0: {  	v4 =	vld.idx.msk [tilespmem:v4+s26+$0x0], $0xffff  }
0xf1: {  	v8 =	vld [tilespmem:s13+$0xFFFFFF80]  }
0xf2: {  	v9 =	vld [tilespmem:s13+$0xFFFFFFA0]  }
0xf3: {  	v10 =	vld [tilespmem:s13+$0xFFFFFF90]  }
0xf4: {  	v11 =	vld [tilespmem:s13+$0xFFFFFFC0]  }
0xf5: {  	v2 =	vld [tilespmem:s13+$0x10]  }
0xf6: {  	v7 =	vmul.f32 v7, v4;
	v8 =	vmul.f32 v8, v4  }
0xf7: {  	v5 =	vmul.f32 v5, v4;
	v9 =	vmul.f32 v9, v4  }
0xf8: {  	v6 =	vmul.f32 v6, v4;
	v10 =	vmul.f32 v10, v4;
	[tilespmem:s13+$0xFFFFFFF0] =	vst v7  }
0xf9: {  	v3 =	vmul.f32 v3, v4;
	[tilespmem:s13+$0xFFFFFF80] =	vst v8;
	v7 =	vmul.f32 v11, v4  }
0xfa: {  	s14 =	sadd.s32 $0x1, s14;
	[tilespmem:s13+$0xFFFFFFA0] =	vst v9  }
0xfb: {  	[tilespmem:s13+$0xFFFFFFB0] =	vst v6;
	v6 =	vmov s14  }
.Ltmp1:
0xfc: {  	[tilespmem:s13+$0xFFFFFFD0] =	vst v3;
	(pc) =	sbr.rel @p0 .LBB2_5-.Ltmp1, $4  }
0xfd: {  	[tilespmem:s13+$0xFFFFFF90] =	vst v10  }
0xfe: {  	[tilespmem:s13+$0xFFFFFFE0] =	vst v5;
	v5 =	vld [tilespmem:s13+$0x30]  }
0xff: {  	[tilespmem:s13+$0xFFFFFFC0] =	vst v7;
	v4 =	vld [tilespmem:s13+$0x70]  }
0x100: {  	v3 =	vld.idx.msk [tilespmem:v6+s26+$0x0], $0xffff  }
0x101: {  	_ =	sdelay $0x1  }
0x102: {  	v6 =	vld [tilespmem:s7+$0x20];
	_ =	sdelay $0x1  }
0x103: {  	v7 =	vld [tilespmem:s7+$0x60];
	v1 =	vmul.f32 v1, v3  }
0x104: {  	v8 =	vld [tilespmem:s7+$0x40];
	v5 =	vmul.f32 v5, v3  }
0x105: {  	v9 =	vld [tilespmem:s7+$0x50];
	v2 =	vmul.f32 v2, v3;
	[tilespmem:s7+$0x0] =	vst v1  }
0x106: {  	v63 =	vmul.f32 v6, v3;
	[tilespmem:s7+$0x30] =	vst v5  }
0x107: {  	v1 =	vmul.f32 v4, v3;
	[tilespmem:s7+$0x10] =	vst v2  }
0x108: {  	v2 =	vmul.f32 v7, v3;
	[tilespmem:s7+$0x20] =	vst v63  }
0x109: {  	[tilespmem:s7+$0x70] =	vst v1;
	v1 =	vmul.f32 v8, v3  }
0x10a: {  	v3 =	vmul.f32 v9, v3;
	[tilespmem:s7+$0x60] =	vst v2  }
0x10b: {  	[tilespmem:s7+$0x40] =	vst v1  }
0x10c: {  	[tilespmem:s7+$0x50] =	vst v3  }
0x10d: {  	[spmem:s2] =	stream.indirect.scatter.add.f32 [tilespmem:s24], [sflag:$0x2], $0x80, s30, s31, $0xb8;
	[tilespmem:$0x1D400] =	vst v63  }
0x10e: {  	s6 =	sadd.s32 $0x1, s6;
	_ =	swait.ge [sflag:s25], $0x4000  }
0x10f: {  	p0 =	sne.s32 s6, $0x4F;
	[sflag:s25] =	ssyncset.done $0x0  }
.Ltmp2:
0x110: {  	[sflag:s25] =	ssyncadd.s32 $0xFFFFC000;
	(pc) =	sbr.rel @p0 .LBB2_4-.Ltmp2, $4  }
0x111: {  	[spmem:s3] =	stream.indirect.scatter.add.f32 [tilespmem:s26], [sflag:$0x2], $0x1, s30, s31, $0xb8;
	[tilespmem:$0x1D400] =	vst v63  }
0x112: {  	_ =	swait.ge [sflag:s25], $0x80  }
0x113: {  	[sflag:s25] =	ssyncset.done $0x0  }
0x114: {  	[sflag:s25] =	ssyncadd.s32 $0xFFFFFF80  }
0x115: {  	s4 =	stileid.u32  }
0x116: {  	s4 =	sshll.u32 s4, $0x6  }
0x117: {  	[bflag:$0x0] =	sbarrier.arrive $0xFFFF;
	s6 =	sshrl.u32 s10, $0x3;
	s4 =	sor.u32 $0x1C02, s4  }
0x118: {  	[hbm:s21], [sflag:s4] =	dma.local [spmem:s6], $0x2800  }
0x119: {  	s14 =	sshrl.u32 s11, $0x3;
	s5 =	sadd.s32 $0x1, s5;
	_ =	swait.ge [sflag:s25], $0x2800  }
0x11a: {  	s7 =	simm.s32 $0x20;
	p0 =	sne.s32 s5, s23;
	[sflag:s25] =	ssyncset.done $0x0  }
.Ltmp3:
0x11b: {  	s12 =	simm.s32 $0x10;
	[sflag:s25] =	ssyncadd.s32 $0xFFFFD800;
	(pc) =	sbr.rel @p0 .LBB2_1-.Ltmp3, $4  }
0x11c: {  	[hbm:s22@s7], [sflag:s4] =	dma.strided [spmem:s14@s12], $0x50, s0, $0x10   }
0x11d: {  	_ =	swait.ge [sflag:s25], $0x50  }
0x11e: {  	[sflag:s25] =	ssyncset.done $0x0  }
0x11f: {  	[sflag:s25] =	ssyncadd.s32 $0xFFFFFFB0  }
0x120: {  	_ =	sfence.sel $0x180000  }
0x121: {  	[bflag:$0x0] =	sbarrier.arrive $0xFFFF  }
0x122: {  	_ =	strace $0x9000004D  }
0x123: {  	s0 =	stileid.u32;
	[bflag:$0x2] =	sbarrier.arrive $0xFFFF  }
0x124: {  	p0 =	sne.s32 s0, $0x0;
	s0 =	rddreg [dreg:$0x4]  }
0x125: {  	s0 =	sadd.s32 @!p0 $0x100000, s0  }
0x126: {  	[sflag:s0] =	ssyncadd.tile.s32 @!p0 $0x1;
	_ =	shalt  }
.Lfunc_end2:
_tile_overlayer_lowered:
.L_overlay_start_2:
0x127: {  	(tag) =	ssettag $0x2  }
0x128: {  	s0 =	rddreg [dreg:$0x0];
	s2 =	stileid.u32  }
0x129: {  	s1 =	rddreg [dreg:$0x1];
	p0 =	sne.s32 s2, $0x0  }
0x12a: {  	s3 =	rddreg [dreg:$0x2];
	[bflag:$0x3] =	sbarrier.arrive $0xFFFF;
	s2 =	simm.s32 @!p0 $0x1C02  }
0x12b: {  	[timem:s3], [sflag:s2] =	dma.local @!p0 [hbm:s0], s1  }
0x12c: {  	s0 =	simm.s32 @!p0 $0x2  }
0x12d: {  	_ =	swait.ge @!p0 [sflag:s0], s1  }
0x12e: {  	s1 =	ssub.s32 @!p0 $0x0, s1;
	[sflag:s0] =	ssyncset.done @!p0 $0x0  }
0x12f: {  	[sflag:s0] =	ssyncadd.s32 @!p0 s1  }
0x130: {  	[bflag:$0x3] =	sbarrier.arrive $0xFFFF  }
0x131: {  	_ =	shalt  }

</sc_bundles>
